<compile_context>
chip_gen: v7x
topology: tpu7x:2x2x1
jax: 0.10.2.dev20260603
libtpu: 0.0.44.dev20260713+nightly
codegen_flags: <defaults>
</compile_context>

<pallas_src>
import functools

import jax
import jax.numpy as jnp
from jax import lax
from jax.experimental import pallas as pl
from jax.experimental.pallas import tpu as pltpu
from jax.experimental.pallas import tpu_sc as plsc

N = 10000
F = 128
E = 320000
NC, NS = 2, 16
NW = NC * NS
CH = 128
CPW = 80
EPAD = NW * CPW * CH
HALF = CPW // 2
NP = 10240
NJ = NP - N
RT = NP // NS

_sc_mesh = plsc.VectorSubcoreMesh(
    core_axis_name="c", subcore_axis_name="s", num_cores=NC, num_subcores=NS)


@functools.partial(
    pl.kernel,
    out_type=jax.ShapeDtypeStruct((NC, NP, 16), jnp.float32),
    mesh=_sc_mesh,
    scratch_types=[
        pltpu.VMEM((CPW, CH), jnp.int32),
        pltpu.VMEM((CH, 16), jnp.float32),
        pltpu.SemaphoreType.DMA,
        pltpu.VMEM_SHARED((NP, 16), jnp.float32),
    ],
)
def _degree_kernel(col_hbm, ones_hbm, z16_hbm, hist_hbm, idx_v, ones_v, sem,
                   acc):
    cid = lax.axis_index("c")
    sid = lax.axis_index("s")
    wid = sid * NC + cid
    pltpu.sync_copy(z16_hbm.at[pl.ds(sid * RT, RT)], acc.at[pl.ds(sid * RT, RT)])
    pltpu.sync_copy(ones_hbm, ones_v)
    pltpu.sync_copy(col_hbm.at[wid], idx_v)
    plsc.subcore_barrier()

    def body(grp, c):
        for k in range(16):
            pltpu.async_copy(ones_v, acc.at[idx_v.at[grp * 16 + k]], sem,
                             add=True)
        for k in range(16):
            pltpu.make_async_copy(ones_v, acc.at[idx_v.at[grp * 16 + k]],
                                  sem).wait()
        return c

    lax.fori_loop(0, CPW // 16, body, 0)
    plsc.subcore_barrier()
    pltpu.sync_copy(acc.at[pl.ds(sid * RT, RT)],
                    hist_hbm.at[cid, pl.ds(sid * RT, RT)])


@functools.partial(
    pl.kernel,
    out_type=jax.ShapeDtypeStruct((NC, NP, F), jnp.float32),
    mesh=_sc_mesh,
    scratch_types=[
        pltpu.VMEM((HALF, CH), jnp.int32),
        pltpu.VMEM((HALF, CH), jnp.int32),
        pltpu.VMEM((CH, F), jnp.float32),
        pltpu.VMEM((CH, F), jnp.float32),
        pltpu.SemaphoreType.DMA,
        pltpu.SemaphoreType.DMA,
        pltpu.VMEM_SHARED((NP, F), jnp.float32),
    ],
)
def _prop_kernel(xs_hbm, row_hbm, col_hbm, z128_hbm, g_hbm,
                 rowi_v, coli_v, rows0_v, rows1_v, sem0, sem1, acc):
    cid = lax.axis_index("c")
    sid = lax.axis_index("s")
    wid = sid * NC + cid
    pltpu.sync_copy(z128_hbm.at[pl.ds(sid * RT, RT)], acc.at[pl.ds(sid * RT, RT)])
    plsc.subcore_barrier()

    def half_body(h, carry):
        pltpu.sync_copy(row_hbm.at[wid, pl.ds(h * HALF, HALF)], rowi_v)
        pltpu.sync_copy(col_hbm.at[wid, pl.ds(h * HALF, HALF)], coli_v)
        pltpu.async_copy(xs_hbm.at[rowi_v.at[0]], rows0_v, sem0)

        def body(i, c):
            j = 2 * i
            pltpu.async_copy(xs_hbm.at[rowi_v.at[j + 1]], rows1_v, sem1)
            pltpu.make_async_copy(xs_hbm.at[rowi_v.at[j]], rows0_v, sem0).wait()
            pltpu.sync_copy(rows0_v, acc.at[coli_v.at[j]], add=True)
            pltpu.async_copy(xs_hbm.at[rowi_v.at[j + 2]], rows0_v, sem0)
            pltpu.make_async_copy(xs_hbm.at[rowi_v.at[j + 1]], rows1_v, sem1).wait()
            pltpu.sync_copy(rows1_v, acc.at[coli_v.at[j + 1]], add=True)
            return c

        lax.fori_loop(0, HALF // 2 - 1, body, 0)
        pltpu.async_copy(xs_hbm.at[rowi_v.at[HALF - 1]], rows1_v, sem1)
        pltpu.make_async_copy(xs_hbm.at[rowi_v.at[HALF - 2]], rows0_v, sem0).wait()
        pltpu.sync_copy(rows0_v, acc.at[coli_v.at[HALF - 2]], add=True)
        pltpu.make_async_copy(xs_hbm.at[rowi_v.at[HALF - 1]], rows1_v, sem1).wait()
        pltpu.sync_copy(rows1_v, acc.at[coli_v.at[HALF - 1]], add=True)
        return carry

    lax.fori_loop(0, 2, half_body, 0)
    plsc.subcore_barrier()
    pltpu.sync_copy(acc.at[pl.ds(sid * RT, RT)],
                    g_hbm.at[cid, pl.ds(sid * RT, RT)])


_BLK = 2000


def _scale_body(hist_ref, x_ref, xs_ref, dinv_ref):
    deg = hist_ref[0, :, 0:1] + hist_ref[1, :, 0:1] + 1.0
    dinv = lax.rsqrt(deg)
    xs_ref[...] = dinv * x_ref[...]
    dinv_ref[...] = jnp.broadcast_to(dinv, (_BLK, 16))


def _mid_body(g_ref, xs_ref, dinv_ref, w_ref, b_ref, xs2_ref):
    dinv = dinv_ref[:, 0:1]
    p = dinv * (g_ref[0] + g_ref[1] + xs_ref[...])
    h = jnp.dot(p, w_ref[...], preferred_element_type=jnp.float32) + b_ref[...]
    xs2_ref[...] = dinv * h


def _out_body(g_ref, xs2_ref, dinv_ref, w2_ref, b2_ref, w3_ref, b3_ref,
              m_ref, s_ref):
    dinv = dinv_ref[:, 0:1]
    p = dinv * (g_ref[0] + g_ref[1] + xs2_ref[...])
    m_ref[...] = jnp.maximum(
        jnp.dot(p, w2_ref[...], preferred_element_type=jnp.float32) + b2_ref[...], 0.0)
    s_ref[...] = jnp.maximum(
        jnp.dot(p, w3_ref[...], preferred_element_type=jnp.float32) + b3_ref[...], 0.0)


def _row_spec(i):
    return (i, 0)


def _pair_spec(i):
    return (0, i, 0)


def _full_spec(i):
    return (0, 0)


def kernel(x, edge_index, W1, b1, W2, b2, W3, b3):
    ei = edge_index.astype(jnp.int32)
    pad = EPAD - E
    padi = jnp.arange(pad, dtype=jnp.int32) % NJ
    row3 = jnp.concatenate([ei[0], padi]).reshape(NW, CPW, CH)
    col3 = jnp.concatenate([ei[1], N + padi]).reshape(NW, CPW, CH)
    ones16 = jnp.concatenate(
        [jnp.ones((CH, 1), jnp.float32), jnp.zeros((CH, 15), jnp.float32)], axis=1)
    z16 = jnp.zeros((NP, 16), jnp.float32)
    z128 = jnp.zeros((NP, F), jnp.float32)
    b1r, b2r, b3r = b1.reshape(1, F), b2.reshape(1, F), b3.reshape(1, F)

    hist = _degree_kernel(col3, ones16, z16)

    grid = (N // _BLK,)
    xs1, dinv16 = pl.pallas_call(
        _scale_body,
        grid=grid,
        in_specs=[pl.BlockSpec((NC, _BLK, 16), _pair_spec),
                  pl.BlockSpec((_BLK, F), _row_spec)],
        out_specs=[pl.BlockSpec((_BLK, F), _row_spec),
                   pl.BlockSpec((_BLK, 16), _row_spec)],
        out_shape=[jax.ShapeDtypeStruct((N, F), jnp.float32),
                   jax.ShapeDtypeStruct((N, 16), jnp.float32)],
    )(hist, x)

    g1 = _prop_kernel(xs1, row3, col3, z128)

    xs2 = pl.pallas_call(
        _mid_body,
        grid=grid,
        in_specs=[pl.BlockSpec((NC, _BLK, F), _pair_spec),
                  pl.BlockSpec((_BLK, F), _row_spec),
                  pl.BlockSpec((_BLK, 16), _row_spec),
                  pl.BlockSpec((F, F), _full_spec),
                  pl.BlockSpec((1, F), _full_spec)],
        out_specs=pl.BlockSpec((_BLK, F), _row_spec),
        out_shape=jax.ShapeDtypeStruct((N, F), jnp.float32),
    )(g1, xs1, dinv16, W1, b1r)

    g2 = _prop_kernel(xs2, row3, col3, z128)

    m, s = pl.pallas_call(
        _out_body,
        grid=grid,
        in_specs=[pl.BlockSpec((NC, _BLK, F), _pair_spec),
                  pl.BlockSpec((_BLK, F), _row_spec),
                  pl.BlockSpec((_BLK, 16), _row_spec),
                  pl.BlockSpec((F, F), _full_spec),
                  pl.BlockSpec((1, F), _full_spec),
                  pl.BlockSpec((F, F), _full_spec),
                  pl.BlockSpec((1, F), _full_spec)],
        out_specs=[pl.BlockSpec((_BLK, F), _row_spec),
                   pl.BlockSpec((_BLK, F), _row_spec)],
        out_shape=[jax.ShapeDtypeStruct((N, F), jnp.float32),
                   jax.ShapeDtypeStruct((N, F), jnp.float32)],
    )(g2, xs2, dinv16, W2, b2r, W3, b3r)

    return (m, s)

# --- scband reference (transcript-rebuilt; emitter-appended) ---
"""Pipeline reference for scband-edge-predictor-44624710205916 (READ-ONLY COPY).

The authoritative reference and input builder live on the scoring server;
editing this copy changes nothing except your own understanding.
"""

import jax, jax.numpy as jnp
import numpy as np

N_NODES = 10000

def gcn_conv(x, edge_index, W, b, num_nodes):
    # Linear transform
    xw = x @ W
    # Add self loops (PyG GCNConv default add_self_loops=True)
    loop = jnp.arange(num_nodes, dtype=edge_index.dtype)
    row = jnp.concatenate([edge_index[0], loop])
    col = jnp.concatenate([edge_index[1], loop])
    # Symmetric normalization: deg computed over destination (col)
    ones = jnp.ones(row.shape[0], dtype=xw.dtype)
    deg = jnp.zeros((num_nodes,), dtype=xw.dtype).at[col].add(ones)
    dinv = jnp.where(deg > 0, deg ** -0.5, 0.0)
    norm = dinv[row] * dinv[col]
    # Message passing: gather from src (row), scatter-add to dst (col)
    msgs = norm[:, None] * xw[row]
    out = jnp.zeros_like(xw).at[col].add(msgs)
    return out + b

def setup_inputs(seed: int = 0) -> dict:
    key = jax.random.key(seed)
    k1, k2, k3, k4, k5 = jax.random.split(key, 5)
    in_ch, hid = 128, 128
    x = jax.random.normal(k1, (N_NODES, in_ch), dtype=jnp.float32)
    edge_index = jax.random.randint(k2, (2, 320000), 0, N_NODES, dtype=jnp.int64)
    s1 = (1.0 / np.sqrt(in_ch)).astype(np.float32) if isinstance(np.sqrt(in_ch), np.ndarray) else 1.0 / np.sqrt(in_ch)
    W1 = jax.random.normal(k3, (in_ch, hid), dtype=jnp.float32) * (1.0 / np.sqrt(in_ch))
    b1 = jnp.zeros((hid,), dtype=jnp.float32)
    W2 = jax.random.normal(k4, (hid, in_ch), dtype=jnp.float32) * (1.0 / np.sqrt(hid))
    b2 = jnp.zeros((in_ch,), dtype=jnp.float32)
    W3 = jax.random.normal(k5, (hid, in_ch), dtype=jnp.float32) * (1.0 / np.sqrt(hid))
    b3 = jnp.zeros((in_ch,), dtype=jnp.float32)
    return {"x": x, "edge_index": edge_index, "W1": W1, "b1": b1, "W2": W2, "b2": b2, "W3": W3, "b3": b3}

def reference(x, edge_index, W1, b1, W2, b2, W3, b3):
    h = gcn_conv(x, edge_index, W1, b1, N_NODES)
    m = jax.nn.relu(gcn_conv(h, edge_index, W2, b2, N_NODES))
    s = jax.nn.relu(gcn_conv(h, edge_index, W3, b3, N_NODES))
    return (m, s)

if __name__ == "__main__":
    import jax
    _d = setup_inputs()
    print(jax.jit(kernel)(*tuple(_d.values())))

</pallas_src>

<mosaic_0001>
#map = affine_map<(d0, d1) -> (0, 0)>
#map1 = affine_map<(d0, d1) -> (0, 0, 0)>
module attributes {stable_mosaic.version = 14 : i64} {
  func.func @_prop_kernel(%arg0: i32, %arg1: i32, %arg2: memref<10000x128xf32, #tpu.memory_space<hbm>>, %arg3: memref<32x80x128xi32, #tpu.memory_space<hbm>>, %arg4: memref<32x80x128xi32, #tpu.memory_space<hbm>>, %arg5: memref<10240x128xf32, #tpu.memory_space<hbm>>, %arg6: memref<2x10240x128xf32, #tpu.memory_space<hbm>>, %arg7: memref<40x128xi32, #tpu.memory_space<vmem>>, %arg8: memref<40x128xi32, #tpu.memory_space<vmem>>, %arg9: memref<128x128xf32, #tpu.memory_space<vmem>>, %arg10: memref<128x128xf32, #tpu.memory_space<vmem>>, %arg11: memref<!tpu.dma_semaphore, #tpu.memory_space<semaphore_mem>>, %arg12: memref<!tpu.dma_semaphore, #tpu.memory_space<semaphore_mem>>, %arg13: memref<10240x128xf32, #tpu.memory_space<vmem_shared>>) attributes {dimension_semantics = [#tpu.dimension_semantics<core_parallel>, #tpu.dimension_semantics<subcore_parallel>], iteration_bounds = array<i64: 2, 16>, scalar_prefetch = 0 : i64, scratch_operands = 7 : i64, tpu.core_type = #tpu.core_type<sc_vector_subcore>, window_params = [{transform_indices = #map}, {transform_indices = #map1}, {transform_indices = #map1}, {transform_indices = #map}, {transform_indices = #map1}]} {
    %mul3A = arith.constant 2 : i32
    %mul3A_0 = arith.muli %arg1, %mul3A : i32
    %add3A = arith.addi %mul3A_0, %arg0 : i32
    %mul3A_1 = arith.constant 640 : i32
    %mul3A_2 = arith.muli %arg1, %mul3A_1 : i32
    %mul3A_3 = arith.constant 640 : i32
    %mul3A_4 = arith.muli %arg1, %mul3A_3 : i32
    "tpu.region"() ({
      %run_scoped3A = tpu.sem_alloc : memref<!tpu.dma_semaphore, #tpu.memory_space<semaphore_mem>>
      %dma_start3A = arith.constant 0 : i32
      %dma_start3A_15 = tpu.memref_slice %arg13[%mul3A_4, %dma_start3A] : memref<10240x128xf32, #tpu.memory_space<vmem_shared>> -> memref<640x128xf32, #tpu.memory_space<vmem_shared>>
      %dma_start3A_16 = arith.constant 0 : i32
      %dma_start3A_17 = tpu.memref_slice %arg5[%mul3A_2, %dma_start3A_16] : memref<10240x128xf32, #tpu.memory_space<hbm>> -> memref<640x128xf32, #tpu.memory_space<hbm>>
      tpu.enqueue_dma source(%dma_start3A_17 : memref<640x128xf32, #tpu.memory_space<hbm>>) target(%dma_start3A_15 : memref<640x128xf32, #tpu.memory_space<vmem_shared>>) target_semaphore(%run_scoped3A : memref<!tpu.dma_semaphore, #tpu.memory_space<semaphore_mem>>)
      %dma_wait3A = arith.constant 0 : i32
      %dma_wait3A_18 = tpu.memref_slice %arg13[%mul3A_4, %dma_wait3A] : memref<10240x128xf32, #tpu.memory_space<vmem_shared>> -> memref<640x128xf32, #tpu.memory_space<vmem_shared>>
      %dma_wait3A_19 = arith.constant 0 : i32
      %dma_wait3A_20 = tpu.memref_slice %arg5[%mul3A_2, %dma_wait3A_19] : memref<10240x128xf32, #tpu.memory_space<hbm>> -> memref<640x128xf32, #tpu.memory_space<hbm>>
      tpu.wait_dma2 semaphore(%run_scoped3A : memref<!tpu.dma_semaphore, #tpu.memory_space<semaphore_mem>>) src(%dma_wait3A_20 : memref<640x128xf32, #tpu.memory_space<hbm>>) dst(%dma_wait3A_18 : memref<640x128xf32, #tpu.memory_space<vmem_shared>>)
      tpu.yield
    }) : () -> ()
    %barrier3A = arith.constant 0 : index
    tpu.barrier barrier_id(%barrier3A)
    %scan3A = arith.constant 0 : i32
    %scan3A_5 = arith.constant 0 : i32
    %scan3A_6 = arith.constant 2 : i32
    %scan3A_7 = arith.addi %scan3A_5, %scan3A_6 : i32
    %scan3A_8 = arith.constant 1 : i32
    scf.for %scan3A_15 = %scan3A_5 to %scan3A_7 step %scan3A_8  : i32 {
      %mul3A_16 = arith.constant 40 : i32
      %mul3A_17 = arith.muli %scan3A_15, %mul3A_16 : i32
      "tpu.region"() ({
        %run_scoped3A_53 = tpu.sem_alloc : memref<!tpu.dma_semaphore, #tpu.memory_space<semaphore_mem>>
        %dma_start3A_54 = arith.constant 0 : i32
        %dma_start3A_55 = tpu.memref_slice %arg3[%add3A, %mul3A_17, %dma_start3A_54] : memref<32x80x128xi32, #tpu.memory_space<hbm>> -> memref<1x40x128xi32, #tpu.memory_space<hbm>>
        %dma_start3A_56 = tpu.memref_squeeze %dma_start3A_55 : memref<1x40x128xi32, #tpu.memory_space<hbm>> -> memref<40x128xi32, #tpu.memory_space<hbm>>
        %dma_start3A_57 = arith.constant 0 : i32
        %dma_start3A_58 = tpu.memref_slice %arg3[%add3A, %mul3A_17, %dma_start3A_57] : memref<32x80x128xi32, #tpu.memory_space<hbm>> -> memref<1x40x128xi32, #tpu.memory_space<hbm>>
        %dma_start3A_59 = tpu.memref_squeeze %dma_start3A_58 : memref<1x40x128xi32, #tpu.memory_space<hbm>> -> memref<40x128xi32, #tpu.memory_space<hbm>>
        tpu.enqueue_dma source(%dma_start3A_59 : memref<40x128xi32, #tpu.memory_space<hbm>>) target(%arg7 : memref<40x128xi32, #tpu.memory_space<vmem>>) target_semaphore(%run_scoped3A_53 : memref<!tpu.dma_semaphore, #tpu.memory_space<semaphore_mem>>)
        %dma_wait3A_60 = arith.constant 0 : i32
        %dma_wait3A_61 = tpu.memref_slice %arg3[%add3A, %mul3A_17, %dma_wait3A_60] : memref<32x80x128xi32, #tpu.memory_space<hbm>> -> memref<1x40x128xi32, #tpu.memory_space<hbm>>
        %dma_wait3A_62 = tpu.memref_squeeze %dma_wait3A_61 : memref<1x40x128xi32, #tpu.memory_space<hbm>> -> memref<40x128xi32, #tpu.memory_space<hbm>>
        %dma_wait3A_63 = arith.constant 0 : i32
        %dma_wait3A_64 = tpu.memref_slice %arg3[%add3A, %mul3A_17, %dma_wait3A_63] : memref<32x80x128xi32, #tpu.memory_space<hbm>> -> memref<1x40x128xi32, #tpu.memory_space<hbm>>
        %dma_wait3A_65 = tpu.memref_squeeze %dma_wait3A_64 : memref<1x40x128xi32, #tpu.memory_space<hbm>> -> memref<40x128xi32, #tpu.memory_space<hbm>>
        tpu.wait_dma2 semaphore(%run_scoped3A_53 : memref<!tpu.dma_semaphore, #tpu.memory_space<semaphore_mem>>) src(%dma_wait3A_65 : memref<40x128xi32, #tpu.memory_space<hbm>>) dst(%arg7 : memref<40x128xi32, #tpu.memory_space<vmem>>)
        tpu.yield
      }) : () -> ()
      %mul3A_18 = arith.constant 40 : i32
      %mul3A_19 = arith.muli %scan3A_15, %mul3A_18 : i32
      "tpu.region"() ({
        %run_scoped3A_53 = tpu.sem_alloc : memref<!tpu.dma_semaphore, #tpu.memory_space<semaphore_mem>>
        %dma_start3A_54 = arith.constant 0 : i32
        %dma_start3A_55 = tpu.memref_slice %arg4[%add3A, %mul3A_19, %dma_start3A_54] : memref<32x80x128xi32, #tpu.memory_space<hbm>> -> memref<1x40x128xi32, #tpu.memory_space<hbm>>
        %dma_start3A_56 = tpu.memref_squeeze %dma_start3A_55 : memref<1x40x128xi32, #tpu.memory_space<hbm>> -> memref<40x128xi32, #tpu.memory_space<hbm>>
        %dma_start3A_57 = arith.constant 0 : i32
        %dma_start3A_58 = tpu.memref_slice %arg4[%add3A, %mul3A_19, %dma_start3A_57] : memref<32x80x128xi32, #tpu.memory_space<hbm>> -> memref<1x40x128xi32, #tpu.memory_space<hbm>>
        %dma_start3A_59 = tpu.memref_squeeze %dma_start3A_58 : memref<1x40x128xi32, #tpu.memory_space<hbm>> -> memref<40x128xi32, #tpu.memory_space<hbm>>
        tpu.enqueue_dma source(%dma_start3A_59 : memref<40x128xi32, #tpu.memory_space<hbm>>) target(%arg8 : memref<40x128xi32, #tpu.memory_space<vmem>>) target_semaphore(%run_scoped3A_53 : memref<!tpu.dma_semaphore, #tpu.memory_space<semaphore_mem>>)
        %dma_wait3A_60 = arith.constant 0 : i32
        %dma_wait3A_61 = tpu.memref_slice %arg4[%add3A, %mul3A_19, %dma_wait3A_60] : memref<32x80x128xi32, #tpu.memory_space<hbm>> -> memref<1x40x128xi32, #tpu.memory_space<hbm>>
        %dma_wait3A_62 = tpu.memref_squeeze %dma_wait3A_61 : memref<1x40x128xi32, #tpu.memory_space<hbm>> -> memref<40x128xi32, #tpu.memory_space<hbm>>
        %dma_wait3A_63 = arith.constant 0 : i32
        %dma_wait3A_64 = tpu.memref_slice %arg4[%add3A, %mul3A_19, %dma_wait3A_63] : memref<32x80x128xi32, #tpu.memory_space<hbm>> -> memref<1x40x128xi32, #tpu.memory_space<hbm>>
        %dma_wait3A_65 = tpu.memref_squeeze %dma_wait3A_64 : memref<1x40x128xi32, #tpu.memory_space<hbm>> -> memref<40x128xi32, #tpu.memory_space<hbm>>
        tpu.wait_dma2 semaphore(%run_scoped3A_53 : memref<!tpu.dma_semaphore, #tpu.memory_space<semaphore_mem>>) src(%dma_wait3A_65 : memref<40x128xi32, #tpu.memory_space<hbm>>) dst(%arg8 : memref<40x128xi32, #tpu.memory_space<vmem>>)
        tpu.yield
      }) : () -> ()
      %dma_start3A = arith.constant 0 : i32
      %dma_start3A_20 = arith.constant 0 : i32
      %dma_start3A_21 = tpu.memref_slice %arg7[%dma_start3A, %dma_start3A_20] : memref<40x128xi32, #tpu.memory_space<vmem>> -> memref<1x128xi32, #tpu.memory_space<vmem>>
      %dma_start3A_22 = tpu.memref_squeeze %dma_start3A_21 : memref<1x128xi32, #tpu.memory_space<vmem>> -> memref<128xi32, #tpu.memory_space<vmem>>
      %dma_start3A_23 = arith.constant 0 : i32
      %dma_start3A_24 = arith.constant 0 : i32
      %dma_start3A_25 = tpu.memref_slice %arg2[%dma_start3A_23, %dma_start3A_24] : memref<10000x128xf32, #tpu.memory_space<hbm>> -> memref<10000x128xf32, #tpu.memory_space<hbm>>
      tpu.enqueue_indirect_dma source(%dma_start3A_25 : memref<10000x128xf32, #tpu.memory_space<hbm>>) target(%arg9 : memref<128x128xf32, #tpu.memory_space<vmem>>) offsets(%dma_start3A_22 : memref<128xi32, #tpu.memory_space<vmem>>) semaphore(%arg11 : memref<!tpu.dma_semaphore, #tpu.memory_space<semaphore_mem>>)
      %scan3A_26 = arith.constant 0 : i32
      %scan3A_27 = arith.constant 0 : i32
      %scan3A_28 = arith.constant 19 : i32
      %scan3A_29 = arith.addi %scan3A_27, %scan3A_28 : i32
      %scan3A_30 = arith.constant 1 : i32
      scf.for %scan3A_53 = %scan3A_27 to %scan3A_29 step %scan3A_30  : i32 {
        %mul3A_54 = arith.constant 2 : i32
        %mul3A_55 = arith.muli %mul3A_54, %scan3A_53 : i32
        %add3A_56 = arith.constant 1 : i32
        %add3A_57 = arith.addi %mul3A_55, %add3A_56 : i32
        %dma_start3A_58 = arith.constant 0 : i32
        %dma_start3A_59 = tpu.memref_slice %arg7[%add3A_57, %dma_start3A_58] : memref<40x128xi32, #tpu.memory_space<vmem>> -> memref<1x128xi32, #tpu.memory_space<vmem>>
        %dma_start3A_60 = tpu.memref_squeeze %dma_start3A_59 : memref<1x128xi32, #tpu.memory_space<vmem>> -> memref<128xi32, #tpu.memory_space<vmem>>
        %dma_start3A_61 = arith.constant 0 : i32
        %dma_start3A_62 = arith.constant 0 : i32
        %dma_start3A_63 = tpu.memref_slice %arg2[%dma_start3A_61, %dma_start3A_62] : memref<10000x128xf32, #tpu.memory_space<hbm>> -> memref<10000x128xf32, #tpu.memory_space<hbm>>
        tpu.enqueue_indirect_dma source(%dma_start3A_63 : memref<10000x128xf32, #tpu.memory_space<hbm>>) target(%arg10 : memref<128x128xf32, #tpu.memory_space<vmem>>) offsets(%dma_start3A_60 : memref<128xi32, #tpu.memory_space<vmem>>) semaphore(%arg12 : memref<!tpu.dma_semaphore, #tpu.memory_space<semaphore_mem>>)
        %dma_wait3A_64 = arith.constant 0 : i32
        %dma_wait3A_65 = tpu.memref_slice %arg7[%mul3A_55, %dma_wait3A_64] : memref<40x128xi32, #tpu.memory_space<vmem>> -> memref<1x128xi32, #tpu.memory_space<vmem>>
        %dma_wait3A_66 = tpu.memref_squeeze %dma_wait3A_65 : memref<1x128xi32, #tpu.memory_space<vmem>> -> memref<128xi32, #tpu.memory_space<vmem>>
        %dma_wait3A_67 = arith.constant 0 : i32
        %dma_wait3A_68 = arith.constant 0 : i32
        %dma_wait3A_69 = tpu.memref_slice %arg2[%dma_wait3A_67, %dma_wait3A_68] : memref<10000x128xf32, #tpu.memory_space<hbm>> -> memref<10000x128xf32, #tpu.memory_space<hbm>>
        tpu.wait_indirect_dma semaphore(%arg11 : memref<!tpu.dma_semaphore, #tpu.memory_space<semaphore_mem>>) src(%dma_wait3A_69 : memref<10000x128xf32, #tpu.memory_space<hbm>>) dst(%arg9 : memref<128x128xf32, #tpu.memory_space<vmem>>)
        "tpu.region"() ({
          %run_scoped3A_88 = tpu.sem_alloc : memref<!tpu.dma_semaphore, #tpu.memory_space<semaphore_mem>>
          %dma_start3A_89 = arith.constant 0 : i32
          %dma_start3A_90 = tpu.memref_slice %arg8[%mul3A_55, %dma_start3A_89] : memref<40x128xi32, #tpu.memory_space<vmem>> -> memref<1x128xi32, #tpu.memory_space<vmem>>
          %dma_start3A_91 = tpu.memref_squeeze %dma_start3A_90 : memref<1x128xi32, #tpu.memory_space<vmem>> -> memref<128xi32, #tpu.memory_space<vmem>>
          %dma_start3A_92 = arith.constant 0 : i32
          %dma_start3A_93 = arith.constant 0 : i32
          %dma_start3A_94 = tpu.memref_slice %arg13[%dma_start3A_92, %dma_start3A_93] : memref<10240x128xf32, #tpu.memory_space<vmem_shared>> -> memref<10240x128xf32, #tpu.memory_space<vmem_shared>>
          tpu.enqueue_indirect_dma source(%arg9 : memref<128x128xf32, #tpu.memory_space<vmem>>) target(%dma_start3A_94 : memref<10240x128xf32, #tpu.memory_space<vmem_shared>>) offsets(%dma_start3A_91 : memref<128xi32, #tpu.memory_space<vmem>>) semaphore(%run_scoped3A_88 : memref<!tpu.dma_semaphore, #tpu.memory_space<semaphore_mem>>) {add = true}
          %dma_wait3A_95 = arith.constant 0 : i32
          %dma_wait3A_96 = tpu.memref_slice %arg8[%mul3A_55, %dma_wait3A_95] : memref<40x128xi32, #tpu.memory_space<vmem>> -> memref<1x128xi32, #tpu.memory_space<vmem>>
          %dma_wait3A_97 = tpu.memref_squeeze %dma_wait3A_96 : memref<1x128xi32, #tpu.memory_space<vmem>> -> memref<128xi32, #tpu.memory_space<vmem>>
          %dma_wait3A_98 = arith.constant 0 : i32
          %dma_wait3A_99 = arith.constant 0 : i32
          %dma_wait3A_100 = tpu.memref_slice %arg13[%dma_wait3A_98, %dma_wait3A_99] : memref<10240x128xf32, #tpu.memory_space<vmem_shared>> -> memref<10240x128xf32, #tpu.memory_space<vmem_shared>>
          tpu.wait_indirect_dma semaphore(%run_scoped3A_88 : memref<!tpu.dma_semaphore, #tpu.memory_space<semaphore_mem>>) src(%arg9 : memref<128x128xf32, #tpu.memory_space<vmem>>) dst(%dma_wait3A_100 : memref<10240x128xf32, #tpu.memory_space<vmem_shared>>)
          tpu.yield
        }) : () -> ()
        %add3A_70 = arith.constant 2 : i32
        %add3A_71 = arith.addi %mul3A_55, %add3A_70 : i32
        %dma_start3A_72 = arith.constant 0 : i32
        %dma_start3A_73 = tpu.memref_slice %arg7[%add3A_71, %dma_start3A_72] : memref<40x128xi32, #tpu.memory_space<vmem>> -> memref<1x128xi32, #tpu.memory_space<vmem>>
        %dma_start3A_74 = tpu.memref_squeeze %dma_start3A_73 : memref<1x128xi32, #tpu.memory_space<vmem>> -> memref<128xi32, #tpu.memory_space<vmem>>
        %dma_start3A_75 = arith.constant 0 : i32
        %dma_start3A_76 = arith.constant 0 : i32
        %dma_start3A_77 = tpu.memref_slice %arg2[%dma_start3A_75, %dma_start3A_76] : memref<10000x128xf32, #tpu.memory_space<hbm>> -> memref<10000x128xf32, #tpu.memory_space<hbm>>
        tpu.enqueue_indirect_dma source(%dma_start3A_77 : memref<10000x128xf32, #tpu.memory_space<hbm>>) target(%arg9 : memref<128x128xf32, #tpu.memory_space<vmem>>) offsets(%dma_start3A_74 : memref<128xi32, #tpu.memory_space<vmem>>) semaphore(%arg11 : memref<!tpu.dma_semaphore, #tpu.memory_space<semaphore_mem>>)
        %add3A_78 = arith.constant 1 : i32
        %add3A_79 = arith.addi %mul3A_55, %add3A_78 : i32
        %dma_wait3A_80 = arith.constant 0 : i32
        %dma_wait3A_81 = tpu.memref_slice %arg7[%add3A_79, %dma_wait3A_80] : memref<40x128xi32, #tpu.memory_space<vmem>> -> memref<1x128xi32, #tpu.memory_space<vmem>>
        %dma_wait3A_82 = tpu.memref_squeeze %dma_wait3A_81 : memref<1x128xi32, #tpu.memory_space<vmem>> -> memref<128xi32, #tpu.memory_space<vmem>>
        %dma_wait3A_83 = arith.constant 0 : i32
        %dma_wait3A_84 = arith.constant 0 : i32
        %dma_wait3A_85 = tpu.memref_slice %arg2[%dma_wait3A_83, %dma_wait3A_84] : memref<10000x128xf32, #tpu.memory_space<hbm>> -> memref<10000x128xf32, #tpu.memory_space<hbm>>
        tpu.wait_indirect_dma semaphore(%arg12 : memref<!tpu.dma_semaphore, #tpu.memory_space<semaphore_mem>>) src(%dma_wait3A_85 : memref<10000x128xf32, #tpu.memory_space<hbm>>) dst(%arg10 : memref<128x128xf32, #tpu.memory_space<vmem>>)
        %add3A_86 = arith.constant 1 : i32
        %add3A_87 = arith.addi %mul3A_55, %add3A_86 : i32
        "tpu.region"() ({
          %run_scoped3A_88 = tpu.sem_alloc : memref<!tpu.dma_semaphore, #tpu.memory_space<semaphore_mem>>
          %dma_start3A_89 = arith.constant 0 : i32
          %dma_start3A_90 = tpu.memref_slice %arg8[%add3A_87, %dma_start3A_89] : memref<40x128xi32, #tpu.memory_space<vmem>> -> memref<1x128xi32, #tpu.memory_space<vmem>>
          %dma_start3A_91 = tpu.memref_squeeze %dma_start3A_90 : memref<1x128xi32, #tpu.memory_space<vmem>> -> memref<128xi32, #tpu.memory_space<vmem>>
          %dma_start3A_92 = arith.constant 0 : i32
          %dma_start3A_93 = arith.constant 0 : i32
          %dma_start3A_94 = tpu.memref_slice %arg13[%dma_start3A_92, %dma_start3A_93] : memref<10240x128xf32, #tpu.memory_space<vmem_shared>> -> memref<10240x128xf32, #tpu.memory_space<vmem_shared>>
          tpu.enqueue_indirect_dma source(%arg10 : memref<128x128xf32, #tpu.memory_space<vmem>>) target(%dma_start3A_94 : memref<10240x128xf32, #tpu.memory_space<vmem_shared>>) offsets(%dma_start3A_91 : memref<128xi32, #tpu.memory_space<vmem>>) semaphore(%run_scoped3A_88 : memref<!tpu.dma_semaphore, #tpu.memory_space<semaphore_mem>>) {add = true}
          %dma_wait3A_95 = arith.constant 0 : i32
          %dma_wait3A_96 = tpu.memref_slice %arg8[%add3A_87, %dma_wait3A_95] : memref<40x128xi32, #tpu.memory_space<vmem>> -> memref<1x128xi32, #tpu.memory_space<vmem>>
          %dma_wait3A_97 = tpu.memref_squeeze %dma_wait3A_96 : memref<1x128xi32, #tpu.memory_space<vmem>> -> memref<128xi32, #tpu.memory_space<vmem>>
          %dma_wait3A_98 = arith.constant 0 : i32
          %dma_wait3A_99 = arith.constant 0 : i32
          %dma_wait3A_100 = tpu.memref_slice %arg13[%dma_wait3A_98, %dma_wait3A_99] : memref<10240x128xf32, #tpu.memory_space<vmem_shared>> -> memref<10240x128xf32, #tpu.memory_space<vmem_shared>>
          tpu.wait_indirect_dma semaphore(%run_scoped3A_88 : memref<!tpu.dma_semaphore, #tpu.memory_space<semaphore_mem>>) src(%arg10 : memref<128x128xf32, #tpu.memory_space<vmem>>) dst(%dma_wait3A_100 : memref<10240x128xf32, #tpu.memory_space<vmem_shared>>)
          tpu.yield
        }) : () -> ()
      }
      %scan3A_31 = arith.constant 19 : i32
      %dma_start3A_32 = arith.constant 39 : i32
      %dma_start3A_33 = arith.constant 0 : i32
      %dma_start3A_34 = tpu.memref_slice %arg7[%dma_start3A_32, %dma_start3A_33] : memref<40x128xi32, #tpu.memory_space<vmem>> -> memref<1x128xi32, #tpu.memory_space<vmem>>
      %dma_start3A_35 = tpu.memref_squeeze %dma_start3A_34 : memref<1x128xi32, #tpu.memory_space<vmem>> -> memref<128xi32, #tpu.memory_space<vmem>>
      %dma_start3A_36 = arith.constant 0 : i32
      %dma_start3A_37 = arith.constant 0 : i32
      %dma_start3A_38 = tpu.memref_slice %arg2[%dma_start3A_36, %dma_start3A_37] : memref<10000x128xf32, #tpu.memory_space<hbm>> -> memref<10000x128xf32, #tpu.memory_space<hbm>>
      tpu.enqueue_indirect_dma source(%dma_start3A_38 : memref<10000x128xf32, #tpu.memory_space<hbm>>) target(%arg10 : memref<128x128xf32, #tpu.memory_space<vmem>>) offsets(%dma_start3A_35 : memref<128xi32, #tpu.memory_space<vmem>>) semaphore(%arg12 : memref<!tpu.dma_semaphore, #tpu.memory_space<semaphore_mem>>)
      %dma_wait3A = arith.constant 38 : i32
      %dma_wait3A_39 = arith.constant 0 : i32
      %dma_wait3A_40 = tpu.memref_slice %arg7[%dma_wait3A, %dma_wait3A_39] : memref<40x128xi32, #tpu.memory_space<vmem>> -> memref<1x128xi32, #tpu.memory_space<vmem>>
      %dma_wait3A_41 = tpu.memref_squeeze %dma_wait3A_40 : memref<1x128xi32, #tpu.memory_space<vmem>> -> memref<128xi32, #tpu.memory_space<vmem>>
      %dma_wait3A_42 = arith.constant 0 : i32
      %dma_wait3A_43 = arith.constant 0 : i32
      %dma_wait3A_44 = tpu.memref_slice %arg2[%dma_wait3A_42, %dma_wait3A_43] : memref<10000x128xf32, #tpu.memory_space<hbm>> -> memref<10000x128xf32, #tpu.memory_space<hbm>>
      tpu.wait_indirect_dma semaphore(%arg11 : memref<!tpu.dma_semaphore, #tpu.memory_space<semaphore_mem>>) src(%dma_wait3A_44 : memref<10000x128xf32, #tpu.memory_space<hbm>>) dst(%arg9 : memref<128x128xf32, #tpu.memory_space<vmem>>)
      %run_scoped3A = arith.constant 38 : i32
      "tpu.region"() ({
        %run_scoped3A_53 = tpu.sem_alloc : memref<!tpu.dma_semaphore, #tpu.memory_space<semaphore_mem>>
        %dma_start3A_54 = arith.constant 0 : i32
        %dma_start3A_55 = tpu.memref_slice %arg8[%run_scoped3A, %dma_start3A_54] : memref<40x128xi32, #tpu.memory_space<vmem>> -> memref<1x128xi32, #tpu.memory_space<vmem>>
        %dma_start3A_56 = tpu.memref_squeeze %dma_start3A_55 : memref<1x128xi32, #tpu.memory_space<vmem>> -> memref<128xi32, #tpu.memory_space<vmem>>
        %dma_start3A_57 = arith.constant 0 : i32
        %dma_start3A_58 = arith.constant 0 : i32
        %dma_start3A_59 = tpu.memref_slice %arg13[%dma_start3A_57, %dma_start3A_58] : memref<10240x128xf32, #tpu.memory_space<vmem_shared>> -> memref<10240x128xf32, #tpu.memory_space<vmem_shared>>
        tpu.enqueue_indirect_dma source(%arg9 : memref<128x128xf32, #tpu.memory_space<vmem>>) target(%dma_start3A_59 : memref<10240x128xf32, #tpu.memory_space<vmem_shared>>) offsets(%dma_start3A_56 : memref<128xi32, #tpu.memory_space<vmem>>) semaphore(%run_scoped3A_53 : memref<!tpu.dma_semaphore, #tpu.memory_space<semaphore_mem>>) {add = true}
        %dma_wait3A_60 = arith.constant 0 : i32
        %dma_wait3A_61 = tpu.memref_slice %arg8[%run_scoped3A, %dma_wait3A_60] : memref<40x128xi32, #tpu.memory_space<vmem>> -> memref<1x128xi32, #tpu.memory_space<vmem>>
        %dma_wait3A_62 = tpu.memref_squeeze %dma_wait3A_61 : memref<1x128xi32, #tpu.memory_space<vmem>> -> memref<128xi32, #tpu.memory_space<vmem>>
        %dma_wait3A_63 = arith.constant 0 : i32
        %dma_wait3A_64 = arith.constant 0 : i32
        %dma_wait3A_65 = tpu.memref_slice %arg13[%dma_wait3A_63, %dma_wait3A_64] : memref<10240x128xf32, #tpu.memory_space<vmem_shared>> -> memref<10240x128xf32, #tpu.memory_space<vmem_shared>>
        tpu.wait_indirect_dma semaphore(%run_scoped3A_53 : memref<!tpu.dma_semaphore, #tpu.memory_space<semaphore_mem>>) src(%arg9 : memref<128x128xf32, #tpu.memory_space<vmem>>) dst(%dma_wait3A_65 : memref<10240x128xf32, #tpu.memory_space<vmem_shared>>)
        tpu.yield
      }) : () -> ()
      %dma_wait3A_45 = arith.constant 39 : i32
      %dma_wait3A_46 = arith.constant 0 : i32
      %dma_wait3A_47 = tpu.memref_slice %arg7[%dma_wait3A_45, %dma_wait3A_46] : memref<40x128xi32, #tpu.memory_space<vmem>> -> memref<1x128xi32, #tpu.memory_space<vmem>>
      %dma_wait3A_48 = tpu.memref_squeeze %dma_wait3A_47 : memref<1x128xi32, #tpu.memory_space<vmem>> -> memref<128xi32, #tpu.memory_space<vmem>>
      %dma_wait3A_49 = arith.constant 0 : i32
      %dma_wait3A_50 = arith.constant 0 : i32
      %dma_wait3A_51 = tpu.memref_slice %arg2[%dma_wait3A_49, %dma_wait3A_50] : memref<10000x128xf32, #tpu.memory_space<hbm>> -> memref<10000x128xf32, #tpu.memory_space<hbm>>
      tpu.wait_indirect_dma semaphore(%arg12 : memref<!tpu.dma_semaphore, #tpu.memory_space<semaphore_mem>>) src(%dma_wait3A_51 : memref<10000x128xf32, #tpu.memory_space<hbm>>) dst(%arg10 : memref<128x128xf32, #tpu.memory_space<vmem>>)
      %run_scoped3A_52 = arith.constant 39 : i32
      "tpu.region"() ({
        %run_scoped3A_53 = tpu.sem_alloc : memref<!tpu.dma_semaphore, #tpu.memory_space<semaphore_mem>>
        %dma_start3A_54 = arith.constant 0 : i32
        %dma_start3A_55 = tpu.memref_slice %arg8[%run_scoped3A_52, %dma_start3A_54] : memref<40x128xi32, #tpu.memory_space<vmem>> -> memref<1x128xi32, #tpu.memory_space<vmem>>
        %dma_start3A_56 = tpu.memref_squeeze %dma_start3A_55 : memref<1x128xi32, #tpu.memory_space<vmem>> -> memref<128xi32, #tpu.memory_space<vmem>>
        %dma_start3A_57 = arith.constant 0 : i32
        %dma_start3A_58 = arith.constant 0 : i32
        %dma_start3A_59 = tpu.memref_slice %arg13[%dma_start3A_57, %dma_start3A_58] : memref<10240x128xf32, #tpu.memory_space<vmem_shared>> -> memref<10240x128xf32, #tpu.memory_space<vmem_shared>>
        tpu.enqueue_indirect_dma source(%arg10 : memref<128x128xf32, #tpu.memory_space<vmem>>) target(%dma_start3A_59 : memref<10240x128xf32, #tpu.memory_space<vmem_shared>>) offsets(%dma_start3A_56 : memref<128xi32, #tpu.memory_space<vmem>>) semaphore(%run_scoped3A_53 : memref<!tpu.dma_semaphore, #tpu.memory_space<semaphore_mem>>) {add = true}
        %dma_wait3A_60 = arith.constant 0 : i32
        %dma_wait3A_61 = tpu.memref_slice %arg8[%run_scoped3A_52, %dma_wait3A_60] : memref<40x128xi32, #tpu.memory_space<vmem>> -> memref<1x128xi32, #tpu.memory_space<vmem>>
        %dma_wait3A_62 = tpu.memref_squeeze %dma_wait3A_61 : memref<1x128xi32, #tpu.memory_space<vmem>> -> memref<128xi32, #tpu.memory_space<vmem>>
        %dma_wait3A_63 = arith.constant 0 : i32
        %dma_wait3A_64 = arith.constant 0 : i32
        %dma_wait3A_65 = tpu.memref_slice %arg13[%dma_wait3A_63, %dma_wait3A_64] : memref<10240x128xf32, #tpu.memory_space<vmem_shared>> -> memref<10240x128xf32, #tpu.memory_space<vmem_shared>>
        tpu.wait_indirect_dma semaphore(%run_scoped3A_53 : memref<!tpu.dma_semaphore, #tpu.memory_space<semaphore_mem>>) src(%arg10 : memref<128x128xf32, #tpu.memory_space<vmem>>) dst(%dma_wait3A_65 : memref<10240x128xf32, #tpu.memory_space<vmem_shared>>)
        tpu.yield
      }) : () -> ()
    }
    %scan3A_9 = arith.constant 2 : i32
    %barrier3A_10 = arith.constant 0 : index
    tpu.barrier barrier_id(%barrier3A_10)
    %mul3A_11 = arith.constant 640 : i32
    %mul3A_12 = arith.muli %arg1, %mul3A_11 : i32
    %mul3A_13 = arith.constant 640 : i32
    %mul3A_14 = arith.muli %arg1, %mul3A_13 : i32
    "tpu.region"() ({
      %run_scoped3A = tpu.sem_alloc : memref<!tpu.dma_semaphore, #tpu.memory_space<semaphore_mem>>
      %dma_start3A = arith.constant 0 : i32
      %dma_start3A_15 = tpu.memref_slice %arg6[%arg0, %mul3A_14, %dma_start3A] : memref<2x10240x128xf32, #tpu.memory_space<hbm>> -> memref<1x640x128xf32, #tpu.memory_space<hbm>>
      %dma_start3A_16 = tpu.memref_squeeze %dma_start3A_15 : memref<1x640x128xf32, #tpu.memory_space<hbm>> -> memref<640x128xf32, #tpu.memory_space<hbm>>
      %dma_start3A_17 = arith.constant 0 : i32
      %dma_start3A_18 = tpu.memref_slice %arg13[%mul3A_12, %dma_start3A_17] : memref<10240x128xf32, #tpu.memory_space<vmem_shared>> -> memref<640x128xf32, #tpu.memory_space<vmem_shared>>
      tpu.enqueue_dma source(%dma_start3A_18 : memref<640x128xf32, #tpu.memory_space<vmem_shared>>) target(%dma_start3A_16 : memref<640x128xf32, #tpu.memory_space<hbm>>) target_semaphore(%run_scoped3A : memref<!tpu.dma_semaphore, #tpu.memory_space<semaphore_mem>>)
      %dma_wait3A = arith.constant 0 : i32
      %dma_wait3A_19 = tpu.memref_slice %arg6[%arg0, %mul3A_14, %dma_wait3A] : memref<2x10240x128xf32, #tpu.memory_space<hbm>> -> memref<1x640x128xf32, #tpu.memory_space<hbm>>
      %dma_wait3A_20 = tpu.memref_squeeze %dma_wait3A_19 : memref<1x640x128xf32, #tpu.memory_space<hbm>> -> memref<640x128xf32, #tpu.memory_space<hbm>>
      %dma_wait3A_21 = arith.constant 0 : i32
      %dma_wait3A_22 = tpu.memref_slice %arg13[%mul3A_12, %dma_wait3A_21] : memref<10240x128xf32, #tpu.memory_space<vmem_shared>> -> memref<640x128xf32, #tpu.memory_space<vmem_shared>>
      tpu.wait_dma2 semaphore(%run_scoped3A : memref<!tpu.dma_semaphore, #tpu.memory_space<semaphore_mem>>) src(%dma_wait3A_22 : memref<640x128xf32, #tpu.memory_space<vmem_shared>>) dst(%dma_wait3A_20 : memref<640x128xf32, #tpu.memory_space<hbm>>)
      tpu.yield
    }) : () -> ()
    return
  }
}

#map = affine_map<(d0, d1) -> (0, 0, 0)>
#map1 = affine_map<(d0, d1) -> (0, 0)>
module attributes {stable_mosaic.version = 14 : i64} {
  func.func @_degree_kernel(%arg0: i32, %arg1: i32, %arg2: memref<32x80x128xi32, #tpu.memory_space<hbm>>, %arg3: memref<128x16xf32, #tpu.memory_space<hbm>>, %arg4: memref<10240x16xf32, #tpu.memory_space<hbm>>, %arg5: memref<2x10240x16xf32, #tpu.memory_space<hbm>>, %arg6: memref<80x128xi32, #tpu.memory_space<vmem>>, %arg7: memref<128x16xf32, #tpu.memory_space<vmem>>, %arg8: memref<!tpu.dma_semaphore, #tpu.memory_space<semaphore_mem>>, %arg9: memref<10240x16xf32, #tpu.memory_space<vmem_shared>>) attributes {dimension_semantics = [#tpu.dimension_semantics<core_parallel>, #tpu.dimension_semantics<subcore_parallel>], iteration_bounds = array<i64: 2, 16>, scalar_prefetch = 0 : i64, scratch_operands = 4 : i64, tpu.core_type = #tpu.core_type<sc_vector_subcore>, window_params = [{transform_indices = #map}, {transform_indices = #map1}, {transform_indices = #map1}, {transform_indices = #map}]} {
    %mul3A = arith.constant 2 : i32
    %mul3A_0 = arith.muli %arg1, %mul3A : i32
    %add3A = arith.addi %mul3A_0, %arg0 : i32
    %mul3A_1 = arith.constant 640 : i32
    %mul3A_2 = arith.muli %arg1, %mul3A_1 : i32
    %mul3A_3 = arith.constant 640 : i32
    %mul3A_4 = arith.muli %arg1, %mul3A_3 : i32
    "tpu.region"() ({
      %run_scoped3A = tpu.sem_alloc : memref<!tpu.dma_semaphore, #tpu.memory_space<semaphore_mem>>
      %dma_start3A = arith.constant 0 : i32
      %dma_start3A_15 = tpu.memref_slice %arg9[%mul3A_4, %dma_start3A] : memref<10240x16xf32, #tpu.memory_space<vmem_shared>> -> memref<640x16xf32, #tpu.memory_space<vmem_shared>>
      %dma_start3A_16 = arith.constant 0 : i32
      %dma_start3A_17 = tpu.memref_slice %arg4[%mul3A_2, %dma_start3A_16] : memref<10240x16xf32, #tpu.memory_space<hbm>> -> memref<640x16xf32, #tpu.memory_space<hbm>>
      tpu.enqueue_dma source(%dma_start3A_17 : memref<640x16xf32, #tpu.memory_space<hbm>>) target(%dma_start3A_15 : memref<640x16xf32, #tpu.memory_space<vmem_shared>>) target_semaphore(%run_scoped3A : memref<!tpu.dma_semaphore, #tpu.memory_space<semaphore_mem>>)
      %dma_wait3A = arith.constant 0 : i32
      %dma_wait3A_18 = tpu.memref_slice %arg9[%mul3A_4, %dma_wait3A] : memref<10240x16xf32, #tpu.memory_space<vmem_shared>> -> memref<640x16xf32, #tpu.memory_space<vmem_shared>>
      %dma_wait3A_19 = arith.constant 0 : i32
      %dma_wait3A_20 = tpu.memref_slice %arg4[%mul3A_2, %dma_wait3A_19] : memref<10240x16xf32, #tpu.memory_space<hbm>> -> memref<640x16xf32, #tpu.memory_space<hbm>>
      tpu.wait_dma2 semaphore(%run_scoped3A : memref<!tpu.dma_semaphore, #tpu.memory_space<semaphore_mem>>) src(%dma_wait3A_20 : memref<640x16xf32, #tpu.memory_space<hbm>>) dst(%dma_wait3A_18 : memref<640x16xf32, #tpu.memory_space<vmem_shared>>)
      tpu.yield
    }) : () -> ()
    "tpu.region"() ({
      %run_scoped3A = tpu.sem_alloc : memref<!tpu.dma_semaphore, #tpu.memory_space<semaphore_mem>>
      tpu.enqueue_dma source(%arg3 : memref<128x16xf32, #tpu.memory_space<hbm>>) target(%arg7 : memref<128x16xf32, #tpu.memory_space<vmem>>) target_semaphore(%run_scoped3A : memref<!tpu.dma_semaphore, #tpu.memory_space<semaphore_mem>>)
      tpu.wait_dma2 semaphore(%run_scoped3A : memref<!tpu.dma_semaphore, #tpu.memory_space<semaphore_mem>>) src(%arg3 : memref<128x16xf32, #tpu.memory_space<hbm>>) dst(%arg7 : memref<128x16xf32, #tpu.memory_space<vmem>>)
      tpu.yield
    }) : () -> ()
    "tpu.region"() ({
      %run_scoped3A = tpu.sem_alloc : memref<!tpu.dma_semaphore, #tpu.memory_space<semaphore_mem>>
      %dma_start3A = arith.constant 0 : i32
      %dma_start3A_15 = arith.constant 0 : i32
      %dma_start3A_16 = tpu.memref_slice %arg2[%add3A, %dma_start3A, %dma_start3A_15] : memref<32x80x128xi32, #tpu.memory_space<hbm>> -> memref<1x80x128xi32, #tpu.memory_space<hbm>>
      %dma_start3A_17 = tpu.memref_squeeze %dma_start3A_16 : memref<1x80x128xi32, #tpu.memory_space<hbm>> -> memref<80x128xi32, #tpu.memory_space<hbm>>
      %dma_start3A_18 = arith.constant 0 : i32
      %dma_start3A_19 = arith.constant 0 : i32
      %dma_start3A_20 = tpu.memref_slice %arg2[%add3A, %dma_start3A_18, %dma_start3A_19] : memref<32x80x128xi32, #tpu.memory_space<hbm>> -> memref<1x80x128xi32, #tpu.memory_space<hbm>>
      %dma_start3A_21 = tpu.memref_squeeze %dma_start3A_20 : memref<1x80x128xi32, #tpu.memory_space<hbm>> -> memref<80x128xi32, #tpu.memory_space<hbm>>
      tpu.enqueue_dma source(%dma_start3A_21 : memref<80x128xi32, #tpu.memory_space<hbm>>) target(%arg6 : memref<80x128xi32, #tpu.memory_space<vmem>>) target_semaphore(%run_scoped3A : memref<!tpu.dma_semaphore, #tpu.memory_space<semaphore_mem>>)
      %dma_wait3A = arith.constant 0 : i32
      %dma_wait3A_22 = arith.constant 0 : i32
      %dma_wait3A_23 = tpu.memref_slice %arg2[%add3A, %dma_wait3A, %dma_wait3A_22] : memref<32x80x128xi32, #tpu.memory_space<hbm>> -> memref<1x80x128xi32, #tpu.memory_space<hbm>>
      %dma_wait3A_24 = tpu.memref_squeeze %dma_wait3A_23 : memref<1x80x128xi32, #tpu.memory_space<hbm>> -> memref<80x128xi32, #tpu.memory_space<hbm>>
      %dma_wait3A_25 = arith.constant 0 : i32
      %dma_wait3A_26 = arith.constant 0 : i32
      %dma_wait3A_27 = tpu.memref_slice %arg2[%add3A, %dma_wait3A_25, %dma_wait3A_26] : memref<32x80x128xi32, #tpu.memory_space<hbm>> -> memref<1x80x128xi32, #tpu.memory_space<hbm>>
      %dma_wait3A_28 = tpu.memref_squeeze %dma_wait3A_27 : memref<1x80x128xi32, #tpu.memory_space<hbm>> -> memref<80x128xi32, #tpu.memory_space<hbm>>
      tpu.wait_dma2 semaphore(%run_scoped3A : memref<!tpu.dma_semaphore, #tpu.memory_space<semaphore_mem>>) src(%dma_wait3A_28 : memref<80x128xi32, #tpu.memory_space<hbm>>) dst(%arg6 : memref<80x128xi32, #tpu.memory_space<vmem>>)
      tpu.yield
    }) : () -> ()
    %barrier3A = arith.constant 0 : index
    tpu.barrier barrier_id(%barrier3A)
    %scan3A = arith.constant 0 : i32
    %scan3A_5 = arith.constant 0 : i32
    %scan3A_6 = arith.constant 5 : i32
    %scan3A_7 = arith.addi %scan3A_5, %scan3A_6 : i32
    %scan3A_8 = arith.constant 1 : i32
    scf.for %scan3A_15 = %scan3A_5 to %scan3A_7 step %scan3A_8  : i32 {
      %mul3A_16 = arith.constant 16 : i32
      %mul3A_17 = arith.muli %scan3A_15, %mul3A_16 : i32
      %add3A_18 = arith.constant 0 : i32
      %add3A_19 = arith.addi %mul3A_17, %add3A_18 : i32
      %dma_start3A = arith.constant 0 : i32
      %dma_start3A_20 = tpu.memref_slice %arg6[%add3A_19, %dma_start3A] : memref<80x128xi32, #tpu.memory_space<vmem>> -> memref<1x128xi32, #tpu.memory_space<vmem>>
      %dma_start3A_21 = tpu.memref_squeeze %dma_start3A_20 : memref<1x128xi32, #tpu.memory_space<vmem>> -> memref<128xi32, #tpu.memory_space<vmem>>
      %dma_start3A_22 = arith.constant 0 : i32
      %dma_start3A_23 = arith.constant 0 : i32
      %dma_start3A_24 = tpu.memref_slice %arg9[%dma_start3A_22, %dma_start3A_23] : memref<10240x16xf32, #tpu.memory_space<vmem_shared>> -> memref<10240x16xf32, #tpu.memory_space<vmem_shared>>
      tpu.enqueue_indirect_dma source(%arg7 : memref<128x16xf32, #tpu.memory_space<vmem>>) target(%dma_start3A_24 : memref<10240x16xf32, #tpu.memory_space<vmem_shared>>) offsets(%dma_start3A_21 : memref<128xi32, #tpu.memory_space<vmem>>) semaphore(%arg8 : memref<!tpu.dma_semaphore, #tpu.memory_space<semaphore_mem>>) {add = true}
      %mul3A_25 = arith.constant 16 : i32
      %mul3A_26 = arith.muli %scan3A_15, %mul3A_25 : i32
      %add3A_27 = arith.constant 1 : i32
      %add3A_28 = arith.addi %mul3A_26, %add3A_27 : i32
      %dma_start3A_29 = arith.constant 0 : i32
      %dma_start3A_30 = tpu.memref_slice %arg6[%add3A_28, %dma_start3A_29] : memref<80x128xi32, #tpu.memory_space<vmem>> -> memref<1x128xi32, #tpu.memory_space<vmem>>
      %dma_start3A_31 = tpu.memref_squeeze %dma_start3A_30 : memref<1x128xi32, #tpu.memory_space<vmem>> -> memref<128xi32, #tpu.memory_space<vmem>>
      %dma_start3A_32 = arith.constant 0 : i32
      %dma_start3A_33 = arith.constant 0 : i32
      %dma_start3A_34 = tpu.memref_slice %arg9[%dma_start3A_32, %dma_start3A_33] : memref<10240x16xf32, #tpu.memory_space<vmem_shared>> -> memref<10240x16xf32, #tpu.memory_space<vmem_shared>>
      tpu.enqueue_indirect_dma source(%arg7 : memref<128x16xf32, #tpu.memory_space<vmem>>) target(%dma_start3A_34 : memref<10240x16xf32, #tpu.memory_space<vmem_shared>>) offsets(%dma_start3A_31 : memref<128xi32, #tpu.memory_space<vmem>>) semaphore(%arg8 : memref<!tpu.dma_semaphore, #tpu.memory_space<semaphore_mem>>) {add = true}
      %mul3A_35 = arith.constant 16 : i32
      %mul3A_36 = arith.muli %scan3A_15, %mul3A_35 : i32
      %add3A_37 = arith.constant 2 : i32
      %add3A_38 = arith.addi %mul3A_36, %add3A_37 : i32
      %dma_start3A_39 = arith.constant 0 : i32
      %dma_start3A_40 = tpu.memref_slice %arg6[%add3A_38, %dma_start3A_39] : memref<80x128xi32, #tpu.memory_space<vmem>> -> memref<1x128xi32, #tpu.memory_space<vmem>>
      %dma_start3A_41 = tpu.memref_squeeze %dma_start3A_40 : memref<1x128xi32, #tpu.memory_space<vmem>> -> memref<128xi32, #tpu.memory_space<vmem>>
      %dma_start3A_42 = arith.constant 0 : i32
      %dma_start3A_43 = arith.constant 0 : i32
      %dma_start3A_44 = tpu.memref_slice %arg9[%dma_start3A_42, %dma_start3A_43] : memref<10240x16xf32, #tpu.memory_space<vmem_shared>> -> memref<10240x16xf32, #tpu.memory_space<vmem_shared>>
      tpu.enqueue_indirect_dma source(%arg7 : memref<128x16xf32, #tpu.memory_space<vmem>>) target(%dma_start3A_44 : memref<10240x16xf32, #tpu.memory_space<vmem_shared>>) offsets(%dma_start3A_41 : memref<128xi32, #tpu.memory_space<vmem>>) semaphore(%arg8 : memref<!tpu.dma_semaphore, #tpu.memory_space<semaphore_mem>>) {add = true}
      %mul3A_45 = arith.constant 16 : i32
      %mul3A_46 = arith.muli %scan3A_15, %mul3A_45 : i32
      %add3A_47 = arith.constant 3 : i32
      %add3A_48 = arith.addi %mul3A_46, %add3A_47 : i32
      %dma_start3A_49 = arith.constant 0 : i32
      %dma_start3A_50 = tpu.memref_slice %arg6[%add3A_48, %dma_start3A_49] : memref<80x128xi32, #tpu.memory_space<vmem>> -> memref<1x128xi32, #tpu.memory_space<vmem>>
      %dma_start3A_51 = tpu.memref_squeeze %dma_start3A_50 : memref<1x128xi32, #tpu.memory_space<vmem>> -> memref<128xi32, #tpu.memory_space<vmem>>
      %dma_start3A_52 = arith.constant 0 : i32
      %dma_start3A_53 = arith.constant 0 : i32
      %dma_start3A_54 = tpu.memref_slice %arg9[%dma_start3A_52, %dma_start3A_53] : memref<10240x16xf32, #tpu.memory_space<vmem_shared>> -> memref<10240x16xf32, #tpu.memory_space<vmem_shared>>
      tpu.enqueue_indirect_dma source(%arg7 : memref<128x16xf32, #tpu.memory_space<vmem>>) target(%dma_start3A_54 : memref<10240x16xf32, #tpu.memory_space<vmem_shared>>) offsets(%dma_start3A_51 : memref<128xi32, #tpu.memory_space<vmem>>) semaphore(%arg8 : memref<!tpu.dma_semaphore, #tpu.memory_space<semaphore_mem>>) {add = true}
      %mul3A_55 = arith.constant 16 : i32
      %mul3A_56 = arith.muli %scan3A_15, %mul3A_55 : i32
      %add3A_57 = arith.constant 4 : i32
      %add3A_58 = arith.addi %mul3A_56, %add3A_57 : i32
      %dma_start3A_59 = arith.constant 0 : i32
      %dma_start3A_60 = tpu.memref_slice %arg6[%add3A_58, %dma_start3A_59] : memref<80x128xi32, #tpu.memory_space<vmem>> -> memref<1x128xi32, #tpu.memory_space<vmem>>
      %dma_start3A_61 = tpu.memref_squeeze %dma_start3A_60 : memref<1x128xi32, #tpu.memory_space<vmem>> -> memref<128xi32, #tpu.memory_space<vmem>>
      %dma_start3A_62 = arith.constant 0 : i32
      %dma_start3A_63 = arith.constant 0 : i32
      %dma_start3A_64 = tpu.memref_slice %arg9[%dma_start3A_62, %dma_start3A_63] : memref<10240x16xf32, #tpu.memory_space<vmem_shared>> -> memref<10240x16xf32, #tpu.memory_space<vmem_shared>>
      tpu.enqueue_indirect_dma source(%arg7 : memref<128x16xf32, #tpu.memory_space<vmem>>) target(%dma_start3A_64 : memref<10240x16xf32, #tpu.memory_space<vmem_shared>>) offsets(%dma_start3A_61 : memref<128xi32, #tpu.memory_space<vmem>>) semaphore(%arg8 : memref<!tpu.dma_semaphore, #tpu.memory_space<semaphore_mem>>) {add = true}
      %mul3A_65 = arith.constant 16 : i32
      %mul3A_66 = arith.muli %scan3A_15, %mul3A_65 : i32
      %add3A_67 = arith.constant 5 : i32
      %add3A_68 = arith.addi %mul3A_66, %add3A_67 : i32
      %dma_start3A_69 = arith.constant 0 : i32
      %dma_start3A_70 = tpu.memref_slice %arg6[%add3A_68, %dma_start3A_69] : memref<80x128xi32, #tpu.memory_space<vmem>> -> memref<1x128xi32, #tpu.memory_space<vmem>>
      %dma_start3A_71 = tpu.memref_squeeze %dma_start3A_70 : memref<1x128xi32, #tpu.memory_space<vmem>> -> memref<128xi32, #tpu.memory_space<vmem>>
      %dma_start3A_72 = arith.constant 0 : i32
      %dma_start3A_73 = arith.constant 0 : i32
      %dma_start3A_74 = tpu.memref_slice %arg9[%dma_start3A_72, %dma_start3A_73] : memref<10240x16xf32, #tpu.memory_space<vmem_shared>> -> memref<10240x16xf32, #tpu.memory_space<vmem_shared>>
      tpu.enqueue_indirect_dma source(%arg7 : memref<128x16xf32, #tpu.memory_space<vmem>>) target(%dma_start3A_74 : memref<10240x16xf32, #tpu.memory_space<vmem_shared>>) offsets(%dma_start3A_71 : memref<128xi32, #tpu.memory_space<vmem>>) semaphore(%arg8 : memref<!tpu.dma_semaphore, #tpu.memory_space<semaphore_mem>>) {add = true}
      %mul3A_75 = arith.constant 16 : i32
      %mul3A_76 = arith.muli %scan3A_15, %mul3A_75 : i32
      %add3A_77 = arith.constant 6 : i32
      %add3A_78 = arith.addi %mul3A_76, %add3A_77 : i32
      %dma_start3A_79 = arith.constant 0 : i32
      %dma_start3A_80 = tpu.memref_slice %arg6[%add3A_78, %dma_start3A_79] : memref<80x128xi32, #tpu.memory_space<vmem>> -> memref<1x128xi32, #tpu.memory_space<vmem>>
      %dma_start3A_81 = tpu.memref_squeeze %dma_start3A_80 : memref<1x128xi32, #tpu.memory_space<vmem>> -> memref<128xi32, #tpu.memory_space<vmem>>
      %dma_start3A_82 = arith.constant 0 : i32
      %dma_start3A_83 = arith.constant 0 : i32
      %dma_start3A_84 = tpu.memref_slice %arg9[%dma_start3A_82, %dma_start3A_83] : memref<10240x16xf32, #tpu.memory_space<vmem_shared>> -> memref<10240x16xf32, #tpu.memory_space<vmem_shared>>
      tpu.enqueue_indirect_dma source(%arg7 : memref<128x16xf32, #tpu.memory_space<vmem>>) target(%dma_start3A_84 : memref<10240x16xf32, #tpu.memory_space<vmem_shared>>) offsets(%dma_start3A_81 : memref<128xi32, #tpu.memory_space<vmem>>) semaphore(%arg8 : memref<!tpu.dma_semaphore, #tpu.memory_space<semaphore_mem>>) {add = true}
      %mul3A_85 = arith.constant 16 : i32
      %mul3A_86 = arith.muli %scan3A_15, %mul3A_85 : i32
      %add3A_87 = arith.constant 7 : i32
      %add3A_88 = arith.addi %mul3A_86, %add3A_87 : i32
      %dma_start3A_89 = arith.constant 0 : i32
      %dma_start3A_90 = tpu.memref_slice %arg6[%add3A_88, %dma_start3A_89] : memref<80x128xi32, #tpu.memory_space<vmem>> -> memref<1x128xi32, #tpu.memory_space<vmem>>
      %dma_start3A_91 = tpu.memref_squeeze %dma_start3A_90 : memref<1x128xi32, #tpu.memory_space<vmem>> -> memref<128xi32, #tpu.memory_space<vmem>>
      %dma_start3A_92 = arith.constant 0 : i32
      %dma_start3A_93 = arith.constant 0 : i32
      %dma_start3A_94 = tpu.memref_slice %arg9[%dma_start3A_92, %dma_start3A_93] : memref<10240x16xf32, #tpu.memory_space<vmem_shared>> -> memref<10240x16xf32, #tpu.memory_space<vmem_shared>>
      tpu.enqueue_indirect_dma source(%arg7 : memref<128x16xf32, #tpu.memory_space<vmem>>) target(%dma_start3A_94 : memref<10240x16xf32, #tpu.memory_space<vmem_shared>>) offsets(%dma_start3A_91 : memref<128xi32, #tpu.memory_space<vmem>>) semaphore(%arg8 : memref<!tpu.dma_semaphore, #tpu.memory_space<semaphore_mem>>) {add = true}
      %mul3A_95 = arith.constant 16 : i32
      %mul3A_96 = arith.muli %scan3A_15, %mul3A_95 : i32
      %add3A_97 = arith.constant 8 : i32
      %add3A_98 = arith.addi %mul3A_96, %add3A_97 : i32
      %dma_start3A_99 = arith.constant 0 : i32
      %dma_start3A_100 = tpu.memref_slice %arg6[%add3A_98, %dma_start3A_99] : memref<80x128xi32, #tpu.memory_space<vmem>> -> memref<1x128xi32, #tpu.memory_space<vmem>>
      %dma_start3A_101 = tpu.memref_squeeze %dma_start3A_100 : memref<1x128xi32, #tpu.memory_space<vmem>> -> memref<128xi32, #tpu.memory_space<vmem>>
      %dma_start3A_102 = arith.constant 0 : i32
      %dma_start3A_103 = arith.constant 0 : i32
      %dma_start3A_104 = tpu.memref_slice %arg9[%dma_start3A_102, %dma_start3A_103] : memref<10240x16xf32, #tpu.memory_space<vmem_shared>> -> memref<10240x16xf32, #tpu.memory_space<vmem_shared>>
      tpu.enqueue_indirect_dma source(%arg7 : memref<128x16xf32, #tpu.memory_space<vmem>>) target(%dma_start3A_104 : memref<10240x16xf32, #tpu.memory_space<vmem_shared>>) offsets(%dma_start3A_101 : memref<128xi32, #tpu.memory_space<vmem>>) semaphore(%arg8 : memref<!tpu.dma_semaphore, #tpu.memory_space<semaphore_mem>>) {add = true}
      %mul3A_105 = arith.constant 16 : i32
      %mul3A_106 = arith.muli %scan3A_15, %mul3A_105 : i32
      %add3A_107 = arith.constant 9 : i32
      %add3A_108 = arith.addi %mul3A_106, %add3A_107 : i32
      %dma_start3A_109 = arith.constant 0 : i32
      %dma_start3A_110 = tpu.memref_slice %arg6[%add3A_108, %dma_start3A_109] : memref<80x128xi32, #tpu.memory_space<vmem>> -> memref<1x128xi32, #tpu.memory_space<vmem>>
      %dma_start3A_111 = tpu.memref_squeeze %dma_start3A_110 : memref<1x128xi32, #tpu.memory_space<vmem>> -> memref<128xi32, #tpu.memory_space<vmem>>
      %dma_start3A_112 = arith.constant 0 : i32
      %dma_start3A_113 = arith.constant 0 : i32
      %dma_start3A_114 = tpu.memref_slice %arg9[%dma_start3A_112, %dma_start3A_113] : memref<10240x16xf32, #tpu.memory_space<vmem_shared>> -> memref<10240x16xf32, #tpu.memory_space<vmem_shared>>
      tpu.enqueue_indirect_dma source(%arg7 : memref<128x16xf32, #tpu.memory_space<vmem>>) target(%dma_start3A_114 : memref<10240x16xf32, #tpu.memory_space<vmem_shared>>) offsets(%dma_start3A_111 : memref<128xi32, #tpu.memory_space<vmem>>) semaphore(%arg8 : memref<!tpu.dma_semaphore, #tpu.memory_space<semaphore_mem>>) {add = true}
      %mul3A_115 = arith.constant 16 : i32
      %mul3A_116 = arith.muli %scan3A_15, %mul3A_115 : i32
      %add3A_117 = arith.constant 10 : i32
      %add3A_118 = arith.addi %mul3A_116, %add3A_117 : i32
      %dma_start3A_119 = arith.constant 0 : i32
      %dma_start3A_120 = tpu.memref_slice %arg6[%add3A_118, %dma_start3A_119] : memref<80x128xi32, #tpu.memory_space<vmem>> -> memref<1x128xi32, #tpu.memory_space<vmem>>
      %dma_start3A_121 = tpu.memref_squeeze %dma_start3A_120 : memref<1x128xi32, #tpu.memory_space<vmem>> -> memref<128xi32, #tpu.memory_space<vmem>>
      %dma_start3A_122 = arith.constant 0 : i32
      %dma_start3A_123 = arith.constant 0 : i32
      %dma_start3A_124 = tpu.memref_slice %arg9[%dma_start3A_122, %dma_start3A_123] : memref<10240x16xf32, #tpu.memory_space<vmem_shared>> -> memref<10240x16xf32, #tpu.memory_space<vmem_shared>>
      tpu.enqueue_indirect_dma source(%arg7 : memref<128x16xf32, #tpu.memory_space<vmem>>) target(%dma_start3A_124 : memref<10240x16xf32, #tpu.memory_space<vmem_shared>>) offsets(%dma_start3A_121 : memref<128xi32, #tpu.memory_space<vmem>>) semaphore(%arg8 : memref<!tpu.dma_semaphore, #tpu.memory_space<semaphore_mem>>) {add = true}
      %mul3A_125 = arith.constant 16 : i32
      %mul3A_126 = arith.muli %scan3A_15, %mul3A_125 : i32
      %add3A_127 = arith.constant 11 : i32
      %add3A_128 = arith.addi %mul3A_126, %add3A_127 : i32
      %dma_start3A_129 = arith.constant 0 : i32
      %dma_start3A_130 = tpu.memref_slice %arg6[%add3A_128, %dma_start3A_129] : memref<80x128xi32, #tpu.memory_space<vmem>> -> memref<1x128xi32, #tpu.memory_space<vmem>>
      %dma_start3A_131 = tpu.memref_squeeze %dma_start3A_130 : memref<1x128xi32, #tpu.memory_space<vmem>> -> memref<128xi32, #tpu.memory_space<vmem>>
      %dma_start3A_132 = arith.constant 0 : i32
      %dma_start3A_133 = arith.constant 0 : i32
      %dma_start3A_134 = tpu.memref_slice %arg9[%dma_start3A_132, %dma_start3A_133] : memref<10240x16xf32, #tpu.memory_space<vmem_shared>> -> memref<10240x16xf32, #tpu.memory_space<vmem_shared>>
      tpu.enqueue_indirect_dma source(%arg7 : memref<128x16xf32, #tpu.memory_space<vmem>>) target(%dma_start3A_134 : memref<10240x16xf32, #tpu.memory_space<vmem_shared>>) offsets(%dma_start3A_131 : memref<128xi32, #tpu.memory_space<vmem>>) semaphore(%arg8 : memref<!tpu.dma_semaphore, #tpu.memory_space<semaphore_mem>>) {add = true}
      %mul3A_135 = arith.constant 16 : i32
      %mul3A_136 = arith.muli %scan3A_15, %mul3A_135 : i32
      %add3A_137 = arith.constant 12 : i32
      %add3A_138 = arith.addi %mul3A_136, %add3A_137 : i32
      %dma_start3A_139 = arith.constant 0 : i32
      %dma_start3A_140 = tpu.memref_slice %arg6[%add3A_138, %dma_start3A_139] : memref<80x128xi32, #tpu.memory_space<vmem>> -> memref<1x128xi32, #tpu.memory_space<vmem>>
      %dma_start3A_141 = tpu.memref_squeeze %dma_start3A_140 : memref<1x128xi32, #tpu.memory_space<vmem>> -> memref<128xi32, #tpu.memory_space<vmem>>
      %dma_start3A_142 = arith.constant 0 : i32
      %dma_start3A_143 = arith.constant 0 : i32
      %dma_start3A_144 = tpu.memref_slice %arg9[%dma_start3A_142, %dma_start3A_143] : memref<10240x16xf32, #tpu.memory_space<vmem_shared>> -> memref<10240x16xf32, #tpu.memory_space<vmem_shared>>
      tpu.enqueue_indirect_dma source(%arg7 : memref<128x16xf32, #tpu.memory_space<vmem>>) target(%dma_start3A_144 : memref<10240x16xf32, #tpu.memory_space<vmem_shared>>) offsets(%dma_start3A_141 : memref<128xi32, #tpu.memory_space<vmem>>) semaphore(%arg8 : memref<!tpu.dma_semaphore, #tpu.memory_space<semaphore_mem>>) {add = true}
      %mul3A_145 = arith.constant 16 : i32
      %mul3A_146 = arith.muli %scan3A_15, %mul3A_145 : i32
      %add3A_147 = arith.constant 13 : i32
      %add3A_148 = arith.addi %mul3A_146, %add3A_147 : i32
      %dma_start3A_149 = arith.constant 0 : i32
      %dma_start3A_150 = tpu.memref_slice %arg6[%add3A_148, %dma_start3A_149] : memref<80x128xi32, #tpu.memory_space<vmem>> -> memref<1x128xi32, #tpu.memory_space<vmem>>
      %dma_start3A_151 = tpu.memref_squeeze %dma_start3A_150 : memref<1x128xi32, #tpu.memory_space<vmem>> -> memref<128xi32, #tpu.memory_space<vmem>>
      %dma_start3A_152 = arith.constant 0 : i32
      %dma_start3A_153 = arith.constant 0 : i32
      %dma_start3A_154 = tpu.memref_slice %arg9[%dma_start3A_152, %dma_start3A_153] : memref<10240x16xf32, #tpu.memory_space<vmem_shared>> -> memref<10240x16xf32, #tpu.memory_space<vmem_shared>>
      tpu.enqueue_indirect_dma source(%arg7 : memref<128x16xf32, #tpu.memory_space<vmem>>) target(%dma_start3A_154 : memref<10240x16xf32, #tpu.memory_space<vmem_shared>>) offsets(%dma_start3A_151 : memref<128xi32, #tpu.memory_space<vmem>>) semaphore(%arg8 : memref<!tpu.dma_semaphore, #tpu.memory_space<semaphore_mem>>) {add = true}
      %mul3A_155 = arith.constant 16 : i32
      %mul3A_156 = arith.muli %scan3A_15, %mul3A_155 : i32
      %add3A_157 = arith.constant 14 : i32
      %add3A_158 = arith.addi %mul3A_156, %add3A_157 : i32
      %dma_start3A_159 = arith.constant 0 : i32
      %dma_start3A_160 = tpu.memref_slice %arg6[%add3A_158, %dma_start3A_159] : memref<80x128xi32, #tpu.memory_space<vmem>> -> memref<1x128xi32, #tpu.memory_space<vmem>>
      %dma_start3A_161 = tpu.memref_squeeze %dma_start3A_160 : memref<1x128xi32, #tpu.memory_space<vmem>> -> memref<128xi32, #tpu.memory_space<vmem>>
      %dma_start3A_162 = arith.constant 0 : i32
      %dma_start3A_163 = arith.constant 0 : i32
      %dma_start3A_164 = tpu.memref_slice %arg9[%dma_start3A_162, %dma_start3A_163] : memref<10240x16xf32, #tpu.memory_space<vmem_shared>> -> memref<10240x16xf32, #tpu.memory_space<vmem_shared>>
      tpu.enqueue_indirect_dma source(%arg7 : memref<128x16xf32, #tpu.memory_space<vmem>>) target(%dma_start3A_164 : memref<10240x16xf32, #tpu.memory_space<vmem_shared>>) offsets(%dma_start3A_161 : memref<128xi32, #tpu.memory_space<vmem>>) semaphore(%arg8 : memref<!tpu.dma_semaphore, #tpu.memory_space<semaphore_mem>>) {add = true}
      %mul3A_165 = arith.constant 16 : i32
      %mul3A_166 = arith.muli %scan3A_15, %mul3A_165 : i32
      %add3A_167 = arith.constant 15 : i32
      %add3A_168 = arith.addi %mul3A_166, %add3A_167 : i32
      %dma_start3A_169 = arith.constant 0 : i32
      %dma_start3A_170 = tpu.memref_slice %arg6[%add3A_168, %dma_start3A_169] : memref<80x128xi32, #tpu.memory_space<vmem>> -> memref<1x128xi32, #tpu.memory_space<vmem>>
      %dma_start3A_171 = tpu.memref_squeeze %dma_start3A_170 : memref<1x128xi32, #tpu.memory_space<vmem>> -> memref<128xi32, #tpu.memory_space<vmem>>
      %dma_start3A_172 = arith.constant 0 : i32
      %dma_start3A_173 = arith.constant 0 : i32
      %dma_start3A_174 = tpu.memref_slice %arg9[%dma_start3A_172, %dma_start3A_173] : memref<10240x16xf32, #tpu.memory_space<vmem_shared>> -> memref<10240x16xf32, #tpu.memory_space<vmem_shared>>
      tpu.enqueue_indirect_dma source(%arg7 : memref<128x16xf32, #tpu.memory_space<vmem>>) target(%dma_start3A_174 : memref<10240x16xf32, #tpu.memory_space<vmem_shared>>) offsets(%dma_start3A_171 : memref<128xi32, #tpu.memory_space<vmem>>) semaphore(%arg8 : memref<!tpu.dma_semaphore, #tpu.memory_space<semaphore_mem>>) {add = true}
      %mul3A_175 = arith.constant 16 : i32
      %mul3A_176 = arith.muli %scan3A_15, %mul3A_175 : i32
      %add3A_177 = arith.constant 0 : i32
      %add3A_178 = arith.addi %mul3A_176, %add3A_177 : i32
      %dma_wait3A = arith.constant 0 : i32
      %dma_wait3A_179 = tpu.memref_slice %arg6[%add3A_178, %dma_wait3A] : memref<80x128xi32, #tpu.memory_space<vmem>> -> memref<1x128xi32, #tpu.memory_space<vmem>>
      %dma_wait3A_180 = tpu.memref_squeeze %dma_wait3A_179 : memref<1x128xi32, #tpu.memory_space<vmem>> -> memref<128xi32, #tpu.memory_space<vmem>>
      %dma_wait3A_181 = arith.constant 0 : i32
      %dma_wait3A_182 = arith.constant 0 : i32
      %dma_wait3A_183 = tpu.memref_slice %arg9[%dma_wait3A_181, %dma_wait3A_182] : memref<10240x16xf32, #tpu.memory_space<vmem_shared>> -> memref<10240x16xf32, #tpu.memory_space<vmem_shared>>
      tpu.wait_indirect_dma semaphore(%arg8 : memref<!tpu.dma_semaphore, #tpu.memory_space<semaphore_mem>>) src(%arg7 : memref<128x16xf32, #tpu.memory_space<vmem>>) dst(%dma_wait3A_183 : memref<10240x16xf32, #tpu.memory_space<vmem_shared>>)
      %mul3A_184 = arith.constant 16 : i32
      %mul3A_185 = arith.muli %scan3A_15, %mul3A_184 : i32
      %add3A_186 = arith.constant 1 : i32
      %add3A_187 = arith.addi %mul3A_185, %add3A_186 : i32
      %dma_wait3A_188 = arith.constant 0 : i32
      %dma_wait3A_189 = tpu.memref_slice %arg6[%add3A_187, %dma_wait3A_188] : memref<80x128xi32, #tpu.memory_space<vmem>> -> memref<1x128xi32, #tpu.memory_space<vmem>>
      %dma_wait3A_190 = tpu.memref_squeeze %dma_wait3A_189 : memref<1x128xi32, #tpu.memory_space<vmem>> -> memref<128xi32, #tpu.memory_space<vmem>>
      %dma_wait3A_191 = arith.constant 0 : i32
      %dma_wait3A_192 = arith.constant 0 : i32
      %dma_wait3A_193 = tpu.memref_slice %arg9[%dma_wait3A_191, %dma_wait3A_192] : memref<10240x16xf32, #tpu.memory_space<vmem_shared>> -> memref<10240x16xf32, #tpu.memory_space<vmem_shared>>
      tpu.wait_indirect_dma semaphore(%arg8 : memref<!tpu.dma_semaphore, #tpu.memory_space<semaphore_mem>>) src(%arg7 : memref<128x16xf32, #tpu.memory_space<vmem>>) dst(%dma_wait3A_193 : memref<10240x16xf32, #tpu.memory_space<vmem_shared>>)
      %mul3A_194 = arith.constant 16 : i32
      %mul3A_195 = arith.muli %scan3A_15, %mul3A_194 : i32
      %add3A_196 = arith.constant 2 : i32
      %add3A_197 = arith.addi %mul3A_195, %add3A_196 : i32
      %dma_wait3A_198 = arith.constant 0 : i32
      %dma_wait3A_199 = tpu.memref_slice %arg6[%add3A_197, %dma_wait3A_198] : memref<80x128xi32, #tpu.memory_space<vmem>> -> memref<1x128xi32, #tpu.memory_space<vmem>>
      %dma_wait3A_200 = tpu.memref_squeeze %dma_wait3A_199 : memref<1x128xi32, #tpu.memory_space<vmem>> -> memref<128xi32, #tpu.memory_space<vmem>>
      %dma_wait3A_201 = arith.constant 0 : i32
      %dma_wait3A_202 = arith.constant 0 : i32
      %dma_wait3A_203 = tpu.memref_slice %arg9[%dma_wait3A_201, %dma_wait3A_202] : memref<10240x16xf32, #tpu.memory_space<vmem_shared>> -> memref<10240x16xf32, #tpu.memory_space<vmem_shared>>
      tpu.wait_indirect_dma semaphore(%arg8 : memref<!tpu.dma_semaphore, #tpu.memory_space<semaphore_mem>>) src(%arg7 : memref<128x16xf32, #tpu.memory_space<vmem>>) dst(%dma_wait3A_203 : memref<10240x16xf32, #tpu.memory_space<vmem_shared>>)
      %mul3A_204 = arith.constant 16 : i32
      %mul3A_205 = arith.muli %scan3A_15, %mul3A_204 : i32
      %add3A_206 = arith.constant 3 : i32
      %add3A_207 = arith.addi %mul3A_205, %add3A_206 : i32
      %dma_wait3A_208 = arith.constant 0 : i32
      %dma_wait3A_209 = tpu.memref_slice %arg6[%add3A_207, %dma_wait3A_208] : memref<80x128xi32, #tpu.memory_space<vmem>> -> memref<1x128xi32, #tpu.memory_space<vmem>>
      %dma_wait3A_210 = tpu.memref_squeeze %dma_wait3A_209 : memref<1x128xi32, #tpu.memory_space<vmem>> -> memref<128xi32, #tpu.memory_space<vmem>>
      %dma_wait3A_211 = arith.constant 0 : i32
      %dma_wait3A_212 = arith.constant 0 : i32
      %dma_wait3A_213 = tpu.memref_slice %arg9[%dma_wait3A_211, %dma_wait3A_212] : memref<10240x16xf32, #tpu.memory_space<vmem_shared>> -> memref<10240x16xf32, #tpu.memory_space<vmem_shared>>
      tpu.wait_indirect_dma semaphore(%arg8 : memref<!tpu.dma_semaphore, #tpu.memory_space<semaphore_mem>>) src(%arg7 : memref<128x16xf32, #tpu.memory_space<vmem>>) dst(%dma_wait3A_213 : memref<10240x16xf32, #tpu.memory_space<vmem_shared>>)
      %mul3A_214 = arith.constant 16 : i32
      %mul3A_215 = arith.muli %scan3A_15, %mul3A_214 : i32
      %add3A_216 = arith.constant 4 : i32
      %add3A_217 = arith.addi %mul3A_215, %add3A_216 : i32
      %dma_wait3A_218 = arith.constant 0 : i32
      %dma_wait3A_219 = tpu.memref_slice %arg6[%add3A_217, %dma_wait3A_218] : memref<80x128xi32, #tpu.memory_space<vmem>> -> memref<1x128xi32, #tpu.memory_space<vmem>>
      %dma_wait3A_220 = tpu.memref_squeeze %dma_wait3A_219 : memref<1x128xi32, #tpu.memory_space<vmem>> -> memref<128xi32, #tpu.memory_space<vmem>>
      %dma_wait3A_221 = arith.constant 0 : i32
      %dma_wait3A_222 = arith.constant 0 : i32
      %dma_wait3A_223 = tpu.memref_slice %arg9[%dma_wait3A_221, %dma_wait3A_222] : memref<10240x16xf32, #tpu.memory_space<vmem_shared>> -> memref<10240x16xf32, #tpu.memory_space<vmem_shared>>
      tpu.wait_indirect_dma semaphore(%arg8 : memref<!tpu.dma_semaphore, #tpu.memory_space<semaphore_mem>>) src(%arg7 : memref<128x16xf32, #tpu.memory_space<vmem>>) dst(%dma_wait3A_223 : memref<10240x16xf32, #tpu.memory_space<vmem_shared>>)
      %mul3A_224 = arith.constant 16 : i32
      %mul3A_225 = arith.muli %scan3A_15, %mul3A_224 : i32
      %add3A_226 = arith.constant 5 : i32
      %add3A_227 = arith.addi %mul3A_225, %add3A_226 : i32
      %dma_wait3A_228 = arith.constant 0 : i32
      %dma_wait3A_229 = tpu.memref_slice %arg6[%add3A_227, %dma_wait3A_228] : memref<80x128xi32, #tpu.memory_space<vmem>> -> memref<1x128xi32, #tpu.memory_space<vmem>>
      %dma_wait3A_230 = tpu.memref_squeeze %dma_wait3A_229 : memref<1x128xi32, #tpu.memory_space<vmem>> -> memref<128xi32, #tpu.memory_space<vmem>>
      %dma_wait3A_231 = arith.constant 0 : i32
      %dma_wait3A_232 = arith.constant 0 : i32
      %dma_wait3A_233 = tpu.memref_slice %arg9[%dma_wait3A_231, %dma_wait3A_232] : memref<10240x16xf32, #tpu.memory_space<vmem_shared>> -> memref<10240x16xf32, #tpu.memory_space<vmem_shared>>
      tpu.wait_indirect_dma semaphore(%arg8 : memref<!tpu.dma_semaphore, #tpu.memory_space<semaphore_mem>>) src(%arg7 : memref<128x16xf32, #tpu.memory_space<vmem>>) dst(%dma_wait3A_233 : memref<10240x16xf32, #tpu.memory_space<vmem_shared>>)
      %mul3A_234 = arith.constant 16 : i32
      %mul3A_235 = arith.muli %scan3A_15, %mul3A_234 : i32
      %add3A_236 = arith.constant 6 : i32
      %add3A_237 = arith.addi %mul3A_235, %add3A_236 : i32
      %dma_wait3A_238 = arith.constant 0 : i32
      %dma_wait3A_239 = tpu.memref_slice %arg6[%add3A_237, %dma_wait3A_238] : memref<80x128xi32, #tpu.memory_space<vmem>> -> memref<1x128xi32, #tpu.memory_space<vmem>>
      %dma_wait3A_240 = tpu.memref_squeeze %dma_wait3A_239 : memref<1x128xi32, #tpu.memory_space<vmem>> -> memref<128xi32, #tpu.memory_space<vmem>>
      %dma_wait3A_241 = arith.constant 0 : i32
      %dma_wait3A_242 = arith.constant 0 : i32
      %dma_wait3A_243 = tpu.memref_slice %arg9[%dma_wait3A_241, %dma_wait3A_242] : memref<10240x16xf32, #tpu.memory_space<vmem_shared>> -> memref<10240x16xf32, #tpu.memory_space<vmem_shared>>
      tpu.wait_indirect_dma semaphore(%arg8 : memref<!tpu.dma_semaphore, #tpu.memory_space<semaphore_mem>>) src(%arg7 : memref<128x16xf32, #tpu.memory_space<vmem>>) dst(%dma_wait3A_243 : memref<10240x16xf32, #tpu.memory_space<vmem_shared>>)
      %mul3A_244 = arith.constant 16 : i32
      %mul3A_245 = arith.muli %scan3A_15, %mul3A_244 : i32
      %add3A_246 = arith.constant 7 : i32
      %add3A_247 = arith.addi %mul3A_245, %add3A_246 : i32
      %dma_wait3A_248 = arith.constant 0 : i32
      %dma_wait3A_249 = tpu.memref_slice %arg6[%add3A_247, %dma_wait3A_248] : memref<80x128xi32, #tpu.memory_space<vmem>> -> memref<1x128xi32, #tpu.memory_space<vmem>>
      %dma_wait3A_250 = tpu.memref_squeeze %dma_wait3A_249 : memref<1x128xi32, #tpu.memory_space<vmem>> -> memref<128xi32, #tpu.memory_space<vmem>>
      %dma_wait3A_251 = arith.constant 0 : i32
      %dma_wait3A_252 = arith.constant 0 : i32
      %dma_wait3A_253 = tpu.memref_slice %arg9[%dma_wait3A_251, %dma_wait3A_252] : memref<10240x16xf32, #tpu.memory_space<vmem_shared>> -> memref<10240x16xf32, #tpu.memory_space<vmem_shared>>
      tpu.wait_indirect_dma semaphore(%arg8 : memref<!tpu.dma_semaphore, #tpu.memory_space<semaphore_mem>>) src(%arg7 : memref<128x16xf32, #tpu.memory_space<vmem>>) dst(%dma_wait3A_253 : memref<10240x16xf32, #tpu.memory_space<vmem_shared>>)
      %mul3A_254 = arith.constant 16 : i32
      %mul3A_255 = arith.muli %scan3A_15, %mul3A_254 : i32
      %add3A_256 = arith.constant 8 : i32
      %add3A_257 = arith.addi %mul3A_255, %add3A_256 : i32
      %dma_wait3A_258 = arith.constant 0 : i32
      %dma_wait3A_259 = tpu.memref_slice %arg6[%add3A_257, %dma_wait3A_258] : memref<80x128xi32, #tpu.memory_space<vmem>> -> memref<1x128xi32, #tpu.memory_space<vmem>>
      %dma_wait3A_260 = tpu.memref_squeeze %dma_wait3A_259 : memref<1x128xi32, #tpu.memory_space<vmem>> -> memref<128xi32, #tpu.memory_space<vmem>>
      %dma_wait3A_261 = arith.constant 0 : i32
      %dma_wait3A_262 = arith.constant 0 : i32
      %dma_wait3A_263 = tpu.memref_slice %arg9[%dma_wait3A_261, %dma_wait3A_262] : memref<10240x16xf32, #tpu.memory_space<vmem_shared>> -> memref<10240x16xf32, #tpu.memory_space<vmem_shared>>
      tpu.wait_indirect_dma semaphore(%arg8 : memref<!tpu.dma_semaphore, #tpu.memory_space<semaphore_mem>>) src(%arg7 : memref<128x16xf32, #tpu.memory_space<vmem>>) dst(%dma_wait3A_263 : memref<10240x16xf32, #tpu.memory_space<vmem_shared>>)
      %mul3A_264 = arith.constant 16 : i32
      %mul3A_265 = arith.muli %scan3A_15, %mul3A_264 : i32
      %add3A_266 = arith.constant 9 : i32
      %add3A_267 = arith.addi %mul3A_265, %add3A_266 : i32
      %dma_wait3A_268 = arith.constant 0 : i32
      %dma_wait3A_269 = tpu.memref_slice %arg6[%add3A_267, %dma_wait3A_268] : memref<80x128xi32, #tpu.memory_space<vmem>> -> memref<1x128xi32, #tpu.memory_space<vmem>>
      %dma_wait3A_270 = tpu.memref_squeeze %dma_wait3A_269 : memref<1x128xi32, #tpu.memory_space<vmem>> -> memref<128xi32, #tpu.memory_space<vmem>>
      %dma_wait3A_271 = arith.constant 0 : i32
      %dma_wait3A_272 = arith.constant 0 : i32
      %dma_wait3A_273 = tpu.memref_slice %arg9[%dma_wait3A_271, %dma_wait3A_272] : memref<10240x16xf32, #tpu.memory_space<vmem_shared>> -> memref<10240x16xf32, #tpu.memory_space<vmem_shared>>
      tpu.wait_indirect_dma semaphore(%arg8 : memref<!tpu.dma_semaphore, #tpu.memory_space<semaphore_mem>>) src(%arg7 : memref<128x16xf32, #tpu.memory_space<vmem>>) dst(%dma_wait3A_273 : memref<10240x16xf32, #tpu.memory_space<vmem_shared>>)
      %mul3A_274 = arith.constant 16 : i32
      %mul3A_275 = arith.muli %scan3A_15, %mul3A_274 : i32
      %add3A_276 = arith.constant 10 : i32
      %add3A_277 = arith.addi %mul3A_275, %add3A_276 : i32
      %dma_wait3A_278 = arith.constant 0 : i32
      %dma_wait3A_279 = tpu.memref_slice %arg6[%add3A_277, %dma_wait3A_278] : memref<80x128xi32, #tpu.memory_space<vmem>> -> memref<1x128xi32, #tpu.memory_space<vmem>>
      %dma_wait3A_280 = tpu.memref_squeeze %dma_wait3A_279 : memref<1x128xi32, #tpu.memory_space<vmem>> -> memref<128xi32, #tpu.memory_space<vmem>>
      %dma_wait3A_281 = arith.constant 0 : i32
      %dma_wait3A_282 = arith.constant 0 : i32
      %dma_wait3A_283 = tpu.memref_slice %arg9[%dma_wait3A_281, %dma_wait3A_282] : memref<10240x16xf32, #tpu.memory_space<vmem_shared>> -> memref<10240x16xf32, #tpu.memory_space<vmem_shared>>
      tpu.wait_indirect_dma semaphore(%arg8 : memref<!tpu.dma_semaphore, #tpu.memory_space<semaphore_mem>>) src(%arg7 : memref<128x16xf32, #tpu.memory_space<vmem>>) dst(%dma_wait3A_283 : memref<10240x16xf32, #tpu.memory_space<vmem_shared>>)
      %mul3A_284 = arith.constant 16 : i32
      %mul3A_285 = arith.muli %scan3A_15, %mul3A_284 : i32
      %add3A_286 = arith.constant 11 : i32
      %add3A_287 = arith.addi %mul3A_285, %add3A_286 : i32
      %dma_wait3A_288 = arith.constant 0 : i32
      %dma_wait3A_289 = tpu.memref_slice %arg6[%add3A_287, %dma_wait3A_288] : memref<80x128xi32, #tpu.memory_space<vmem>> -> memref<1x128xi32, #tpu.memory_space<vmem>>
      %dma_wait3A_290 = tpu.memref_squeeze %dma_wait3A_289 : memref<1x128xi32, #tpu.memory_space<vmem>> -> memref<128xi32, #tpu.memory_space<vmem>>
      %dma_wait3A_291 = arith.constant 0 : i32
      %dma_wait3A_292 = arith.constant 0 : i32
      %dma_wait3A_293 = tpu.memref_slice %arg9[%dma_wait3A_291, %dma_wait3A_292] : memref<10240x16xf32, #tpu.memory_space<vmem_shared>> -> memref<10240x16xf32, #tpu.memory_space<vmem_shared>>
      tpu.wait_indirect_dma semaphore(%arg8 : memref<!tpu.dma_semaphore, #tpu.memory_space<semaphore_mem>>) src(%arg7 : memref<128x16xf32, #tpu.memory_space<vmem>>) dst(%dma_wait3A_293 : memref<10240x16xf32, #tpu.memory_space<vmem_shared>>)
      %mul3A_294 = arith.constant 16 : i32
      %mul3A_295 = arith.muli %scan3A_15, %mul3A_294 : i32
      %add3A_296 = arith.constant 12 : i32
      %add3A_297 = arith.addi %mul3A_295, %add3A_296 : i32
      %dma_wait3A_298 = arith.constant 0 : i32
      %dma_wait3A_299 = tpu.memref_slice %arg6[%add3A_297, %dma_wait3A_298] : memref<80x128xi32, #tpu.memory_space<vmem>> -> memref<1x128xi32, #tpu.memory_space<vmem>>
      %dma_wait3A_300 = tpu.memref_squeeze %dma_wait3A_299 : memref<1x128xi32, #tpu.memory_space<vmem>> -> memref<128xi32, #tpu.memory_space<vmem>>
      %dma_wait3A_301 = arith.constant 0 : i32
      %dma_wait3A_302 = arith.constant 0 : i32
      %dma_wait3A_303 = tpu.memref_slice %arg9[%dma_wait3A_301, %dma_wait3A_302] : memref<10240x16xf32, #tpu.memory_space<vmem_shared>> -> memref<10240x16xf32, #tpu.memory_space<vmem_shared>>
      tpu.wait_indirect_dma semaphore(%arg8 : memref<!tpu.dma_semaphore, #tpu.memory_space<semaphore_mem>>) src(%arg7 : memref<128x16xf32, #tpu.memory_space<vmem>>) dst(%dma_wait3A_303 : memref<10240x16xf32, #tpu.memory_space<vmem_shared>>)
      %mul3A_304 = arith.constant 16 : i32
      %mul3A_305 = arith.muli %scan3A_15, %mul3A_304 : i32
      %add3A_306 = arith.constant 13 : i32
      %add3A_307 = arith.addi %mul3A_305, %add3A_306 : i32
      %dma_wait3A_308 = arith.constant 0 : i32
      %dma_wait3A_309 = tpu.memref_slice %arg6[%add3A_307, %dma_wait3A_308] : memref<80x128xi32, #tpu.memory_space<vmem>> -> memref<1x128xi32, #tpu.memory_space<vmem>>
      %dma_wait3A_310 = tpu.memref_squeeze %dma_wait3A_309 : memref<1x128xi32, #tpu.memory_space<vmem>> -> memref<128xi32, #tpu.memory_space<vmem>>
      %dma_wait3A_311 = arith.constant 0 : i32
      %dma_wait3A_312 = arith.constant 0 : i32
      %dma_wait3A_313 = tpu.memref_slice %arg9[%dma_wait3A_311, %dma_wait3A_312] : memref<10240x16xf32, #tpu.memory_space<vmem_shared>> -> memref<10240x16xf32, #tpu.memory_space<vmem_shared>>
      tpu.wait_indirect_dma semaphore(%arg8 : memref<!tpu.dma_semaphore, #tpu.memory_space<semaphore_mem>>) src(%arg7 : memref<128x16xf32, #tpu.memory_space<vmem>>) dst(%dma_wait3A_313 : memref<10240x16xf32, #tpu.memory_space<vmem_shared>>)
      %mul3A_314 = arith.constant 16 : i32
      %mul3A_315 = arith.muli %scan3A_15, %mul3A_314 : i32
      %add3A_316 = arith.constant 14 : i32
      %add3A_317 = arith.addi %mul3A_315, %add3A_316 : i32
      %dma_wait3A_318 = arith.constant 0 : i32
      %dma_wait3A_319 = tpu.memref_slice %arg6[%add3A_317, %dma_wait3A_318] : memref<80x128xi32, #tpu.memory_space<vmem>> -> memref<1x128xi32, #tpu.memory_space<vmem>>
      %dma_wait3A_320 = tpu.memref_squeeze %dma_wait3A_319 : memref<1x128xi32, #tpu.memory_space<vmem>> -> memref<128xi32, #tpu.memory_space<vmem>>
      %dma_wait3A_321 = arith.constant 0 : i32
      %dma_wait3A_322 = arith.constant 0 : i32
      %dma_wait3A_323 = tpu.memref_slice %arg9[%dma_wait3A_321, %dma_wait3A_322] : memref<10240x16xf32, #tpu.memory_space<vmem_shared>> -> memref<10240x16xf32, #tpu.memory_space<vmem_shared>>
      tpu.wait_indirect_dma semaphore(%arg8 : memref<!tpu.dma_semaphore, #tpu.memory_space<semaphore_mem>>) src(%arg7 : memref<128x16xf32, #tpu.memory_space<vmem>>) dst(%dma_wait3A_323 : memref<10240x16xf32, #tpu.memory_space<vmem_shared>>)
      %mul3A_324 = arith.constant 16 : i32
      %mul3A_325 = arith.muli %scan3A_15, %mul3A_324 : i32
      %add3A_326 = arith.constant 15 : i32
      %add3A_327 = arith.addi %mul3A_325, %add3A_326 : i32
      %dma_wait3A_328 = arith.constant 0 : i32
      %dma_wait3A_329 = tpu.memref_slice %arg6[%add3A_327, %dma_wait3A_328] : memref<80x128xi32, #tpu.memory_space<vmem>> -> memref<1x128xi32, #tpu.memory_space<vmem>>
      %dma_wait3A_330 = tpu.memref_squeeze %dma_wait3A_329 : memref<1x128xi32, #tpu.memory_space<vmem>> -> memref<128xi32, #tpu.memory_space<vmem>>
      %dma_wait3A_331 = arith.constant 0 : i32
      %dma_wait3A_332 = arith.constant 0 : i32
      %dma_wait3A_333 = tpu.memref_slice %arg9[%dma_wait3A_331, %dma_wait3A_332] : memref<10240x16xf32, #tpu.memory_space<vmem_shared>> -> memref<10240x16xf32, #tpu.memory_space<vmem_shared>>
      tpu.wait_indirect_dma semaphore(%arg8 : memref<!tpu.dma_semaphore, #tpu.memory_space<semaphore_mem>>) src(%arg7 : memref<128x16xf32, #tpu.memory_space<vmem>>) dst(%dma_wait3A_333 : memref<10240x16xf32, #tpu.memory_space<vmem_shared>>)
    }
    %scan3A_9 = arith.constant 5 : i32
    %barrier3A_10 = arith.constant 0 : index
    tpu.barrier barrier_id(%barrier3A_10)
    %mul3A_11 = arith.constant 640 : i32
    %mul3A_12 = arith.muli %arg1, %mul3A_11 : i32
    %mul3A_13 = arith.constant 640 : i32
    %mul3A_14 = arith.muli %arg1, %mul3A_13 : i32
    "tpu.region"() ({
      %run_scoped3A = tpu.sem_alloc : memref<!tpu.dma_semaphore, #tpu.memory_space<semaphore_mem>>
      %dma_start3A = arith.constant 0 : i32
      %dma_start3A_15 = tpu.memref_slice %arg5[%arg0, %mul3A_14, %dma_start3A] : memref<2x10240x16xf32, #tpu.memory_space<hbm>> -> memref<1x640x16xf32, #tpu.memory_space<hbm>>
      %dma_start3A_16 = tpu.memref_squeeze %dma_start3A_15 : memref<1x640x16xf32, #tpu.memory_space<hbm>> -> memref<640x16xf32, #tpu.memory_space<hbm>>
      %dma_start3A_17 = arith.constant 0 : i32
      %dma_start3A_18 = tpu.memref_slice %arg9[%mul3A_12, %dma_start3A_17] : memref<10240x16xf32, #tpu.memory_space<vmem_shared>> -> memref<640x16xf32, #tpu.memory_space<vmem_shared>>
      tpu.enqueue_dma source(%dma_start3A_18 : memref<640x16xf32, #tpu.memory_space<vmem_shared>>) target(%dma_start3A_16 : memref<640x16xf32, #tpu.memory_space<hbm>>) target_semaphore(%run_scoped3A : memref<!tpu.dma_semaphore, #tpu.memory_space<semaphore_mem>>)
      %dma_wait3A = arith.constant 0 : i32
      %dma_wait3A_19 = tpu.memref_slice %arg5[%arg0, %mul3A_14, %dma_wait3A] : memref<2x10240x16xf32, #tpu.memory_space<hbm>> -> memref<1x640x16xf32, #tpu.memory_space<hbm>>
      %dma_wait3A_20 = tpu.memref_squeeze %dma_wait3A_19 : memref<1x640x16xf32, #tpu.memory_space<hbm>> -> memref<640x16xf32, #tpu.memory_space<hbm>>
      %dma_wait3A_21 = arith.constant 0 : i32
      %dma_wait3A_22 = tpu.memref_slice %arg9[%mul3A_12, %dma_wait3A_21] : memref<10240x16xf32, #tpu.memory_space<vmem_shared>> -> memref<640x16xf32, #tpu.memory_space<vmem_shared>>
      tpu.wait_dma2 semaphore(%run_scoped3A : memref<!tpu.dma_semaphore, #tpu.memory_space<semaphore_mem>>) src(%dma_wait3A_22 : memref<640x16xf32, #tpu.memory_space<vmem_shared>>) dst(%dma_wait3A_20 : memref<640x16xf32, #tpu.memory_space<hbm>>)
      tpu.yield
    }) : () -> ()
    return
  }
}

#map = affine_map<(d0, d1) -> (0, 0)>
#map1 = affine_map<(d0, d1) -> (0, 0, 0)>
module attributes {stable_mosaic.version = 14 : i64} {
  func.func @_prop_kernel(%arg0: i32, %arg1: i32, %arg2: memref<10000x128xf32, #tpu.memory_space<hbm>>, %arg3: memref<32x80x128xi32, #tpu.memory_space<hbm>>, %arg4: memref<32x80x128xi32, #tpu.memory_space<hbm>>, %arg5: memref<10240x128xf32, #tpu.memory_space<hbm>>, %arg6: memref<2x10240x128xf32, #tpu.memory_space<hbm>>, %arg7: memref<40x128xi32, #tpu.memory_space<vmem>>, %arg8: memref<40x128xi32, #tpu.memory_space<vmem>>, %arg9: memref<128x128xf32, #tpu.memory_space<vmem>>, %arg10: memref<128x128xf32, #tpu.memory_space<vmem>>, %arg11: memref<!tpu.dma_semaphore, #tpu.memory_space<semaphore_mem>>, %arg12: memref<!tpu.dma_semaphore, #tpu.memory_space<semaphore_mem>>, %arg13: memref<10240x128xf32, #tpu.memory_space<vmem_shared>>) attributes {dimension_semantics = [#tpu.dimension_semantics<core_parallel>, #tpu.dimension_semantics<subcore_parallel>], iteration_bounds = array<i64: 2, 16>, scalar_prefetch = 0 : i64, scratch_operands = 7 : i64, tpu.core_type = #tpu.core_type<sc_vector_subcore>, window_params = [{transform_indices = #map}, {transform_indices = #map1}, {transform_indices = #map1}, {transform_indices = #map}, {transform_indices = #map1}]} {
    %mul3A = arith.constant 2 : i32
    %mul3A_0 = arith.muli %arg1, %mul3A : i32
    %add3A = arith.addi %mul3A_0, %arg0 : i32
    %mul3A_1 = arith.constant 640 : i32
    %mul3A_2 = arith.muli %arg1, %mul3A_1 : i32
    %mul3A_3 = arith.constant 640 : i32
    %mul3A_4 = arith.muli %arg1, %mul3A_3 : i32
    "tpu.region"() ({
      %run_scoped3A = tpu.sem_alloc : memref<!tpu.dma_semaphore, #tpu.memory_space<semaphore_mem>>
      %dma_start3A = arith.constant 0 : i32
      %dma_start3A_15 = tpu.memref_slice %arg13[%mul3A_4, %dma_start3A] : memref<10240x128xf32, #tpu.memory_space<vmem_shared>> -> memref<640x128xf32, #tpu.memory_space<vmem_shared>>
      %dma_start3A_16 = arith.constant 0 : i32
      %dma_start3A_17 = tpu.memref_slice %arg5[%mul3A_2, %dma_start3A_16] : memref<10240x128xf32, #tpu.memory_space<hbm>> -> memref<640x128xf32, #tpu.memory_space<hbm>>
      tpu.enqueue_dma source(%dma_start3A_17 : memref<640x128xf32, #tpu.memory_space<hbm>>) target(%dma_start3A_15 : memref<640x128xf32, #tpu.memory_space<vmem_shared>>) target_semaphore(%run_scoped3A : memref<!tpu.dma_semaphore, #tpu.memory_space<semaphore_mem>>)
      %dma_wait3A = arith.constant 0 : i32
      %dma_wait3A_18 = tpu.memref_slice %arg13[%mul3A_4, %dma_wait3A] : memref<10240x128xf32, #tpu.memory_space<vmem_shared>> -> memref<640x128xf32, #tpu.memory_space<vmem_shared>>
      %dma_wait3A_19 = arith.constant 0 : i32
      %dma_wait3A_20 = tpu.memref_slice %arg5[%mul3A_2, %dma_wait3A_19] : memref<10240x128xf32, #tpu.memory_space<hbm>> -> memref<640x128xf32, #tpu.memory_space<hbm>>
      tpu.wait_dma2 semaphore(%run_scoped3A : memref<!tpu.dma_semaphore, #tpu.memory_space<semaphore_mem>>) src(%dma_wait3A_20 : memref<640x128xf32, #tpu.memory_space<hbm>>) dst(%dma_wait3A_18 : memref<640x128xf32, #tpu.memory_space<vmem_shared>>)
      tpu.yield
    }) : () -> ()
    %barrier3A = arith.constant 0 : index
    tpu.barrier barrier_id(%barrier3A)
    %scan3A = arith.constant 0 : i32
    %scan3A_5 = arith.constant 0 : i32
    %scan3A_6 = arith.constant 2 : i32
    %scan3A_7 = arith.addi %scan3A_5, %scan3A_6 : i32
    %scan3A_8 = arith.constant 1 : i32
    scf.for %scan3A_15 = %scan3A_5 to %scan3A_7 step %scan3A_8  : i32 {
      %mul3A_16 = arith.constant 40 : i32
      %mul3A_17 = arith.muli %scan3A_15, %mul3A_16 : i32
      "tpu.region"() ({
        %run_scoped3A_53 = tpu.sem_alloc : memref<!tpu.dma_semaphore, #tpu.memory_space<semaphore_mem>>
        %dma_start3A_54 = arith.constant 0 : i32
        %dma_start3A_55 = tpu.memref_slice %arg3[%add3A, %mul3A_17, %dma_start3A_54] : memref<32x80x128xi32, #tpu.memory_space<hbm>> -> memref<1x40x128xi32, #tpu.memory_space<hbm>>
        %dma_start3A_56 = tpu.memref_squeeze %dma_start3A_55 : memref<1x40x128xi32, #tpu.memory_space<hbm>> -> memref<40x128xi32, #tpu.memory_space<hbm>>
        %dma_start3A_57 = arith.constant 0 : i32
        %dma_start3A_58 = tpu.memref_slice %arg3[%add3A, %mul3A_17, %dma_start3A_57] : memref<32x80x128xi32, #tpu.memory_space<hbm>> -> memref<1x40x128xi32, #tpu.memory_space<hbm>>
        %dma_start3A_59 = tpu.memref_squeeze %dma_start3A_58 : memref<1x40x128xi32, #tpu.memory_space<hbm>> -> memref<40x128xi32, #tpu.memory_space<hbm>>
        tpu.enqueue_dma source(%dma_start3A_59 : memref<40x128xi32, #tpu.memory_space<hbm>>) target(%arg7 : memref<40x128xi32, #tpu.memory_space<vmem>>) target_semaphore(%run_scoped3A_53 : memref<!tpu.dma_semaphore, #tpu.memory_space<semaphore_mem>>)
        %dma_wait3A_60 = arith.constant 0 : i32
        %dma_wait3A_61 = tpu.memref_slice %arg3[%add3A, %mul3A_17, %dma_wait3A_60] : memref<32x80x128xi32, #tpu.memory_space<hbm>> -> memref<1x40x128xi32, #tpu.memory_space<hbm>>
        %dma_wait3A_62 = tpu.memref_squeeze %dma_wait3A_61 : memref<1x40x128xi32, #tpu.memory_space<hbm>> -> memref<40x128xi32, #tpu.memory_space<hbm>>
        %dma_wait3A_63 = arith.constant 0 : i32
        %dma_wait3A_64 = tpu.memref_slice %arg3[%add3A, %mul3A_17, %dma_wait3A_63] : memref<32x80x128xi32, #tpu.memory_space<hbm>> -> memref<1x40x128xi32, #tpu.memory_space<hbm>>
        %dma_wait3A_65 = tpu.memref_squeeze %dma_wait3A_64 : memref<1x40x128xi32, #tpu.memory_space<hbm>> -> memref<40x128xi32, #tpu.memory_space<hbm>>
        tpu.wait_dma2 semaphore(%run_scoped3A_53 : memref<!tpu.dma_semaphore, #tpu.memory_space<semaphore_mem>>) src(%dma_wait3A_65 : memref<40x128xi32, #tpu.memory_space<hbm>>) dst(%arg7 : memref<40x128xi32, #tpu.memory_space<vmem>>)
        tpu.yield
      }) : () -> ()
      %mul3A_18 = arith.constant 40 : i32
      %mul3A_19 = arith.muli %scan3A_15, %mul3A_18 : i32
      "tpu.region"() ({
        %run_scoped3A_53 = tpu.sem_alloc : memref<!tpu.dma_semaphore, #tpu.memory_space<semaphore_mem>>
        %dma_start3A_54 = arith.constant 0 : i32
        %dma_start3A_55 = tpu.memref_slice %arg4[%add3A, %mul3A_19, %dma_start3A_54] : memref<32x80x128xi32, #tpu.memory_space<hbm>> -> memref<1x40x128xi32, #tpu.memory_space<hbm>>
        %dma_start3A_56 = tpu.memref_squeeze %dma_start3A_55 : memref<1x40x128xi32, #tpu.memory_space<hbm>> -> memref<40x128xi32, #tpu.memory_space<hbm>>
        %dma_start3A_57 = arith.constant 0 : i32
        %dma_start3A_58 = tpu.memref_slice %arg4[%add3A, %mul3A_19, %dma_start3A_57] : memref<32x80x128xi32, #tpu.memory_space<hbm>> -> memref<1x40x128xi32, #tpu.memory_space<hbm>>
        %dma_start3A_59 = tpu.memref_squeeze %dma_start3A_58 : memref<1x40x128xi32, #tpu.memory_space<hbm>> -> memref<40x128xi32, #tpu.memory_space<hbm>>
        tpu.enqueue_dma source(%dma_start3A_59 : memref<40x128xi32, #tpu.memory_space<hbm>>) target(%arg8 : memref<40x128xi32, #tpu.memory_space<vmem>>) target_semaphore(%run_scoped3A_53 : memref<!tpu.dma_semaphore, #tpu.memory_space<semaphore_mem>>)
        %dma_wait3A_60 = arith.constant 0 : i32
        %dma_wait3A_61 = tpu.memref_slice %arg4[%add3A, %mul3A_19, %dma_wait3A_60] : memref<32x80x128xi32, #tpu.memory_space<hbm>> -> memref<1x40x128xi32, #tpu.memory_space<hbm>>
        %dma_wait3A_62 = tpu.memref_squeeze %dma_wait3A_61 : memref<1x40x128xi32, #tpu.memory_space<hbm>> -> memref<40x128xi32, #tpu.memory_space<hbm>>
        %dma_wait3A_63 = arith.constant 0 : i32
        %dma_wait3A_64 = tpu.memref_slice %arg4[%add3A, %mul3A_19, %dma_wait3A_63] : memref<32x80x128xi32, #tpu.memory_space<hbm>> -> memref<1x40x128xi32, #tpu.memory_space<hbm>>
        %dma_wait3A_65 = tpu.memref_squeeze %dma_wait3A_64 : memref<1x40x128xi32, #tpu.memory_space<hbm>> -> memref<40x128xi32, #tpu.memory_space<hbm>>
        tpu.wait_dma2 semaphore(%run_scoped3A_53 : memref<!tpu.dma_semaphore, #tpu.memory_space<semaphore_mem>>) src(%dma_wait3A_65 : memref<40x128xi32, #tpu.memory_space<hbm>>) dst(%arg8 : memref<40x128xi32, #tpu.memory_space<vmem>>)
        tpu.yield
      }) : () -> ()
      %dma_start3A = arith.constant 0 : i32
      %dma_start3A_20 = arith.constant 0 : i32
      %dma_start3A_21 = tpu.memref_slice %arg7[%dma_start3A, %dma_start3A_20] : memref<40x128xi32, #tpu.memory_space<vmem>> -> memref<1x128xi32, #tpu.memory_space<vmem>>
      %dma_start3A_22 = tpu.memref_squeeze %dma_start3A_21 : memref<1x128xi32, #tpu.memory_space<vmem>> -> memref<128xi32, #tpu.memory_space<vmem>>
      %dma_start3A_23 = arith.constant 0 : i32
      %dma_start3A_24 = arith.constant 0 : i32
      %dma_start3A_25 = tpu.memref_slice %arg2[%dma_start3A_23, %dma_start3A_24] : memref<10000x128xf32, #tpu.memory_space<hbm>> -> memref<10000x128xf32, #tpu.memory_space<hbm>>
      tpu.enqueue_indirect_dma source(%dma_start3A_25 : memref<10000x128xf32, #tpu.memory_space<hbm>>) target(%arg9 : memref<128x128xf32, #tpu.memory_space<vmem>>) offsets(%dma_start3A_22 : memref<128xi32, #tpu.memory_space<vmem>>) semaphore(%arg11 : memref<!tpu.dma_semaphore, #tpu.memory_space<semaphore_mem>>)
      %scan3A_26 = arith.constant 0 : i32
      %scan3A_27 = arith.constant 0 : i32
      %scan3A_28 = arith.constant 19 : i32
      %scan3A_29 = arith.addi %scan3A_27, %scan3A_28 : i32
      %scan3A_30 = arith.constant 1 : i32
      scf.for %scan3A_53 = %scan3A_27 to %scan3A_29 step %scan3A_30  : i32 {
        %mul3A_54 = arith.constant 2 : i32
        %mul3A_55 = arith.muli %mul3A_54, %scan3A_53 : i32
        %add3A_56 = arith.constant 1 : i32
        %add3A_57 = arith.addi %mul3A_55, %add3A_56 : i32
        %dma_start3A_58 = arith.constant 0 : i32
        %dma_start3A_59 = tpu.memref_slice %arg7[%add3A_57, %dma_start3A_58] : memref<40x128xi32, #tpu.memory_space<vmem>> -> memref<1x128xi32, #tpu.memory_space<vmem>>
        %dma_start3A_60 = tpu.memref_squeeze %dma_start3A_59 : memref<1x128xi32, #tpu.memory_space<vmem>> -> memref<128xi32, #tpu.memory_space<vmem>>
        %dma_start3A_61 = arith.constant 0 : i32
        %dma_start3A_62 = arith.constant 0 : i32
        %dma_start3A_63 = tpu.memref_slice %arg2[%dma_start3A_61, %dma_start3A_62] : memref<10000x128xf32, #tpu.memory_space<hbm>> -> memref<10000x128xf32, #tpu.memory_space<hbm>>
        tpu.enqueue_indirect_dma source(%dma_start3A_63 : memref<10000x128xf32, #tpu.memory_space<hbm>>) target(%arg10 : memref<128x128xf32, #tpu.memory_space<vmem>>) offsets(%dma_start3A_60 : memref<128xi32, #tpu.memory_space<vmem>>) semaphore(%arg12 : memref<!tpu.dma_semaphore, #tpu.memory_space<semaphore_mem>>)
        %dma_wait3A_64 = arith.constant 0 : i32
        %dma_wait3A_65 = tpu.memref_slice %arg7[%mul3A_55, %dma_wait3A_64] : memref<40x128xi32, #tpu.memory_space<vmem>> -> memref<1x128xi32, #tpu.memory_space<vmem>>
        %dma_wait3A_66 = tpu.memref_squeeze %dma_wait3A_65 : memref<1x128xi32, #tpu.memory_space<vmem>> -> memref<128xi32, #tpu.memory_space<vmem>>
        %dma_wait3A_67 = arith.constant 0 : i32
        %dma_wait3A_68 = arith.constant 0 : i32
        %dma_wait3A_69 = tpu.memref_slice %arg2[%dma_wait3A_67, %dma_wait3A_68] : memref<10000x128xf32, #tpu.memory_space<hbm>> -> memref<10000x128xf32, #tpu.memory_space<hbm>>
        tpu.wait_indirect_dma semaphore(%arg11 : memref<!tpu.dma_semaphore, #tpu.memory_space<semaphore_mem>>) src(%dma_wait3A_69 : memref<10000x128xf32, #tpu.memory_space<hbm>>) dst(%arg9 : memref<128x128xf32, #tpu.memory_space<vmem>>)
        "tpu.region"() ({
          %run_scoped3A_88 = tpu.sem_alloc : memref<!tpu.dma_semaphore, #tpu.memory_space<semaphore_mem>>
          %dma_start3A_89 = arith.constant 0 : i32
          %dma_start3A_90 = tpu.memref_slice %arg8[%mul3A_55, %dma_start3A_89] : memref<40x128xi32, #tpu.memory_space<vmem>> -> memref<1x128xi32, #tpu.memory_space<vmem>>
          %dma_start3A_91 = tpu.memref_squeeze %dma_start3A_90 : memref<1x128xi32, #tpu.memory_space<vmem>> -> memref<128xi32, #tpu.memory_space<vmem>>
          %dma_start3A_92 = arith.constant 0 : i32
          %dma_start3A_93 = arith.constant 0 : i32
          %dma_start3A_94 = tpu.memref_slice %arg13[%dma_start3A_92, %dma_start3A_93] : memref<10240x128xf32, #tpu.memory_space<vmem_shared>> -> memref<10240x128xf32, #tpu.memory_space<vmem_shared>>
          tpu.enqueue_indirect_dma source(%arg9 : memref<128x128xf32, #tpu.memory_space<vmem>>) target(%dma_start3A_94 : memref<10240x128xf32, #tpu.memory_space<vmem_shared>>) offsets(%dma_start3A_91 : memref<128xi32, #tpu.memory_space<vmem>>) semaphore(%run_scoped3A_88 : memref<!tpu.dma_semaphore, #tpu.memory_space<semaphore_mem>>) {add = true}
          %dma_wait3A_95 = arith.constant 0 : i32
          %dma_wait3A_96 = tpu.memref_slice %arg8[%mul3A_55, %dma_wait3A_95] : memref<40x128xi32, #tpu.memory_space<vmem>> -> memref<1x128xi32, #tpu.memory_space<vmem>>
          %dma_wait3A_97 = tpu.memref_squeeze %dma_wait3A_96 : memref<1x128xi32, #tpu.memory_space<vmem>> -> memref<128xi32, #tpu.memory_space<vmem>>
          %dma_wait3A_98 = arith.constant 0 : i32
          %dma_wait3A_99 = arith.constant 0 : i32
          %dma_wait3A_100 = tpu.memref_slice %arg13[%dma_wait3A_98, %dma_wait3A_99] : memref<10240x128xf32, #tpu.memory_space<vmem_shared>> -> memref<10240x128xf32, #tpu.memory_space<vmem_shared>>
          tpu.wait_indirect_dma semaphore(%run_scoped3A_88 : memref<!tpu.dma_semaphore, #tpu.memory_space<semaphore_mem>>) src(%arg9 : memref<128x128xf32, #tpu.memory_space<vmem>>) dst(%dma_wait3A_100 : memref<10240x128xf32, #tpu.memory_space<vmem_shared>>)
          tpu.yield
        }) : () -> ()
        %add3A_70 = arith.constant 2 : i32
        %add3A_71 = arith.addi %mul3A_55, %add3A_70 : i32
        %dma_start3A_72 = arith.constant 0 : i32
        %dma_start3A_73 = tpu.memref_slice %arg7[%add3A_71, %dma_start3A_72] : memref<40x128xi32, #tpu.memory_space<vmem>> -> memref<1x128xi32, #tpu.memory_space<vmem>>
        %dma_start3A_74 = tpu.memref_squeeze %dma_start3A_73 : memref<1x128xi32, #tpu.memory_space<vmem>> -> memref<128xi32, #tpu.memory_space<vmem>>
        %dma_start3A_75 = arith.constant 0 : i32
        %dma_start3A_76 = arith.constant 0 : i32
        %dma_start3A_77 = tpu.memref_slice %arg2[%dma_start3A_75, %dma_start3A_76] : memref<10000x128xf32, #tpu.memory_space<hbm>> -> memref<10000x128xf32, #tpu.memory_space<hbm>>
        tpu.enqueue_indirect_dma source(%dma_start3A_77 : memref<10000x128xf32, #tpu.memory_space<hbm>>) target(%arg9 : memref<128x128xf32, #tpu.memory_space<vmem>>) offsets(%dma_start3A_74 : memref<128xi32, #tpu.memory_space<vmem>>) semaphore(%arg11 : memref<!tpu.dma_semaphore, #tpu.memory_space<semaphore_mem>>)
        %add3A_78 = arith.constant 1 : i32
        %add3A_79 = arith.addi %mul3A_55, %add3A_78 : i32
        %dma_wait3A_80 = arith.constant 0 : i32
        %dma_wait3A_81 = tpu.memref_slice %arg7[%add3A_79, %dma_wait3A_80] : memref<40x128xi32, #tpu.memory_space<vmem>> -> memref<1x128xi32, #tpu.memory_space<vmem>>
        %dma_wait3A_82 = tpu.memref_squeeze %dma_wait3A_81 : memref<1x128xi32, #tpu.memory_space<vmem>> -> memref<128xi32, #tpu.memory_space<vmem>>
        %dma_wait3A_83 = arith.constant 0 : i32
        %dma_wait3A_84 = arith.constant 0 : i32
        %dma_wait3A_85 = tpu.memref_slice %arg2[%dma_wait3A_83, %dma_wait3A_84] : memref<10000x128xf32, #tpu.memory_space<hbm>> -> memref<10000x128xf32, #tpu.memory_space<hbm>>
        tpu.wait_indirect_dma semaphore(%arg12 : memref<!tpu.dma_semaphore, #tpu.memory_space<semaphore_mem>>) src(%dma_wait3A_85 : memref<10000x128xf32, #tpu.memory_space<hbm>>) dst(%arg10 : memref<128x128xf32, #tpu.memory_space<vmem>>)
        %add3A_86 = arith.constant 1 : i32
        %add3A_87 = arith.addi %mul3A_55, %add3A_86 : i32
        "tpu.region"() ({
          %run_scoped3A_88 = tpu.sem_alloc : memref<!tpu.dma_semaphore, #tpu.memory_space<semaphore_mem>>
          %dma_start3A_89 = arith.constant 0 : i32
          %dma_start3A_90 = tpu.memref_slice %arg8[%add3A_87, %dma_start3A_89] : memref<40x128xi32, #tpu.memory_space<vmem>> -> memref<1x128xi32, #tpu.memory_space<vmem>>
          %dma_start3A_91 = tpu.memref_squeeze %dma_start3A_90 : memref<1x128xi32, #tpu.memory_space<vmem>> -> memref<128xi32, #tpu.memory_space<vmem>>
          %dma_start3A_92 = arith.constant 0 : i32
          %dma_start3A_93 = arith.constant 0 : i32
          %dma_start3A_94 = tpu.memref_slice %arg13[%dma_start3A_92, %dma_start3A_93] : memref<10240x128xf32, #tpu.memory_space<vmem_shared>> -> memref<10240x128xf32, #tpu.memory_space<vmem_shared>>
          tpu.enqueue_indirect_dma source(%arg10 : memref<128x128xf32, #tpu.memory_space<vmem>>) target(%dma_start3A_94 : memref<10240x128xf32, #tpu.memory_space<vmem_shared>>) offsets(%dma_start3A_91 : memref<128xi32, #tpu.memory_space<vmem>>) semaphore(%run_scoped3A_88 : memref<!tpu.dma_semaphore, #tpu.memory_space<semaphore_mem>>) {add = true}
          %dma_wait3A_95 = arith.constant 0 : i32
          %dma_wait3A_96 = tpu.memref_slice %arg8[%add3A_87, %dma_wait3A_95] : memref<40x128xi32, #tpu.memory_space<vmem>> -> memref<1x128xi32, #tpu.memory_space<vmem>>
          %dma_wait3A_97 = tpu.memref_squeeze %dma_wait3A_96 : memref<1x128xi32, #tpu.memory_space<vmem>> -> memref<128xi32, #tpu.memory_space<vmem>>
          %dma_wait3A_98 = arith.constant 0 : i32
          %dma_wait3A_99 = arith.constant 0 : i32
          %dma_wait3A_100 = tpu.memref_slice %arg13[%dma_wait3A_98, %dma_wait3A_99] : memref<10240x128xf32, #tpu.memory_space<vmem_shared>> -> memref<10240x128xf32, #tpu.memory_space<vmem_shared>>
          tpu.wait_indirect_dma semaphore(%run_scoped3A_88 : memref<!tpu.dma_semaphore, #tpu.memory_space<semaphore_mem>>) src(%arg10 : memref<128x128xf32, #tpu.memory_space<vmem>>) dst(%dma_wait3A_100 : memref<10240x128xf32, #tpu.memory_space<vmem_shared>>)
          tpu.yield
        }) : () -> ()
      }
      %scan3A_31 = arith.constant 19 : i32
      %dma_start3A_32 = arith.constant 39 : i32
      %dma_start3A_33 = arith.constant 0 : i32
      %dma_start3A_34 = tpu.memref_slice %arg7[%dma_start3A_32, %dma_start3A_33] : memref<40x128xi32, #tpu.memory_space<vmem>> -> memref<1x128xi32, #tpu.memory_space<vmem>>
      %dma_start3A_35 = tpu.memref_squeeze %dma_start3A_34 : memref<1x128xi32, #tpu.memory_space<vmem>> -> memref<128xi32, #tpu.memory_space<vmem>>
      %dma_start3A_36 = arith.constant 0 : i32
      %dma_start3A_37 = arith.constant 0 : i32
      %dma_start3A_38 = tpu.memref_slice %arg2[%dma_start3A_36, %dma_start3A_37] : memref<10000x128xf32, #tpu.memory_space<hbm>> -> memref<10000x128xf32, #tpu.memory_space<hbm>>
      tpu.enqueue_indirect_dma source(%dma_start3A_38 : memref<10000x128xf32, #tpu.memory_space<hbm>>) target(%arg10 : memref<128x128xf32, #tpu.memory_space<vmem>>) offsets(%dma_start3A_35 : memref<128xi32, #tpu.memory_space<vmem>>) semaphore(%arg12 : memref<!tpu.dma_semaphore, #tpu.memory_space<semaphore_mem>>)
      %dma_wait3A = arith.constant 38 : i32
      %dma_wait3A_39 = arith.constant 0 : i32
      %dma_wait3A_40 = tpu.memref_slice %arg7[%dma_wait3A, %dma_wait3A_39] : memref<40x128xi32, #tpu.memory_space<vmem>> -> memref<1x128xi32, #tpu.memory_space<vmem>>
      %dma_wait3A_41 = tpu.memref_squeeze %dma_wait3A_40 : memref<1x128xi32, #tpu.memory_space<vmem>> -> memref<128xi32, #tpu.memory_space<vmem>>
      %dma_wait3A_42 = arith.constant 0 : i32
      %dma_wait3A_43 = arith.constant 0 : i32
      %dma_wait3A_44 = tpu.memref_slice %arg2[%dma_wait3A_42, %dma_wait3A_43] : memref<10000x128xf32, #tpu.memory_space<hbm>> -> memref<10000x128xf32, #tpu.memory_space<hbm>>
      tpu.wait_indirect_dma semaphore(%arg11 : memref<!tpu.dma_semaphore, #tpu.memory_space<semaphore_mem>>) src(%dma_wait3A_44 : memref<10000x128xf32, #tpu.memory_space<hbm>>) dst(%arg9 : memref<128x128xf32, #tpu.memory_space<vmem>>)
      %run_scoped3A = arith.constant 38 : i32
      "tpu.region"() ({
        %run_scoped3A_53 = tpu.sem_alloc : memref<!tpu.dma_semaphore, #tpu.memory_space<semaphore_mem>>
        %dma_start3A_54 = arith.constant 0 : i32
        %dma_start3A_55 = tpu.memref_slice %arg8[%run_scoped3A, %dma_start3A_54] : memref<40x128xi32, #tpu.memory_space<vmem>> -> memref<1x128xi32, #tpu.memory_space<vmem>>
        %dma_start3A_56 = tpu.memref_squeeze %dma_start3A_55 : memref<1x128xi32, #tpu.memory_space<vmem>> -> memref<128xi32, #tpu.memory_space<vmem>>
        %dma_start3A_57 = arith.constant 0 : i32
        %dma_start3A_58 = arith.constant 0 : i32
        %dma_start3A_59 = tpu.memref_slice %arg13[%dma_start3A_57, %dma_start3A_58] : memref<10240x128xf32, #tpu.memory_space<vmem_shared>> -> memref<10240x128xf32, #tpu.memory_space<vmem_shared>>
        tpu.enqueue_indirect_dma source(%arg9 : memref<128x128xf32, #tpu.memory_space<vmem>>) target(%dma_start3A_59 : memref<10240x128xf32, #tpu.memory_space<vmem_shared>>) offsets(%dma_start3A_56 : memref<128xi32, #tpu.memory_space<vmem>>) semaphore(%run_scoped3A_53 : memref<!tpu.dma_semaphore, #tpu.memory_space<semaphore_mem>>) {add = true}
        %dma_wait3A_60 = arith.constant 0 : i32
        %dma_wait3A_61 = tpu.memref_slice %arg8[%run_scoped3A, %dma_wait3A_60] : memref<40x128xi32, #tpu.memory_space<vmem>> -> memref<1x128xi32, #tpu.memory_space<vmem>>
        %dma_wait3A_62 = tpu.memref_squeeze %dma_wait3A_61 : memref<1x128xi32, #tpu.memory_space<vmem>> -> memref<128xi32, #tpu.memory_space<vmem>>
        %dma_wait3A_63 = arith.constant 0 : i32
        %dma_wait3A_64 = arith.constant 0 : i32
        %dma_wait3A_65 = tpu.memref_slice %arg13[%dma_wait3A_63, %dma_wait3A_64] : memref<10240x128xf32, #tpu.memory_space<vmem_shared>> -> memref<10240x128xf32, #tpu.memory_space<vmem_shared>>
        tpu.wait_indirect_dma semaphore(%run_scoped3A_53 : memref<!tpu.dma_semaphore, #tpu.memory_space<semaphore_mem>>) src(%arg9 : memref<128x128xf32, #tpu.memory_space<vmem>>) dst(%dma_wait3A_65 : memref<10240x128xf32, #tpu.memory_space<vmem_shared>>)
        tpu.yield
      }) : () -> ()
      %dma_wait3A_45 = arith.constant 39 : i32
      %dma_wait3A_46 = arith.constant 0 : i32
      %dma_wait3A_47 = tpu.memref_slice %arg7[%dma_wait3A_45, %dma_wait3A_46] : memref<40x128xi32, #tpu.memory_space<vmem>> -> memref<1x128xi32, #tpu.memory_space<vmem>>
      %dma_wait3A_48 = tpu.memref_squeeze %dma_wait3A_47 : memref<1x128xi32, #tpu.memory_space<vmem>> -> memref<128xi32, #tpu.memory_space<vmem>>
      %dma_wait3A_49 = arith.constant 0 : i32
      %dma_wait3A_50 = arith.constant 0 : i32
      %dma_wait3A_51 = tpu.memref_slice %arg2[%dma_wait3A_49, %dma_wait3A_50] : memref<10000x128xf32, #tpu.memory_space<hbm>> -> memref<10000x128xf32, #tpu.memory_space<hbm>>
      tpu.wait_indirect_dma semaphore(%arg12 : memref<!tpu.dma_semaphore, #tpu.memory_space<semaphore_mem>>) src(%dma_wait3A_51 : memref<10000x128xf32, #tpu.memory_space<hbm>>) dst(%arg10 : memref<128x128xf32, #tpu.memory_space<vmem>>)
      %run_scoped3A_52 = arith.constant 39 : i32
      "tpu.region"() ({
        %run_scoped3A_53 = tpu.sem_alloc : memref<!tpu.dma_semaphore, #tpu.memory_space<semaphore_mem>>
        %dma_start3A_54 = arith.constant 0 : i32
        %dma_start3A_55 = tpu.memref_slice %arg8[%run_scoped3A_52, %dma_start3A_54] : memref<40x128xi32, #tpu.memory_space<vmem>> -> memref<1x128xi32, #tpu.memory_space<vmem>>
        %dma_start3A_56 = tpu.memref_squeeze %dma_start3A_55 : memref<1x128xi32, #tpu.memory_space<vmem>> -> memref<128xi32, #tpu.memory_space<vmem>>
        %dma_start3A_57 = arith.constant 0 : i32
        %dma_start3A_58 = arith.constant 0 : i32
        %dma_start3A_59 = tpu.memref_slice %arg13[%dma_start3A_57, %dma_start3A_58] : memref<10240x128xf32, #tpu.memory_space<vmem_shared>> -> memref<10240x128xf32, #tpu.memory_space<vmem_shared>>
        tpu.enqueue_indirect_dma source(%arg10 : memref<128x128xf32, #tpu.memory_space<vmem>>) target(%dma_start3A_59 : memref<10240x128xf32, #tpu.memory_space<vmem_shared>>) offsets(%dma_start3A_56 : memref<128xi32, #tpu.memory_space<vmem>>) semaphore(%run_scoped3A_53 : memref<!tpu.dma_semaphore, #tpu.memory_space<semaphore_mem>>) {add = true}
        %dma_wait3A_60 = arith.constant 0 : i32
        %dma_wait3A_61 = tpu.memref_slice %arg8[%run_scoped3A_52, %dma_wait3A_60] : memref<40x128xi32, #tpu.memory_space<vmem>> -> memref<1x128xi32, #tpu.memory_space<vmem>>
        %dma_wait3A_62 = tpu.memref_squeeze %dma_wait3A_61 : memref<1x128xi32, #tpu.memory_space<vmem>> -> memref<128xi32, #tpu.memory_space<vmem>>
        %dma_wait3A_63 = arith.constant 0 : i32
        %dma_wait3A_64 = arith.constant 0 : i32
        %dma_wait3A_65 = tpu.memref_slice %arg13[%dma_wait3A_63, %dma_wait3A_64] : memref<10240x128xf32, #tpu.memory_space<vmem_shared>> -> memref<10240x128xf32, #tpu.memory_space<vmem_shared>>
        tpu.wait_indirect_dma semaphore(%run_scoped3A_53 : memref<!tpu.dma_semaphore, #tpu.memory_space<semaphore_mem>>) src(%arg10 : memref<128x128xf32, #tpu.memory_space<vmem>>) dst(%dma_wait3A_65 : memref<10240x128xf32, #tpu.memory_space<vmem_shared>>)
        tpu.yield
      }) : () -> ()
    }
    %scan3A_9 = arith.constant 2 : i32
    %barrier3A_10 = arith.constant 0 : index
    tpu.barrier barrier_id(%barrier3A_10)
    %mul3A_11 = arith.constant 640 : i32
    %mul3A_12 = arith.muli %arg1, %mul3A_11 : i32
    %mul3A_13 = arith.constant 640 : i32
    %mul3A_14 = arith.muli %arg1, %mul3A_13 : i32
    "tpu.region"() ({
      %run_scoped3A = tpu.sem_alloc : memref<!tpu.dma_semaphore, #tpu.memory_space<semaphore_mem>>
      %dma_start3A = arith.constant 0 : i32
      %dma_start3A_15 = tpu.memref_slice %arg6[%arg0, %mul3A_14, %dma_start3A] : memref<2x10240x128xf32, #tpu.memory_space<hbm>> -> memref<1x640x128xf32, #tpu.memory_space<hbm>>
      %dma_start3A_16 = tpu.memref_squeeze %dma_start3A_15 : memref<1x640x128xf32, #tpu.memory_space<hbm>> -> memref<640x128xf32, #tpu.memory_space<hbm>>
      %dma_start3A_17 = arith.constant 0 : i32
      %dma_start3A_18 = tpu.memref_slice %arg13[%mul3A_12, %dma_start3A_17] : memref<10240x128xf32, #tpu.memory_space<vmem_shared>> -> memref<640x128xf32, #tpu.memory_space<vmem_shared>>
      tpu.enqueue_dma source(%dma_start3A_18 : memref<640x128xf32, #tpu.memory_space<vmem_shared>>) target(%dma_start3A_16 : memref<640x128xf32, #tpu.memory_space<hbm>>) target_semaphore(%run_scoped3A : memref<!tpu.dma_semaphore, #tpu.memory_space<semaphore_mem>>)
      %dma_wait3A = arith.constant 0 : i32
      %dma_wait3A_19 = tpu.memref_slice %arg6[%arg0, %mul3A_14, %dma_wait3A] : memref<2x10240x128xf32, #tpu.memory_space<hbm>> -> memref<1x640x128xf32, #tpu.memory_space<hbm>>
      %dma_wait3A_20 = tpu.memref_squeeze %dma_wait3A_19 : memref<1x640x128xf32, #tpu.memory_space<hbm>> -> memref<640x128xf32, #tpu.memory_space<hbm>>
      %dma_wait3A_21 = arith.constant 0 : i32
      %dma_wait3A_22 = tpu.memref_slice %arg13[%mul3A_12, %dma_wait3A_21] : memref<10240x128xf32, #tpu.memory_space<vmem_shared>> -> memref<640x128xf32, #tpu.memory_space<vmem_shared>>
      tpu.wait_dma2 semaphore(%run_scoped3A : memref<!tpu.dma_semaphore, #tpu.memory_space<semaphore_mem>>) src(%dma_wait3A_22 : memref<640x128xf32, #tpu.memory_space<vmem_shared>>) dst(%dma_wait3A_20 : memref<640x128xf32, #tpu.memory_space<hbm>>)
      tpu.yield
    }) : () -> ()
    return
  }
}

module attributes {stable_mosaic.version = 14 : i64} {
  func.func @_scale_body(%arg0: i32, %arg1: memref<2x2000x16xf32, #tpu.memory_space<vmem>>, %arg2: memref<2000x128xf32, #tpu.memory_space<vmem>>, %arg3: memref<2000x128xf32, #tpu.memory_space<vmem>>, %arg4: memref<2000x16xf32, #tpu.memory_space<vmem>>) attributes {dimension_semantics = [#tpu.dimension_semantics<arbitrary>], iteration_bounds = array<i64: 5>, scalar_prefetch = 0 : i64, scratch_operands = 0 : i64, tpu.core_type = #tpu.core_type<tc>, window_params = [{transform_indices = @transform_0, window_bounds = array<i64: 2, 2000, 16>}, {transform_indices = @transform_1, window_bounds = array<i64: 2000, 128>}, {transform_indices = @transform_2, window_bounds = array<i64: 2000, 128>}, {transform_indices = @transform_3, window_bounds = array<i64: 2000, 16>}]} {
    %get3A = arith.constant 0 : index
    %get3A_0 = arith.constant 0 : index
    %get3A_1 = arith.constant 0 : index
    %get3A_2 = vector.load %arg1[%get3A, %get3A_0, %get3A_1] : memref<2x2000x16xf32, #tpu.memory_space<vmem>>, vector<1x2000x1xf32>
    %get3A_3 = vector.shape_cast %get3A_2 : vector<1x2000x1xf32> to vector<2000x1xf32>
    %get3A_4 = arith.constant 1 : index
    %get3A_5 = arith.constant 0 : index
    %get3A_6 = arith.constant 0 : index
    %get3A_7 = vector.load %arg1[%get3A_4, %get3A_5, %get3A_6] : memref<2x2000x16xf32, #tpu.memory_space<vmem>>, vector<1x2000x1xf32>
    %get3A_8 = vector.shape_cast %get3A_7 : vector<1x2000x1xf32> to vector<2000x1xf32>
    %add3A = arith.addf %get3A_3, %get3A_8 : vector<2000x1xf32>
    %add3A_9 = arith.constant 1.000000e+00 : f32
    %add3A_10 = vector.broadcast %add3A_9 : f32 to vector<2000x1xf32>
    %add3A_11 = arith.addf %add3A, %add3A_10 : vector<2000x1xf32>
    %rsqrt3A = math.rsqrt %add3A_11 : vector<2000x1xf32>
    %get3A_12 = arith.constant 0 : index
    %get3A_13 = arith.constant 0 : index
    %get3A_14 = vector.load %arg2[%get3A_12, %get3A_13] : memref<2000x128xf32, #tpu.memory_space<vmem>>, vector<2000x128xf32>
    %mul3A = vector.broadcast %rsqrt3A : vector<2000x1xf32> to vector<2000x128xf32>
    %mul3A_15 = arith.mulf %mul3A, %get3A_14 : vector<2000x128xf32>
    %swap3A = arith.constant 0 : index
    %swap3A_16 = arith.constant 0 : index
    %swap3A_17 = vector.load %arg3[%swap3A, %swap3A_16] : memref<2000x128xf32, #tpu.memory_space<vmem>>, vector<2000x128xf32>
    tpu.vector_store %arg3[%swap3A, %swap3A_16], %mul3A_15 {strides = array<i32>} : memref<2000x128xf32, #tpu.memory_space<vmem>>, vector<2000x128xf32>,
    %broadcast_in_dim3A = vector.shape_cast %rsqrt3A : vector<2000x1xf32> to vector<2000x1xf32>
    %broadcast_in_dim3A_18 = vector.broadcast %broadcast_in_dim3A : vector<2000x1xf32> to vector<2000x16xf32>
    %swap3A_19 = arith.constant 0 : index
    %swap3A_20 = arith.constant 0 : index
    %swap3A_21 = vector.load %arg4[%swap3A_19, %swap3A_20] : memref<2000x16xf32, #tpu.memory_space<vmem>>, vector<2000x16xf32>
    tpu.vector_store %arg4[%swap3A_19, %swap3A_20], %broadcast_in_dim3A_18 {strides = array<i32>} : memref<2000x16xf32, #tpu.memory_space<vmem>>, vector<2000x16xf32>,
    return
  }
  func.func @transform_0(%arg0: i32) -> (i32, i32, i32) {
    %c0_i32 = arith.constant 0 : i32
    %c0_i32_0 = arith.constant 0 : i32
    %c0_i32_1 = arith.constant 0 : i32
    return %c0_i32, %arg0, %c0_i32_0 : i32, i32, i32
  }
  func.func @transform_1(%arg0: i32) -> (i32, i32) {
    %c0_i32 = arith.constant 0 : i32
    %c0_i32_0 = arith.constant 0 : i32
    return %arg0, %c0_i32 : i32, i32
  }
  func.func @transform_2(%arg0: i32) -> (i32, i32) {
    %c0_i32 = arith.constant 0 : i32
    %c0_i32_0 = arith.constant 0 : i32
    return %arg0, %c0_i32 : i32, i32
  }
  func.func @transform_3(%arg0: i32) -> (i32, i32) {
    %c0_i32 = arith.constant 0 : i32
    %c0_i32_0 = arith.constant 0 : i32
    return %arg0, %c0_i32 : i32, i32
  }
}

module attributes {stable_mosaic.version = 14 : i64} {
  func.func @_mid_body(%arg0: i32, %arg1: memref<2x2000x128xf32, #tpu.memory_space<vmem>>, %arg2: memref<2000x128xf32, #tpu.memory_space<vmem>>, %arg3: memref<2000x16xf32, #tpu.memory_space<vmem>>, %arg4: memref<128x128xf32, #tpu.memory_space<vmem>>, %arg5: memref<1x128xf32, #tpu.memory_space<vmem>>, %arg6: memref<2000x128xf32, #tpu.memory_space<vmem>>) attributes {dimension_semantics = [#tpu.dimension_semantics<arbitrary>], iteration_bounds = array<i64: 5>, scalar_prefetch = 0 : i64, scratch_operands = 0 : i64, tpu.core_type = #tpu.core_type<tc>, window_params = [{transform_indices = @transform_0, window_bounds = array<i64: 2, 2000, 128>}, {transform_indices = @transform_1, window_bounds = array<i64: 2000, 128>}, {transform_indices = @transform_2, window_bounds = array<i64: 2000, 16>}, {pipeline_mode = #tpu.pipeline_mode<synchronous>, transform_indices = @transform_3, window_bounds = array<i64: 128, 128>}, {pipeline_mode = #tpu.pipeline_mode<synchronous>, transform_indices = @transform_4, window_bounds = array<i64: 1, 128>}, {transform_indices = @transform_5, window_bounds = array<i64: 2000, 128>}]} {
    %get3A = arith.constant 0 : index
    %get3A_0 = arith.constant 0 : index
    %get3A_1 = vector.load %arg3[%get3A, %get3A_0] : memref<2000x16xf32, #tpu.memory_space<vmem>>, vector<2000x1xf32>
    %get3A_2 = arith.constant 0 : index
    %get3A_3 = arith.constant 0 : index
    %get3A_4 = arith.constant 0 : index
    %get3A_5 = vector.load %arg1[%get3A_2, %get3A_3, %get3A_4] : memref<2x2000x128xf32, #tpu.memory_space<vmem>>, vector<1x2000x128xf32>
    %get3A_6 = vector.shape_cast %get3A_5 : vector<1x2000x128xf32> to vector<2000x128xf32>
    %get3A_7 = arith.constant 1 : index
    %get3A_8 = arith.constant 0 : index
    %get3A_9 = arith.constant 0 : index
    %get3A_10 = vector.load %arg1[%get3A_7, %get3A_8, %get3A_9] : memref<2x2000x128xf32, #tpu.memory_space<vmem>>, vector<1x2000x128xf32>
    %get3A_11 = vector.shape_cast %get3A_10 : vector<1x2000x128xf32> to vector<2000x128xf32>
    %add3A = arith.addf %get3A_6, %get3A_11 : vector<2000x128xf32>
    %get3A_12 = arith.constant 0 : index
    %get3A_13 = arith.constant 0 : index
    %get3A_14 = vector.load %arg2[%get3A_12, %get3A_13] : memref<2000x128xf32, #tpu.memory_space<vmem>>, vector<2000x128xf32>
    %add3A_15 = arith.addf %add3A, %get3A_14 : vector<2000x128xf32>
    %mul3A = vector.broadcast %get3A_1 : vector<2000x1xf32> to vector<2000x128xf32>
    %mul3A_16 = arith.mulf %mul3A, %add3A_15 : vector<2000x128xf32>
    %get3A_17 = arith.constant 0 : index
    %get3A_18 = arith.constant 0 : index
    %get3A_19 = vector.load %arg4[%get3A_17, %get3A_18] : memref<128x128xf32, #tpu.memory_space<vmem>>, vector<128x128xf32>
    %dot_general3A = arith.constant dense<0.000000e+00> : vector<2000x128xf32>
    %dot_general3A_20 = tpu.matmul %mul3A_16, %get3A_19, %dot_general3A {dimension_numbers = #tpu.dot_dimension_numbers<[1], [0], [0], [1], [0, 0, 1, 1], [], []>, transpose_lhs_hint = false} : vector<2000x128xf32>, vector<128x128xf32>, vector<2000x128xf32> -> vector<2000x128xf32>
    %get3A_21 = arith.constant 0 : index
    %get3A_22 = arith.constant 0 : index
    %get3A_23 = vector.load %arg5[%get3A_21, %get3A_22] : memref<1x128xf32, #tpu.memory_space<vmem>>, vector<1x128xf32>
    %add3A_24 = vector.broadcast %get3A_23 : vector<1x128xf32> to vector<2000x128xf32>
    %add3A_25 = arith.addf %dot_general3A_20, %add3A_24 : vector<2000x128xf32>
    %mul3A_26 = vector.broadcast %get3A_1 : vector<2000x1xf32> to vector<2000x128xf32>
    %mul3A_27 = arith.mulf %mul3A_26, %add3A_25 : vector<2000x128xf32>
    %swap3A = arith.constant 0 : index
    %swap3A_28 = arith.constant 0 : index
    %swap3A_29 = vector.load %arg6[%swap3A, %swap3A_28] : memref<2000x128xf32, #tpu.memory_space<vmem>>, vector<2000x128xf32>
    tpu.vector_store %arg6[%swap3A, %swap3A_28], %mul3A_27 {strides = array<i32>} : memref<2000x128xf32, #tpu.memory_space<vmem>>, vector<2000x128xf32>,
    return
  }
  func.func @transform_0(%arg0: i32) -> (i32, i32, i32) {
    %c0_i32 = arith.constant 0 : i32
    %c0_i32_0 = arith.constant 0 : i32
    %c0_i32_1 = arith.constant 0 : i32
    return %c0_i32, %arg0, %c0_i32_0 : i32, i32, i32
  }
  func.func @transform_1(%arg0: i32) -> (i32, i32) {
    %c0_i32 = arith.constant 0 : i32
    %c0_i32_0 = arith.constant 0 : i32
    return %arg0, %c0_i32 : i32, i32
  }
  func.func @transform_2(%arg0: i32) -> (i32, i32) {
    %c0_i32 = arith.constant 0 : i32
    %c0_i32_0 = arith.constant 0 : i32
    return %arg0, %c0_i32 : i32, i32
  }
  func.func @transform_3(%arg0: i32) -> (i32, i32) {
    %c0_i32 = arith.constant 0 : i32
    %c0_i32_0 = arith.constant 0 : i32
    %c0_i32_1 = arith.constant 0 : i32
    return %c0_i32, %c0_i32_0 : i32, i32
  }
  func.func @transform_4(%arg0: i32) -> (i32, i32) {
    %c0_i32 = arith.constant 0 : i32
    %c0_i32_0 = arith.constant 0 : i32
    %c0_i32_1 = arith.constant 0 : i32
    return %c0_i32, %c0_i32_0 : i32, i32
  }
  func.func @transform_5(%arg0: i32) -> (i32, i32) {
    %c0_i32 = arith.constant 0 : i32
    %c0_i32_0 = arith.constant 0 : i32
    return %arg0, %c0_i32 : i32, i32
  }
}

module attributes {stable_mosaic.version = 14 : i64} {
  func.func @_out_body(%arg0: i32, %arg1: memref<2x2000x128xf32, #tpu.memory_space<vmem>>, %arg2: memref<2000x128xf32, #tpu.memory_space<vmem>>, %arg3: memref<2000x16xf32, #tpu.memory_space<vmem>>, %arg4: memref<128x128xf32, #tpu.memory_space<vmem>>, %arg5: memref<1x128xf32, #tpu.memory_space<vmem>>, %arg6: memref<128x128xf32, #tpu.memory_space<vmem>>, %arg7: memref<1x128xf32, #tpu.memory_space<vmem>>, %arg8: memref<2000x128xf32, #tpu.memory_space<vmem>>, %arg9: memref<2000x128xf32, #tpu.memory_space<vmem>>) attributes {dimension_semantics = [#tpu.dimension_semantics<arbitrary>], iteration_bounds = array<i64: 5>, scalar_prefetch = 0 : i64, scratch_operands = 0 : i64, tpu.core_type = #tpu.core_type<tc>, window_params = [{transform_indices = @transform_0, window_bounds = array<i64: 2, 2000, 128>}, {transform_indices = @transform_1, window_bounds = array<i64: 2000, 128>}, {transform_indices = @transform_2, window_bounds = array<i64: 2000, 16>}, {pipeline_mode = #tpu.pipeline_mode<synchronous>, transform_indices = @transform_3, window_bounds = array<i64: 128, 128>}, {pipeline_mode = #tpu.pipeline_mode<synchronous>, transform_indices = @transform_4, window_bounds = array<i64: 1, 128>}, {pipeline_mode = #tpu.pipeline_mode<synchronous>, transform_indices = @transform_5, window_bounds = array<i64: 128, 128>}, {pipeline_mode = #tpu.pipeline_mode<synchronous>, transform_indices = @transform_6, window_bounds = array<i64: 1, 128>}, {transform_indices = @transform_7, window_bounds = array<i64: 2000, 128>}, {transform_indices = @transform_8, window_bounds = array<i64: 2000, 128>}]} {
    %get3A = arith.constant 0 : index
    %get3A_0 = arith.constant 0 : index
    %get3A_1 = vector.load %arg3[%get3A, %get3A_0] : memref<2000x16xf32, #tpu.memory_space<vmem>>, vector<2000x1xf32>
    %get3A_2 = arith.constant 0 : index
    %get3A_3 = arith.constant 0 : index
    %get3A_4 = arith.constant 0 : index
    %get3A_5 = vector.load %arg1[%get3A_2, %get3A_3, %get3A_4] : memref<2x2000x128xf32, #tpu.memory_space<vmem>>, vector<1x2000x128xf32>
    %get3A_6 = vector.shape_cast %get3A_5 : vector<1x2000x128xf32> to vector<2000x128xf32>
    %get3A_7 = arith.constant 1 : index
    %get3A_8 = arith.constant 0 : index
    %get3A_9 = arith.constant 0 : index
    %get3A_10 = vector.load %arg1[%get3A_7, %get3A_8, %get3A_9] : memref<2x2000x128xf32, #tpu.memory_space<vmem>>, vector<1x2000x128xf32>
    %get3A_11 = vector.shape_cast %get3A_10 : vector<1x2000x128xf32> to vector<2000x128xf32>
    %add3A = arith.addf %get3A_6, %get3A_11 : vector<2000x128xf32>
    %get3A_12 = arith.constant 0 : index
    %get3A_13 = arith.constant 0 : index
    %get3A_14 = vector.load %arg2[%get3A_12, %get3A_13] : memref<2000x128xf32, #tpu.memory_space<vmem>>, vector<2000x128xf32>
    %add3A_15 = arith.addf %add3A, %get3A_14 : vector<2000x128xf32>
    %mul3A = vector.broadcast %get3A_1 : vector<2000x1xf32> to vector<2000x128xf32>
    %mul3A_16 = arith.mulf %mul3A, %add3A_15 : vector<2000x128xf32>
    %get3A_17 = arith.constant 0 : index
    %get3A_18 = arith.constant 0 : index
    %get3A_19 = vector.load %arg4[%get3A_17, %get3A_18] : memref<128x128xf32, #tpu.memory_space<vmem>>, vector<128x128xf32>
    %dot_general3A = arith.constant dense<0.000000e+00> : vector<2000x128xf32>
    %dot_general3A_20 = tpu.matmul %mul3A_16, %get3A_19, %dot_general3A {dimension_numbers = #tpu.dot_dimension_numbers<[1], [0], [0], [1], [0, 0, 1, 1], [], []>, transpose_lhs_hint = false} : vector<2000x128xf32>, vector<128x128xf32>, vector<2000x128xf32> -> vector<2000x128xf32>
    %get3A_21 = arith.constant 0 : index
    %get3A_22 = arith.constant 0 : index
    %get3A_23 = vector.load %arg5[%get3A_21, %get3A_22] : memref<1x128xf32, #tpu.memory_space<vmem>>, vector<1x128xf32>
    %add3A_24 = vector.broadcast %get3A_23 : vector<1x128xf32> to vector<2000x128xf32>
    %add3A_25 = arith.addf %dot_general3A_20, %add3A_24 : vector<2000x128xf32>
    %max3A = arith.constant 0.000000e+00 : f32
    %max3A_26 = vector.broadcast %max3A : f32 to vector<2000x128xf32>
    %max3A_27 = arith.maximumf %add3A_25, %max3A_26 : vector<2000x128xf32>
    %swap3A = arith.constant 0 : index
    %swap3A_28 = arith.constant 0 : index
    %swap3A_29 = vector.load %arg8[%swap3A, %swap3A_28] : memref<2000x128xf32, #tpu.memory_space<vmem>>, vector<2000x128xf32>
    tpu.vector_store %arg8[%swap3A, %swap3A_28], %max3A_27 {strides = array<i32>} : memref<2000x128xf32, #tpu.memory_space<vmem>>, vector<2000x128xf32>,
    %get3A_30 = arith.constant 0 : index
    %get3A_31 = arith.constant 0 : index
    %get3A_32 = vector.load %arg6[%get3A_30, %get3A_31] : memref<128x128xf32, #tpu.memory_space<vmem>>, vector<128x128xf32>
    %dot_general3A_33 = arith.constant dense<0.000000e+00> : vector<2000x128xf32>
    %dot_general3A_34 = tpu.matmul %mul3A_16, %get3A_32, %dot_general3A_33 {dimension_numbers = #tpu.dot_dimension_numbers<[1], [0], [0], [1], [0, 0, 1, 1], [], []>, transpose_lhs_hint = false} : vector<2000x128xf32>, vector<128x128xf32>, vector<2000x128xf32> -> vector<2000x128xf32>
    %get3A_35 = arith.constant 0 : index
    %get3A_36 = arith.constant 0 : index
    %get3A_37 = vector.load %arg7[%get3A_35, %get3A_36] : memref<1x128xf32, #tpu.memory_space<vmem>>, vector<1x128xf32>
    %add3A_38 = vector.broadcast %get3A_37 : vector<1x128xf32> to vector<2000x128xf32>
    %add3A_39 = arith.addf %dot_general3A_34, %add3A_38 : vector<2000x128xf32>
    %max3A_40 = arith.constant 0.000000e+00 : f32
    %max3A_41 = vector.broadcast %max3A_40 : f32 to vector<2000x128xf32>
    %max3A_42 = arith.maximumf %add3A_39, %max3A_41 : vector<2000x128xf32>
    %swap3A_43 = arith.constant 0 : index
    %swap3A_44 = arith.constant 0 : index
    %swap3A_45 = vector.load %arg9[%swap3A_43, %swap3A_44] : memref<2000x128xf32, #tpu.memory_space<vmem>>, vector<2000x128xf32>
    tpu.vector_store %arg9[%swap3A_43, %swap3A_44], %max3A_42 {strides = array<i32>} : memref<2000x128xf32, #tpu.memory_space<vmem>>, vector<2000x128xf32>,
    return
  }
  func.func @transform_0(%arg0: i32) -> (i32, i32, i32) {
    %c0_i32 = arith.constant 0 : i32
    %c0_i32_0 = arith.constant 0 : i32
    %c0_i32_1 = arith.constant 0 : i32
    return %c0_i32, %arg0, %c0_i32_0 : i32, i32, i32
  }
  func.func @transform_1(%arg0: i32) -> (i32, i32) {
    %c0_i32 = arith.constant 0 : i32
    %c0_i32_0 = arith.constant 0 : i32
    return %arg0, %c0_i32 : i32, i32
  }
  func.func @transform_2(%arg0: i32) -> (i32, i32) {
    %c0_i32 = arith.constant 0 : i32
    %c0_i32_0 = arith.constant 0 : i32
    return %arg0, %c0_i32 : i32, i32
  }
  func.func @transform_3(%arg0: i32) -> (i32, i32) {
    %c0_i32 = arith.constant 0 : i32
    %c0_i32_0 = arith.constant 0 : i32
    %c0_i32_1 = arith.constant 0 : i32
    return %c0_i32, %c0_i32_0 : i32, i32
  }
  func.func @transform_4(%arg0: i32) -> (i32, i32) {
    %c0_i32 = arith.constant 0 : i32
    %c0_i32_0 = arith.constant 0 : i32
    %c0_i32_1 = arith.constant 0 : i32
    return %c0_i32, %c0_i32_0 : i32, i32
  }
  func.func @transform_5(%arg0: i32) -> (i32, i32) {
    %c0_i32 = arith.constant 0 : i32
    %c0_i32_0 = arith.constant 0 : i32
    %c0_i32_1 = arith.constant 0 : i32
    return %c0_i32, %c0_i32_0 : i32, i32
  }
  func.func @transform_6(%arg0: i32) -> (i32, i32) {
    %c0_i32 = arith.constant 0 : i32
    %c0_i32_0 = arith.constant 0 : i32
    %c0_i32_1 = arith.constant 0 : i32
    return %c0_i32, %c0_i32_0 : i32, i32
  }
  func.func @transform_7(%arg0: i32) -> (i32, i32) {
    %c0_i32 = arith.constant 0 : i32
    %c0_i32_0 = arith.constant 0 : i32
    return %arg0, %c0_i32 : i32, i32
  }
  func.func @transform_8(%arg0: i32) -> (i32, i32) {
    %c0_i32 = arith.constant 0 : i32
    %c0_i32_0 = arith.constant 0 : i32
    return %arg0, %c0_i32 : i32, i32
  }
}

</mosaic_0001>

<sc_bundles>
// kernel: kernel.11.cloned.1.call-start
scs
__scs_entry_jumppad:
0x0: {  	(pc) =	sbr.rel $0x88, $3  }
0x1: {  	(tag) =	ssettag $0x0;
	lr =	simm.s32 $0x1  }
0x2: {  	[smem:$0x3F99] =	sst lr;
	_ =	strace $0xD0000000  }
0x3: {  	_ = 	snop  }
0x4: {  	_ = 	snop  }
0x5: {  	_ = 	snop  }
0x6: {  	_ = 	snop  }
0x7: {  	_ = 	snop  }
__scs_overlays_trampoline_lowered:
0x8: {  	[smem:$0x3FA8] =	sst s0  }
0x9: {  	[smem:$0x3FA9] =	sst s1  }
0xa: {  	[smem:$0x3FAA] =	sst s2  }
0xb: {  	[smem:$0x3FAB] =	sst s3  }
0xc: {  	[smem:$0x3FAC] =	sst s4  }
0xd: {  	[smem:$0x3FAD] =	sst s5  }
0xe: {  	[smem:$0x3FAE] =	sst s6  }
0xf: {  	[smem:$0x3FAF] =	sst s7  }
0x10: {  	[smem:$0x3FB0] =	sst s8  }
0x11: {  	[smem:$0x3FB1] =	sst s9;
	s0 =	simm.s32 @!p0 $0x0  }
0x12: {  	s1 =	sld [smem:$0x3F97];
	s0 =	simm.s32 @p0 $0x1  }
0x13: {  	[smem:$0x3FB2] =	sst s0;
	s0 =	simm.s32 @!p1 $0x0  }
0x14: {  	s2 =	sld [smem:$0x3F96];
	s0 =	simm.s32 @p1 $0x1  }
0x15: {  	[smem:$0x3FB3] =	sst s0;
	s0 =	simm.s32 @!p2 $0x0  }
0x16: {  	s3 =	sld [smem:$0x3FDB];
	s0 =	simm.s32 @p2 $0x1  }
0x17: {  	s4 =	simm.s32 $0x1BF5;
	[smem:$0x3FB5] =	sst s0  }
0x18: {  	s0 =	sld [smem:$0x3F98];
	_ =	swait.ge [sflag:s4], $0x0  }
0x19: {  	s7 =	sld [smem:$0x3F99]  }
0x1a: {  	s8 =	sadd.s32 $0xFFFFE003, lr  }
0x1b: {  	s9 =	sadd.s32 $0xFFFFFEF7, lr;
	s5 =	simm.s32 $0xFFFFFFFF;
	p2 =	slt.u32 s8, $0xFFFFF086  }
0x1c: {  	p1 =	slt.u32 s9, $0xF7A;
	s5 =	simm.s32 @!p2 $0x0  }
0x1d: {  	s5 =	simm.s32 @p1 $0x1;
	p0 =	seq.s32 s7, s2  }
0x1e: {  	s7 =	smul.u32 @!p0 $0xF7A, s2;
	p2 =	seq.s32 @!p0 s5, $0x0  }
0x1f: {  	s9 =	smul.u32 $0xF7A, s1;
	s8 =	simm.s32 @!p0 $0x1BF5;
	p2 =	por !p2, p0  }
0x20: {  	[sflag:s8] =	ssyncset.s32 @!p0 $0xFFFFF086;
	s6 =	sadd.s32 @!p0 s3, s7;
	s7 =	simm.s32 @!p0 $0x108  }
0x21: {  	s3 =	sadd.s32 s3, s9;
	s6 =	sadd.s32 @!p0 $0x88, s6;
	s7 =	simm.s32 @p2 $0x1082  }
0x22: {  	[simem:s7], [sflag:s8] =	dma.local @!p0 [hbm:s6], $0xF7A  }
0x23: {  	s9 =	sor.u32 $0xD0000000, s2;
	s6 =	simm.s32 $0x108;
	_ =	swait.ge @!p0 [sflag:s8], $0x0  }
0x24: {  	s3 =	sadd.s32 $0x88, s3;
	s6 =	simm.s32 @!p1 $0x1082;
	[sflag:s4] =	ssyncset.s32 $0xFFFFF086  }
0x25: {  	[simem:s6], [sflag:s4] =	dma.local [hbm:s3], $0xF7A  }
0x26: {  	[smem:$0x3F99] =	sst s1;
	(tag) =	ssettag s2;
	_ =	strace s9  }
0x27: {  	s1 =	sld [smem:$0x3FA9]  }
0x28: {  	s2 =	sld [smem:$0x3FAA]  }
0x29: {  	s4 =	sld [smem:$0x3FAC]  }
0x2a: {  	p0 =	seq.s32 s5, $0x0;
	s5 =	sld [smem:$0x3FAD]  }
0x2b: {  	s6 =	sld [smem:$0x3FAE]  }
0x2c: {  	s7 =	sld [smem:$0x3FAF]  }
0x2d: {  	s3 =	simm.s32 $0x108;
	s8 =	sld [smem:$0x3FB0]  }
0x2e: {  	s3 =	simm.s32 @!p0 $0x1082;
	s9 =	sld [smem:$0x3FB1]  }
0x2f: {  	lr =	sadd.s32 s0, s3;
	s0 =	sld [smem:$0x3FA8]  }
0x30: {  	s3 =	sld [smem:$0x3FAB]  }
0x31: {  	[smem:$0x3FB4] =	sst s10  }
0x32: {  	s10 =	sld [smem:$0x3FB2];
	_ =	sdelay $0x3  }
0x33: {  	p0 =	seq.s32 s10, $0x1;
	s10 =	sld [smem:$0x3FB4];
	_ =	sdelay $0x3  }
0x34: {  	[smem:$0x3FB4] =	sst s10  }
0x35: {  	s10 =	sld [smem:$0x3FB3];
	_ =	sdelay $0x3  }
0x36: {  	p1 =	seq.s32 s10, $0x1;
	s10 =	sld [smem:$0x3FB4];
	_ =	sdelay $0x3  }
0x37: {  	[smem:$0x3FB4] =	sst s10  }
0x38: {  	s10 =	sld [smem:$0x3FB5]  }
0x39: {  	_ = 	snop;
	(pc) =	sbr.ind lr, $3  }
0x3a: {  	_ = 	snop  }
0x3b: {  	_ = 	snop  }
0x3c: {  	p2 =	seq.s32 s10, $0x1;
	s10 =	sld [smem:$0x3FB4]  }
0x3d: {  	_ =	shalt  }
0x3e: {  	_ =	shalt  }
0x3f: {  	_ =	shalt  }
0x40: {  	_ =	shalt  }
0x41: {  	_ =	shalt  }
0x42: {  	_ =	shalt  }
0x43: {  	_ =	shalt  }
0x44: {  	_ =	shalt  }
0x45: {  	_ =	shalt  }
0x46: {  	_ =	shalt  }
0x47: {  	_ =	shalt  }
0x48: {  	_ =	shalt  }
0x49: {  	_ =	shalt  }
0x4a: {  	_ =	shalt  }
0x4b: {  	_ =	shalt  }
0x4c: {  	_ =	shalt  }
0x4d: {  	_ =	shalt  }
0x4e: {  	_ =	shalt  }
0x4f: {  	_ =	shalt  }
0x50: {  	_ =	shalt  }
0x51: {  	_ =	shalt  }
0x52: {  	_ =	shalt  }
0x53: {  	_ =	shalt  }
0x54: {  	_ =	shalt  }
0x55: {  	_ =	shalt  }
0x56: {  	_ =	shalt  }
0x57: {  	_ =	shalt  }
0x58: {  	_ =	shalt  }
0x59: {  	_ =	shalt  }
0x5a: {  	_ =	shalt  }
0x5b: {  	_ =	shalt  }
0x5c: {  	_ =	shalt  }
0x5d: {  	_ =	shalt  }
0x5e: {  	_ =	shalt  }
0x5f: {  	_ =	shalt  }
0x60: {  	_ =	shalt  }
0x61: {  	_ =	shalt  }
0x62: {  	_ =	shalt  }
0x63: {  	_ =	shalt  }
0x64: {  	_ =	shalt  }
0x65: {  	_ =	shalt  }
0x66: {  	_ =	shalt  }
0x67: {  	_ =	shalt  }
0x68: {  	_ =	shalt  }
0x69: {  	_ =	shalt  }
0x6a: {  	_ =	shalt  }
0x6b: {  	_ =	shalt  }
0x6c: {  	_ =	shalt  }
0x6d: {  	_ =	shalt  }
0x6e: {  	_ =	shalt  }
0x6f: {  	_ =	shalt  }
0x70: {  	_ =	shalt  }
0x71: {  	_ =	shalt  }
0x72: {  	_ =	shalt  }
0x73: {  	_ =	shalt  }
0x74: {  	_ =	shalt  }
0x75: {  	_ =	shalt  }
0x76: {  	_ =	shalt  }
0x77: {  	_ =	shalt  }
0x78: {  	_ =	shalt  }
0x79: {  	_ =	shalt  }
0x7a: {  	_ =	shalt  }
0x7b: {  	_ =	shalt  }
0x7c: {  	_ =	shalt  }
0x7d: {  	_ =	shalt  }
0x7e: {  	_ =	shalt  }
0x7f: {  	_ =	shalt  }
0x80: {  	_ =	shalt  }
0x81: {  	_ =	shalt  }
0x82: {  	_ =	shalt  }
0x83: {  	_ =	shalt  }
0x84: {  	_ =	shalt  }
0x85: {  	_ =	shalt  }
0x86: {  	_ =	shalt  }
0x87: {  	_ =	shalt  }
.Lfunc_end0:
.L_simem_size_0:
called_computation.1_lowered:
.L_overlay_start_0:
0x88: {  	s2 =	sld [smem:$0x3FD9]  }
0x89: {  	s3 =	sld [smem:$0x3FFE];
	_ =	sdelay $0x1  }
0x8a: {  	s1 =	srdreg.scid  }
0x8b: {  	s0 =	sand.u32 $0x1, s1  }
0x8c: {  	s14 =	sshll.u32 s0, $0xA;
	s2 =	sadd.s32 s3, s2  }
0x8d: {  	s2 =	sadd.s32 s2, s14  }
0x8e: {  	[smem:$0x3FC0] =	sst s2  }
0x8f: {  	_ = 	snop  }
0x90: {  	s2 =	sld [smem:$0x3FD0];
	_ =	sdelay $0x2  }
0x91: {  	s15 =	simm.s32 $0xA;
	s4 =	simm.s32 $0x10  }
0x92: {  	[smem:s4], [sflag:s15] =	dma.local [hbm:s2], $0x1  }
0x93: {  	_ =	swait.eq [sflag:s15], $0x1  }
0x94: {  	[sflag:s15] =	ssyncset.done $0x0  }
0x95: {  	s16 =	sld [smem:$0x10];
	[sflag:s15] =	ssyncadd.s32 $0xFFFFFFFF  }
0x96: {  	s17 =	sld [smem:$0x11];
	(tm) =	ssettm $0x1  }
0x97: {  	s18 =	sld [smem:$0x3FFB];
	_ =	sdelay $0x3  }
0x98: {  	_ =	strace s18  }
0x99: {  	s4 =	sld [smem:$0x3FFC];
	_ =	sdelay $0x3  }
0x9a: {  	_ =	strace s4  }
0x9b: {  	s4 =	sld [smem:$0x3FFD];
	_ =	sdelay $0x3  }
0x9c: {  	_ =	strace s4  }
0x9d: {  	_ =	strace $0x8FFFFFFF  }
0x9e: {  	s19 =	sld [smem:$0x3FDB];
	_ =	sdelay $0x1  }
0x9f: {  	s5 =	simm.s32 $_scs_section_size  }
0xa0: {  	s6 =	simm.s32 $_size__tile_overlayer_lowered;
	s7 =	simm.s32 $_tile_overlayer_lowered  }
0xa1: {  	s22 =	simm.s32 $0x1BFF;
	s21 =	sshll.u32 s7, $0x1;
	s4 =	sadd.s32 s5, s19  }
0xa2: {  	s8 =	simm.s32 $0x0;
	s20 =	sshll.u32 s6, $0x1;
	s6 =	sadd.s32 s21, s4  }
0xa3: {  	[timem:s8], [sflag:s22] =	dma.local [hbm:s6], s20  }
0xa4: {  	_ =	swait.ge [sflag:s22], s20  }
0xa5: {  	s5 =	ssub.s32 $0x0, s20;
	[sflag:s22] =	ssyncset.done $0x0  }
0xa6: {  	[sflag:s22] =	ssyncadd.s32 s5;
	_ =	sdelay $0x1  }
0xa7: {  	s23 =	simm.s32 $0x1B8B  }
0xa8: {  	_ =	swait.ge [sflag:s23], $0x1  }
0xa9: {  	[sflag:s23] =	ssyncset.done $0x0  }
0xaa: {  	s25 =	simm.s32 $0x1B8E;
	s24 =	sld [smem:$0x3FFE];
	[sflag:s23] =	ssyncadd.s32 $0xFFFFFFFF  }
0xab: {  	s26 =	simm.s32 $execute0_lowered;
	[smem:$0x3FD2] =	sst s25  }
0xac: {  	s6 =	sshll.u32 s26, $0x1;
	_ =	strace $0x80000049;
	[dreg:$0x1] =	wrdreg $0xFFFFFFFF  }
0xad: {  	s28 =	simm.s32 $_size_execute0_lowered;
	s4 =	sadd.s32 s4, s6;
	[dreg:$0x0] =	wrdreg $0x0  }
0xae: {  	s6 =	sshll.u32 s28, $0x1;
	[dreg:$0x2] =	wrdreg s4  }
0xaf: {  	[dreg:$0x3] =	wrdreg s6  }
0xb0: {  	[dreg:$0x4] =	wrdreg $0xC0  }
0xb1: {  	_ =	task [dreg:s8], $0x5FFFF  }
0xb2: {  	[dreg:$0x1] =	wrdreg $0xFFFFFFFF  }
0xb3: {  	[dreg:$0x0] =	wrdreg $0x60  }
0xb4: {  	[dreg:$0x2] =	wrdreg s17  }
0xb5: {  	[dreg:$0x3] =	wrdreg s24  }
0xb6: {  	[dreg:$0x4] =	wrdreg s16  }
0xb7: {  	[dreg:$0x5] =	wrdreg $0xA8000  }
0xb8: {  	[dreg:$0x6] =	wrdreg $0x9  }
0xb9: {  	_ =	task.clear_ibuf [dreg:s8], $0x7FFFF;
	_ =	strace $0x90000049  }
0xba: {  	s29 =	simm.s32 $0x9;
	_ =	strace $0x8000004B  }
0xbb: {  	_ =	swait.ge [sflag:s29], $0x1  }
0xbc: {  	[sflag:s29] =	ssyncadd.s32 $0xFFFFFFFF  }
0xbd: {  	_ =	strace $0x9000004B  }
0xbe: {  	_ =	sfence  }
0xbf: {  	s30 =	sld [smem:$0x0];
	_ =	sdelay $0x2  }
0xc0: {  	s31 =	sshll.u32 s1, $0xD;
	s1 =	sshrl.u32 s1, $0x2  }
0xc1: {  	s3 =	sand.u32 $0x4000, s31;
	s1 =	sadd.s32 s1, s30  }
0xc2: {  	s0 =	sor.u32 s3, s0;
	s1 =	sshll.u32 s1, $0x11  }
0xc3: {  	s0 =	sor.u32 s1, s0  }
0xc4: {  	s0 =	sadd.s32 $0x8F2B, s0  }
0xc5: {  	[sflag:s0] =	ssyncadd.remote.s32 $0x1  }
0xc6: {  	_ =	sfence.sel $0xFFFF  }
0xc7: {  	[dreg:$0x0] =	wrdreg $0xFFFFFFFF;
	(pc) =	sbr.abs _section_cstart, $3  }
0xc8: {  	[dreg:$0x1] =	wrdreg $0xFFFFFFFF  }
0xc9: {  	_ =	task.clear_ibuf [dreg:s8], $0x2FFFF;
	_ =	strace $0x9FFFFFFF  }
0xca: {  	(tm) =	ssettm $0x7FFFFFFF  }
0xcb: {  	_ =	shalt  }
tec
execute0_lowered:
.L_overlay_start_1:
0x0: {  	(tag) =	ssettag $0x1  }
0x1: {  	s1 =	rddreg [dreg:$0x0]  }
0x2: {  	s5 =	rddreg [dreg:$0x1]  }
0x3: {  	s12 =	rddreg [dreg:$0x2];
	s0 =	stileid.u32  }
0x4: {  	s2 =	srdreg.scid;
	s3 =	rddreg [dreg:$0x3]  }
0x5: {  	s4 =	simm.s32 $0x0;
	s15 =	simm.s32 $0x1400;
	s16 =	simm.s32 $0x80  }
0x6: {  	s17 =	simm.s32 $0x2800;
	s18 =	simm.s32 $0x6800;
	s19 =	simm.s32 $0x1  }
0x7: {  	s20 =	simm.s32 $0x2;
	s21 =	simm.s32 $0x1380;
	s22 =	simm.s32 $0x2700  }
0x8: {  	s23 =	simm.s32 $0x2780;
	s7 =	sand.u32 $0x1, s2;
	s2 =	rddreg [dreg:$0x4]  }
0x9: {  	s6 =	smul.u32 $0x14000, s0;
	[smem:$0x7FF] =	sst s4;
	s11 =	sadd.s32 $0x2800, s5  }
0xa: {  	s10 =	sshll.u32 s0, $0x1;
	s13 =	smul.u32 $0x50000, s0;
	s30 =	sshll.u32 s0, $0x6  }
0xb: {  	s8 =	smul.u32 $0x140000, s7;
	_ =	strace $0x8000004A;
	s25 =	ssub.s32 $0x2, s7  }
0xc: {  	s28 =	sor.u32 s7, s10;
	s9 =	sshrl.u32 s6, $0x3;
	s26 =	sshrl.u32 s25, $0x1  }
0xd: {  	s29 =	sshrl.u32 s13, $0x2;
	s10 =	smul.u32 $0x2800, s28;
	s6 =	sadd.s32 s6, s8  }
0xe: {  	s24 =	sadd.s32 s9, s5;
	s9 =	ssub.s32 s25, s26;
	s13 =	sadd.s32 s29, s3  }
0xf: {  	s6 =	sshrl.u32 s6, $0x3;
	s10 =	sshrl.u32 s10, $0x3;
	s8 =	smax.u32 s9, $0x1  }
0x10: {  	s13 =	sshrl.u32 s13, $0x3;
	s14 =	sadd.s32 s6, s5;
	s5 =	sadd.s32 $0xC800, s24  }
0x11: {  	s6 =	sor.u32 $0x1C03, s30;
	s9 =	sadd.s32 s11, s10;
	s31 =	sadd.s32 $0x280, s10  }
0x12: {  	s10 =	sadd.s32 s12, s10;
	s24 =	simm.s32 $0x0;
	s7 =	sadd.s32 $0x34800, s14  }
0x13: {  	s11 =	sadd.s32 s11, s31;
	s12 =	sadd.s32 s12, s31;
	s14 =	simm.s32 $0x3  }
.LBB2_1:
0x14: {  	[spmem:s13], [sflag:s6] =	dma.local [hbm:s5], $0x2800  }
0x15: {  	_ =	swait.ge [sflag:s14], $0x2800  }
0x16: {  	[sflag:s14] =	ssyncset.done $0x0  }
0x17: {  	[sflag:s14] =	ssyncadd.s32 $0xFFFFD800  }
0x18: {  	[bflag:$0x0] =	sbarrier.arrive $0xFFFF  }
0x19: {  	[tilespmem:s4], [sflag:$0x3] =	stream.linear.gather [hbm4b:s9+s4], $0x1400, $0x38;
	[tilespmem:$0x1E800] =	vst v63  }
0x1a: {  	_ =	swait.ge [sflag:s14], $0x1400  }
0x1b: {  	[sflag:s14] =	ssyncset.done $0x0  }
0x1c: {  	[sflag:s14] =	ssyncadd.s32 $0xFFFFEC00  }
0x1d: {  	[tilespmem:s15], [sflag:$0x3] =	stream.linear.gather [hbm4b:s10+s4], $0x1400, $0x38;
	[tilespmem:$0x1E800] =	vst v63  }
0x1e: {  	_ =	swait.ge [sflag:s14], $0x1400  }
0x1f: {  	[sflag:s14] =	ssyncset.done $0x0  }
0x20: {  	[sflag:s14] =	ssyncadd.s32 $0xFFFFEC00  }
0x21: {  	[tilespmem:s17], [sflag:$0x1] =	stream.indirect.gather [hbm4b:s1+s16], $0x80, s4, s16, $0xb8;
	[tilespmem:$0x1E800] =	vst v63  }
0x22: {  	s25 =	simm.s32 $0x80  }
0x23: {  	[tilespmem:s18], [sflag:$0x2] =	stream.indirect.gather [hbm4b:s1+s16], $0x80, s25, s16, $0xb8;
	[tilespmem:$0x1E800] =	vst v63  }
0x24: {  	_ =	swait.ge [sflag:s19], $0x4000  }
0x25: {  	[sflag:s19] =	ssyncset.done $0x0  }
0x26: {  	s29 =	simm.s32 $0x1400;
	[sflag:s19] =	ssyncadd.s32 $0xFFFFC000  }
0x27: {  	[spmem:s3] =	stream.indirect.scatter.add.f32 [tilespmem:s17], [sflag:$0x3], $0x80, s29, s16, $0xb8;
	[tilespmem:$0x1E800] =	vst v63  }
0x28: {  	_ =	swait.ge [sflag:s14], $0x4000  }
0x29: {  	[sflag:s14] =	ssyncset.done $0x0  }
0x2a: {  	s30 =	simm.s32 $0x100;
	[sflag:s14] =	ssyncadd.s32 $0xFFFFC000  }
0x2b: {  	[tilespmem:s17], [sflag:$0x1] =	stream.indirect.gather [hbm4b:s1+s16], $0x80, s30, s16, $0xb8;
	[tilespmem:$0x1E800] =	vst v63  }
0x2c: {  	_ =	swait.ge [sflag:s20], $0x4000  }
0x2d: {  	[sflag:s20] =	ssyncset.done $0x0  }
0x2e: {  	s31 =	simm.s32 $0x1480;
	[sflag:s20] =	ssyncadd.s32 $0xFFFFC000  }
0x2f: {  	[spmem:s3] =	stream.indirect.scatter.add.f32 [tilespmem:s18], [sflag:$0x3], $0x80, s31, s16, $0xb8;
	[tilespmem:$0x1E800] =	vst v63  }
0x30: {  	_ =	swait.ge [sflag:s14], $0x4000  }
0x31: {  	s26 =	simm.s32 $0x800;
	s25 =	simm.s32 $0x100;
	[sflag:s14] =	ssyncset.done $0x0  }
.LBB2_2:
0x32: {  	s28 =	sadd.s32 $0x80, s25  }
0x33: {  	[sflag:s14] =	ssyncadd.s32 $0xFFFFC000;
	s29 =	smov.u32 s26;
	s30 =	sadd.s32 $0x400, s26  }
0x34: {  	[tilespmem:s18], [sflag:$0x2] =	stream.indirect.gather [hbm4b:s1+s16], $0x80, s28, s16, $0xb8;
	[tilespmem:$0x1E800] =	vst v63  }
0x35: {  	p0 =	sne.s32 s26, $0x4800;
	_ =	swait.ge [sflag:s19], $0x4000  }
0x36: {  	[sflag:s19] =	ssyncset.done $0x0  }
0x37: {  	s26 =	sadd.s32 $0x1400, s25;
	[sflag:s19] =	ssyncadd.s32 $0xFFFFC000  }
0x38: {  	[spmem:s3] =	stream.indirect.scatter.add.f32 [tilespmem:s17], [sflag:$0x3], $0x80, s26, s16, $0xb8;
	[tilespmem:$0x1E800] =	vst v63  }
0x39: {  	_ =	swait.ge [sflag:s14], $0x4000  }
0x3a: {  	[sflag:s14] =	ssyncset.done $0x0  }
0x3b: {  	s26 =	sadd.s32 $0x100, s25;
	[sflag:s14] =	ssyncadd.s32 $0xFFFFC000  }
0x3c: {  	[tilespmem:s17], [sflag:$0x1] =	stream.indirect.gather [hbm4b:s1+s16], $0x80, s26, s16, $0xb8;
	[tilespmem:$0x1E800] =	vst v63  }
0x3d: {  	_ =	swait.ge [sflag:s20], $0x4000  }
.Ltmp0:
0x3e: {  	[sflag:s20] =	ssyncset.done $0x0;
	(pc) =	sbr.rel @p0 .LBB2_2-.Ltmp0, $4  }
0x3f: {  	s25 =	sadd.s32 $0x1480, s25;
	[sflag:s20] =	ssyncadd.s32 $0xFFFFC000  }
0x40: {  	[spmem:s3] =	stream.indirect.scatter.add.f32 [tilespmem:s18], [sflag:$0x3], $0x80, s25, s16, $0xb8;
	[tilespmem:$0x1E800] =	vst v63  }
0x41: {  	_ =	swait.ge [sflag:s14], $0x4000  }
0x42: {  	s26 =	smov.u32 s30;
	s25 =	sshra.s32 s29, $0x2;
	[sflag:s14] =	ssyncset.done $0x0  }
0x43: {  	s26 =	sadd.s32 $0x80, s25;
	[sflag:s14] =	ssyncadd.s32 $0xFFFFC000  }
0x44: {  	[tilespmem:s18], [sflag:$0x2] =	stream.indirect.gather [hbm4b:s1+s16], $0x80, s26, s16, $0xb8;
	[tilespmem:$0x1E800] =	vst v63  }
0x45: {  	_ =	swait.ge [sflag:s19], $0x4000  }
0x46: {  	[sflag:s19] =	ssyncset.done $0x0  }
0x47: {  	s29 =	sadd.s32 $0x1400, s25;
	[sflag:s19] =	ssyncadd.s32 $0xFFFFC000  }
0x48: {  	[spmem:s3] =	stream.indirect.scatter.add.f32 [tilespmem:s17], [sflag:$0x3], $0x80, s29, s16, $0xb8;
	[tilespmem:$0x1E800] =	vst v63  }
0x49: {  	_ =	swait.ge [sflag:s14], $0x4000  }
0x4a: {  	[sflag:s14] =	ssyncset.done $0x0  }
0x4b: {  	s30 =	sadd.s32 $0x100, s25;
	[sflag:s14] =	ssyncadd.s32 $0xFFFFC000  }
0x4c: {  	[tilespmem:s17], [sflag:$0x1] =	stream.indirect.gather [hbm4b:s1+s16], $0x80, s30, s16, $0xb8;
	[tilespmem:$0x1E800] =	vst v63  }
0x4d: {  	_ =	swait.ge [sflag:s20], $0x4000  }
0x4e: {  	[sflag:s20] =	ssyncset.done $0x0  }
0x4f: {  	s31 =	sadd.s32 $0x1480, s25;
	[sflag:s20] =	ssyncadd.s32 $0xFFFFC000  }
0x50: {  	[spmem:s3] =	stream.indirect.scatter.add.f32 [tilespmem:s18], [sflag:$0x3], $0x80, s31, s16, $0xb8;
	[tilespmem:$0x1E800] =	vst v63  }
0x51: {  	_ =	swait.ge [sflag:s14], $0x4000  }
0x52: {  	[sflag:s14] =	ssyncset.done $0x0  }
0x53: {  	[sflag:s14] =	ssyncadd.s32 $0xFFFFC000  }
0x54: {  	[tilespmem:s18], [sflag:$0x2] =	stream.indirect.gather [hbm4b:s1+s16], $0x80, s21, s16, $0xb8;
	[tilespmem:$0x1E800] =	vst v63  }
0x55: {  	_ =	swait.ge [sflag:s19], $0x4000  }
0x56: {  	[sflag:s19] =	ssyncset.done $0x0  }
0x57: {  	[sflag:s19] =	ssyncadd.s32 $0xFFFFC000  }
0x58: {  	[spmem:s3] =	stream.indirect.scatter.add.f32 [tilespmem:s17], [sflag:$0x3], $0x80, s22, s16, $0xb8;
	[tilespmem:$0x1E800] =	vst v63  }
0x59: {  	_ =	swait.ge [sflag:s14], $0x4000  }
0x5a: {  	[sflag:s14] =	ssyncset.done $0x0  }
0x5b: {  	[sflag:s14] =	ssyncadd.s32 $0xFFFFC000  }
0x5c: {  	_ =	swait.ge [sflag:s20], $0x4000  }
0x5d: {  	[sflag:s20] =	ssyncset.done $0x0  }
0x5e: {  	[sflag:s20] =	ssyncadd.s32 $0xFFFFC000  }
0x5f: {  	[spmem:s3] =	stream.indirect.scatter.add.f32 [tilespmem:s18], [sflag:$0x3], $0x80, s23, s16, $0xb8;
	[tilespmem:$0x1E800] =	vst v63  }
0x60: {  	_ =	swait.ge [sflag:s14], $0x4000  }
0x61: {  	[sflag:s14] =	ssyncset.done $0x0  }
0x62: {  	s26 =	simm.s32 $0x0;
	[sflag:s14] =	ssyncadd.s32 $0xFFFFC000  }
0x63: {  	[tilespmem:s26], [sflag:$0x3] =	stream.linear.gather [hbm4b:s11+s26], $0x1400, $0x38;
	[tilespmem:$0x1E800] =	vst v63  }
0x64: {  	_ =	swait.ge [sflag:s14], $0x1400  }
0x65: {  	[sflag:s14] =	ssyncset.done $0x0  }
0x66: {  	[sflag:s14] =	ssyncadd.s32 $0xFFFFEC00  }
0x67: {  	[tilespmem:s15], [sflag:$0x3] =	stream.linear.gather [hbm4b:s12+s26], $0x1400, $0x38;
	[tilespmem:$0x1E800] =	vst v63  }
0x68: {  	_ =	swait.ge [sflag:s14], $0x1400  }
0x69: {  	[sflag:s14] =	ssyncset.done $0x0  }
0x6a: {  	[sflag:s14] =	ssyncadd.s32 $0xFFFFEC00  }
0x6b: {  	[tilespmem:s17], [sflag:$0x1] =	stream.indirect.gather [hbm4b:s1+s16], $0x80, s26, s16, $0xb8;
	[tilespmem:$0x1E800] =	vst v63  }
0x6c: {  	s28 =	simm.s32 $0x80  }
0x6d: {  	[tilespmem:s18], [sflag:$0x2] =	stream.indirect.gather [hbm4b:s1+s16], $0x80, s28, s16, $0xb8;
	[tilespmem:$0x1E800] =	vst v63  }
0x6e: {  	_ =	swait.ge [sflag:s19], $0x4000  }
0x6f: {  	[sflag:s19] =	ssyncset.done $0x0  }
0x70: {  	s29 =	simm.s32 $0x1400;
	[sflag:s19] =	ssyncadd.s32 $0xFFFFC000  }
0x71: {  	[spmem:s3] =	stream.indirect.scatter.add.f32 [tilespmem:s17], [sflag:$0x3], $0x80, s29, s16, $0xb8;
	[tilespmem:$0x1E800] =	vst v63  }
0x72: {  	_ =	swait.ge [sflag:s14], $0x4000  }
0x73: {  	[sflag:s14] =	ssyncset.done $0x0  }
0x74: {  	s30 =	simm.s32 $0x100;
	[sflag:s14] =	ssyncadd.s32 $0xFFFFC000  }
0x75: {  	[tilespmem:s17], [sflag:$0x1] =	stream.indirect.gather [hbm4b:s1+s16], $0x80, s30, s16, $0xb8;
	[tilespmem:$0x1E800] =	vst v63  }
0x76: {  	_ =	swait.ge [sflag:s20], $0x4000  }
0x77: {  	[sflag:s20] =	ssyncset.done $0x0  }
0x78: {  	s31 =	simm.s32 $0x1480;
	[sflag:s20] =	ssyncadd.s32 $0xFFFFC000  }
0x79: {  	[spmem:s3] =	stream.indirect.scatter.add.f32 [tilespmem:s18], [sflag:$0x3], $0x80, s31, s16, $0xb8;
	[tilespmem:$0x1E800] =	vst v63  }
0x7a: {  	_ =	swait.ge [sflag:s14], $0x4000  }
0x7b: {  	s25 =	simm.s32 $0x100;
	s26 =	simm.s32 $0x800;
	[sflag:s14] =	ssyncset.done $0x0  }
.LBB2_4:
0x7c: {  	s28 =	sadd.s32 $0x80, s25  }
0x7d: {  	[sflag:s14] =	ssyncadd.s32 $0xFFFFC000;
	s29 =	smov.u32 s26;
	s30 =	sadd.s32 $0x400, s26  }
0x7e: {  	[tilespmem:s18], [sflag:$0x2] =	stream.indirect.gather [hbm4b:s1+s16], $0x80, s28, s16, $0xb8;
	[tilespmem:$0x1E800] =	vst v63  }
0x7f: {  	p0 =	sne.s32 s26, $0x4800;
	_ =	swait.ge [sflag:s19], $0x4000  }
0x80: {  	[sflag:s19] =	ssyncset.done $0x0  }
0x81: {  	s26 =	sadd.s32 $0x1400, s25;
	[sflag:s19] =	ssyncadd.s32 $0xFFFFC000  }
0x82: {  	[spmem:s3] =	stream.indirect.scatter.add.f32 [tilespmem:s17], [sflag:$0x3], $0x80, s26, s16, $0xb8;
	[tilespmem:$0x1E800] =	vst v63  }
0x83: {  	_ =	swait.ge [sflag:s14], $0x4000  }
0x84: {  	[sflag:s14] =	ssyncset.done $0x0  }
0x85: {  	s26 =	sadd.s32 $0x100, s25;
	[sflag:s14] =	ssyncadd.s32 $0xFFFFC000  }
0x86: {  	[tilespmem:s17], [sflag:$0x1] =	stream.indirect.gather [hbm4b:s1+s16], $0x80, s26, s16, $0xb8;
	[tilespmem:$0x1E800] =	vst v63  }
0x87: {  	_ =	swait.ge [sflag:s20], $0x4000  }
.Ltmp1:
0x88: {  	[sflag:s20] =	ssyncset.done $0x0;
	(pc) =	sbr.rel @p0 .LBB2_4-.Ltmp1, $4  }
0x89: {  	s25 =	sadd.s32 $0x1480, s25;
	[sflag:s20] =	ssyncadd.s32 $0xFFFFC000  }
0x8a: {  	[spmem:s3] =	stream.indirect.scatter.add.f32 [tilespmem:s18], [sflag:$0x3], $0x80, s25, s16, $0xb8;
	[tilespmem:$0x1E800] =	vst v63  }
0x8b: {  	_ =	swait.ge [sflag:s14], $0x4000  }
0x8c: {  	s26 =	smov.u32 s30;
	s25 =	sshra.s32 s29, $0x2;
	[sflag:s14] =	ssyncset.done $0x0  }
0x8d: {  	s26 =	sadd.s32 $0x80, s25;
	[sflag:s14] =	ssyncadd.s32 $0xFFFFC000  }
0x8e: {  	[tilespmem:s18], [sflag:$0x2] =	stream.indirect.gather [hbm4b:s1+s16], $0x80, s26, s16, $0xb8;
	[tilespmem:$0x1E800] =	vst v63  }
0x8f: {  	_ =	swait.ge [sflag:s19], $0x4000  }
0x90: {  	[sflag:s19] =	ssyncset.done $0x0  }
0x91: {  	s29 =	sadd.s32 $0x1400, s25;
	[sflag:s19] =	ssyncadd.s32 $0xFFFFC000  }
0x92: {  	[spmem:s3] =	stream.indirect.scatter.add.f32 [tilespmem:s17], [sflag:$0x3], $0x80, s29, s16, $0xb8;
	[tilespmem:$0x1E800] =	vst v63  }
0x93: {  	_ =	swait.ge [sflag:s14], $0x4000  }
0x94: {  	[sflag:s14] =	ssyncset.done $0x0  }
0x95: {  	s30 =	sadd.s32 $0x100, s25;
	[sflag:s14] =	ssyncadd.s32 $0xFFFFC000  }
0x96: {  	[tilespmem:s17], [sflag:$0x1] =	stream.indirect.gather [hbm4b:s1+s16], $0x80, s30, s16, $0xb8;
	[tilespmem:$0x1E800] =	vst v63  }
0x97: {  	_ =	swait.ge [sflag:s20], $0x4000  }
0x98: {  	[sflag:s20] =	ssyncset.done $0x0  }
0x99: {  	s31 =	sadd.s32 $0x1480, s25;
	[sflag:s20] =	ssyncadd.s32 $0xFFFFC000  }
0x9a: {  	[spmem:s3] =	stream.indirect.scatter.add.f32 [tilespmem:s18], [sflag:$0x3], $0x80, s31, s16, $0xb8;
	[tilespmem:$0x1E800] =	vst v63  }
0x9b: {  	_ =	swait.ge [sflag:s14], $0x4000  }
0x9c: {  	[sflag:s14] =	ssyncset.done $0x0  }
0x9d: {  	[sflag:s14] =	ssyncadd.s32 $0xFFFFC000  }
0x9e: {  	[tilespmem:s18], [sflag:$0x2] =	stream.indirect.gather [hbm4b:s1+s16], $0x80, s21, s16, $0xb8;
	[tilespmem:$0x1E800] =	vst v63  }
0x9f: {  	_ =	swait.ge [sflag:s19], $0x4000  }
0xa0: {  	[sflag:s19] =	ssyncset.done $0x0  }
0xa1: {  	[sflag:s19] =	ssyncadd.s32 $0xFFFFC000  }
0xa2: {  	[spmem:s3] =	stream.indirect.scatter.add.f32 [tilespmem:s17], [sflag:$0x3], $0x80, s22, s16, $0xb8;
	[tilespmem:$0x1E800] =	vst v63  }
0xa3: {  	_ =	swait.ge [sflag:s14], $0x4000  }
0xa4: {  	[sflag:s14] =	ssyncset.done $0x0  }
0xa5: {  	[sflag:s14] =	ssyncadd.s32 $0xFFFFC000  }
0xa6: {  	_ =	swait.ge [sflag:s20], $0x4000  }
0xa7: {  	[sflag:s20] =	ssyncset.done $0x0  }
0xa8: {  	[sflag:s20] =	ssyncadd.s32 $0xFFFFC000  }
0xa9: {  	[spmem:s3] =	stream.indirect.scatter.add.f32 [tilespmem:s18], [sflag:$0x3], $0x80, s23, s16, $0xb8;
	[tilespmem:$0x1E800] =	vst v63  }
0xaa: {  	_ =	swait.ge [sflag:s14], $0x4000  }
0xab: {  	s24 =	sadd.s32 $0x1, s24;
	[sflag:s14] =	ssyncset.done $0x0  }
0xac: {  	p0 =	sne.s32 s24, s8;
	[sflag:s14] =	ssyncadd.s32 $0xFFFFC000  }
.Ltmp2:
0xad: {  	[bflag:$0x0] =	sbarrier.arrive $0xFFFF;
	(pc) =	sbr.rel @p0 .LBB2_1-.Ltmp2, $4  }
0xae: {  	[hbm:s7], [sflag:s6] =	dma.local [spmem:s13], $0x2800  }
0xaf: {  	_ =	swait.ge [sflag:s14], $0x2800  }
0xb0: {  	[sflag:s14] =	ssyncset.done $0x0  }
0xb1: {  	[sflag:s14] =	ssyncadd.s32 $0xFFFFD800  }
0xb2: {  	_ =	sfence.sel $0x180000  }
0xb3: {  	[bflag:$0x0] =	sbarrier.arrive $0xFFFF  }
0xb4: {  	p0 =	sne.s32 s0, $0x0;
	_ =	strace $0x9000004A  }
0xb5: {  	s0 =	sadd.s32 @!p0 $0x100000, s2;
	[bflag:$0x2] =	sbarrier.arrive $0xFFFF  }
0xb6: {  	[sflag:s0] =	ssyncadd.tile.s32 @!p0 $0x1;
	_ =	shalt  }
.Lfunc_end2:
_tile_overlayer_lowered:
.L_overlay_start_2:
0xb7: {  	(tag) =	ssettag $0x2  }
0xb8: {  	s0 =	rddreg [dreg:$0x0];
	s2 =	stileid.u32  }
0xb9: {  	s1 =	rddreg [dreg:$0x1];
	p0 =	sne.s32 s2, $0x0  }
0xba: {  	s3 =	rddreg [dreg:$0x2];
	[bflag:$0x3] =	sbarrier.arrive $0xFFFF;
	s2 =	simm.s32 @!p0 $0x1C03  }
0xbb: {  	[timem:s3], [sflag:s2] =	dma.local @!p0 [hbm:s0], s1  }
0xbc: {  	s0 =	simm.s32 @!p0 $0x3  }
0xbd: {  	_ =	swait.ge @!p0 [sflag:s0], s1  }
0xbe: {  	s1 =	ssub.s32 @!p0 $0x0, s1;
	[sflag:s0] =	ssyncset.done @!p0 $0x0  }
0xbf: {  	[sflag:s0] =	ssyncadd.s32 @!p0 s1  }
0xc0: {  	[bflag:$0x3] =	sbarrier.arrive $0xFFFF  }
0xc1: {  	_ =	shalt  }

// kernel: kernel.14.cloned.1.call-start
scs
__scs_entry_jumppad:
0x0: {  	(pc) =	sbr.rel $0x88, $3  }
0x1: {  	(tag) =	ssettag $0x0;
	lr =	simm.s32 $0x1  }
0x2: {  	[smem:$0x3F99] =	sst lr;
	_ =	strace $0xD0000000  }
0x3: {  	_ = 	snop  }
0x4: {  	_ = 	snop  }
0x5: {  	_ = 	snop  }
0x6: {  	_ = 	snop  }
0x7: {  	_ = 	snop  }
__scs_overlays_trampoline_lowered:
0x8: {  	[smem:$0x3FA8] =	sst s0  }
0x9: {  	[smem:$0x3FA9] =	sst s1  }
0xa: {  	[smem:$0x3FAA] =	sst s2  }
0xb: {  	[smem:$0x3FAB] =	sst s3  }
0xc: {  	[smem:$0x3FAC] =	sst s4  }
0xd: {  	[smem:$0x3FAD] =	sst s5  }
0xe: {  	[smem:$0x3FAE] =	sst s6  }
0xf: {  	[smem:$0x3FAF] =	sst s7  }
0x10: {  	[smem:$0x3FB0] =	sst s8  }
0x11: {  	[smem:$0x3FB1] =	sst s9;
	s0 =	simm.s32 @!p0 $0x0  }
0x12: {  	s1 =	sld [smem:$0x3F97];
	s0 =	simm.s32 @p0 $0x1  }
0x13: {  	[smem:$0x3FB2] =	sst s0;
	s0 =	simm.s32 @!p1 $0x0  }
0x14: {  	s2 =	sld [smem:$0x3F96];
	s0 =	simm.s32 @p1 $0x1  }
0x15: {  	[smem:$0x3FB3] =	sst s0;
	s0 =	simm.s32 @!p2 $0x0  }
0x16: {  	s3 =	sld [smem:$0x3FDB];
	s0 =	simm.s32 @p2 $0x1  }
0x17: {  	s4 =	simm.s32 $0x1BF5;
	[smem:$0x3FB5] =	sst s0  }
0x18: {  	s0 =	sld [smem:$0x3F98];
	_ =	swait.ge [sflag:s4], $0x0  }
0x19: {  	s7 =	sld [smem:$0x3F99]  }
0x1a: {  	s8 =	sadd.s32 $0xFFFFE003, lr  }
0x1b: {  	s9 =	sadd.s32 $0xFFFFFEF7, lr;
	s5 =	simm.s32 $0xFFFFFFFF;
	p2 =	slt.u32 s8, $0xFFFFF086  }
0x1c: {  	p1 =	slt.u32 s9, $0xF7A;
	s5 =	simm.s32 @!p2 $0x0  }
0x1d: {  	s5 =	simm.s32 @p1 $0x1;
	p0 =	seq.s32 s7, s2  }
0x1e: {  	s7 =	smul.u32 @!p0 $0xF7A, s2;
	p2 =	seq.s32 @!p0 s5, $0x0  }
0x1f: {  	s9 =	smul.u32 $0xF7A, s1;
	s8 =	simm.s32 @!p0 $0x1BF5;
	p2 =	por !p2, p0  }
0x20: {  	[sflag:s8] =	ssyncset.s32 @!p0 $0xFFFFF086;
	s6 =	sadd.s32 @!p0 s3, s7;
	s7 =	simm.s32 @!p0 $0x108  }
0x21: {  	s3 =	sadd.s32 s3, s9;
	s6 =	sadd.s32 @!p0 $0x88, s6;
	s7 =	simm.s32 @p2 $0x1082  }
0x22: {  	[simem:s7], [sflag:s8] =	dma.local @!p0 [hbm:s6], $0xF7A  }
0x23: {  	s9 =	sor.u32 $0xD0000000, s2;
	s6 =	simm.s32 $0x108;
	_ =	swait.ge @!p0 [sflag:s8], $0x0  }
0x24: {  	s3 =	sadd.s32 $0x88, s3;
	s6 =	simm.s32 @!p1 $0x1082;
	[sflag:s4] =	ssyncset.s32 $0xFFFFF086  }
0x25: {  	[simem:s6], [sflag:s4] =	dma.local [hbm:s3], $0xF7A  }
0x26: {  	[smem:$0x3F99] =	sst s1;
	(tag) =	ssettag s2;
	_ =	strace s9  }
0x27: {  	s1 =	sld [smem:$0x3FA9]  }
0x28: {  	s2 =	sld [smem:$0x3FAA]  }
0x29: {  	s4 =	sld [smem:$0x3FAC]  }
0x2a: {  	p0 =	seq.s32 s5, $0x0;
	s5 =	sld [smem:$0x3FAD]  }
0x2b: {  	s6 =	sld [smem:$0x3FAE]  }
0x2c: {  	s7 =	sld [smem:$0x3FAF]  }
0x2d: {  	s3 =	simm.s32 $0x108;
	s8 =	sld [smem:$0x3FB0]  }
0x2e: {  	s3 =	simm.s32 @!p0 $0x1082;
	s9 =	sld [smem:$0x3FB1]  }
0x2f: {  	lr =	sadd.s32 s0, s3;
	s0 =	sld [smem:$0x3FA8]  }
0x30: {  	s3 =	sld [smem:$0x3FAB]  }
0x31: {  	[smem:$0x3FB4] =	sst s10  }
0x32: {  	s10 =	sld [smem:$0x3FB2];
	_ =	sdelay $0x3  }
0x33: {  	p0 =	seq.s32 s10, $0x1;
	s10 =	sld [smem:$0x3FB4];
	_ =	sdelay $0x3  }
0x34: {  	[smem:$0x3FB4] =	sst s10  }
0x35: {  	s10 =	sld [smem:$0x3FB3];
	_ =	sdelay $0x3  }
0x36: {  	p1 =	seq.s32 s10, $0x1;
	s10 =	sld [smem:$0x3FB4];
	_ =	sdelay $0x3  }
0x37: {  	[smem:$0x3FB4] =	sst s10  }
0x38: {  	s10 =	sld [smem:$0x3FB5]  }
0x39: {  	_ = 	snop;
	(pc) =	sbr.ind lr, $3  }
0x3a: {  	_ = 	snop  }
0x3b: {  	_ = 	snop  }
0x3c: {  	p2 =	seq.s32 s10, $0x1;
	s10 =	sld [smem:$0x3FB4]  }
0x3d: {  	_ =	shalt  }
0x3e: {  	_ =	shalt  }
0x3f: {  	_ =	shalt  }
0x40: {  	_ =	shalt  }
0x41: {  	_ =	shalt  }
0x42: {  	_ =	shalt  }
0x43: {  	_ =	shalt  }
0x44: {  	_ =	shalt  }
0x45: {  	_ =	shalt  }
0x46: {  	_ =	shalt  }
0x47: {  	_ =	shalt  }
0x48: {  	_ =	shalt  }
0x49: {  	_ =	shalt  }
0x4a: {  	_ =	shalt  }
0x4b: {  	_ =	shalt  }
0x4c: {  	_ =	shalt  }
0x4d: {  	_ =	shalt  }
0x4e: {  	_ =	shalt  }
0x4f: {  	_ =	shalt  }
0x50: {  	_ =	shalt  }
0x51: {  	_ =	shalt  }
0x52: {  	_ =	shalt  }
0x53: {  	_ =	shalt  }
0x54: {  	_ =	shalt  }
0x55: {  	_ =	shalt  }
0x56: {  	_ =	shalt  }
0x57: {  	_ =	shalt  }
0x58: {  	_ =	shalt  }
0x59: {  	_ =	shalt  }
0x5a: {  	_ =	shalt  }
0x5b: {  	_ =	shalt  }
0x5c: {  	_ =	shalt  }
0x5d: {  	_ =	shalt  }
0x5e: {  	_ =	shalt  }
0x5f: {  	_ =	shalt  }
0x60: {  	_ =	shalt  }
0x61: {  	_ =	shalt  }
0x62: {  	_ =	shalt  }
0x63: {  	_ =	shalt  }
0x64: {  	_ =	shalt  }
0x65: {  	_ =	shalt  }
0x66: {  	_ =	shalt  }
0x67: {  	_ =	shalt  }
0x68: {  	_ =	shalt  }
0x69: {  	_ =	shalt  }
0x6a: {  	_ =	shalt  }
0x6b: {  	_ =	shalt  }
0x6c: {  	_ =	shalt  }
0x6d: {  	_ =	shalt  }
0x6e: {  	_ =	shalt  }
0x6f: {  	_ =	shalt  }
0x70: {  	_ =	shalt  }
0x71: {  	_ =	shalt  }
0x72: {  	_ =	shalt  }
0x73: {  	_ =	shalt  }
0x74: {  	_ =	shalt  }
0x75: {  	_ =	shalt  }
0x76: {  	_ =	shalt  }
0x77: {  	_ =	shalt  }
0x78: {  	_ =	shalt  }
0x79: {  	_ =	shalt  }
0x7a: {  	_ =	shalt  }
0x7b: {  	_ =	shalt  }
0x7c: {  	_ =	shalt  }
0x7d: {  	_ =	shalt  }
0x7e: {  	_ =	shalt  }
0x7f: {  	_ =	shalt  }
0x80: {  	_ =	shalt  }
0x81: {  	_ =	shalt  }
0x82: {  	_ =	shalt  }
0x83: {  	_ =	shalt  }
0x84: {  	_ =	shalt  }
0x85: {  	_ =	shalt  }
0x86: {  	_ =	shalt  }
0x87: {  	_ =	shalt  }
.Lfunc_end0:
.L_simem_size_0:
called_computation.2_lowered:
.L_overlay_start_0:
0x88: {  	s2 =	sld [smem:$0x3FD9]  }
0x89: {  	s3 =	sld [smem:$0x3FFE];
	_ =	sdelay $0x1  }
0x8a: {  	s1 =	srdreg.scid  }
0x8b: {  	s0 =	sand.u32 $0x1, s1  }
0x8c: {  	s14 =	sshll.u32 s0, $0xA;
	s2 =	sadd.s32 s3, s2  }
0x8d: {  	s2 =	sadd.s32 s2, s14  }
0x8e: {  	[smem:$0x3FC0] =	sst s2  }
0x8f: {  	_ = 	snop  }
0x90: {  	s2 =	sld [smem:$0x3FD0];
	_ =	sdelay $0x2  }
0x91: {  	s15 =	simm.s32 $0xA;
	s4 =	simm.s32 $0x10  }
0x92: {  	[smem:s4], [sflag:s15] =	dma.local [hbm:s2], $0x1  }
0x93: {  	_ =	swait.eq [sflag:s15], $0x1  }
0x94: {  	[sflag:s15] =	ssyncset.done $0x0  }
0x95: {  	s16 =	sld [smem:$0x10];
	[sflag:s15] =	ssyncadd.s32 $0xFFFFFFFF  }
0x96: {  	s17 =	sld [smem:$0x11];
	(tm) =	ssettm $0x1  }
0x97: {  	s18 =	sld [smem:$0x3FFB];
	_ =	sdelay $0x3  }
0x98: {  	_ =	strace s18  }
0x99: {  	s4 =	sld [smem:$0x3FFC];
	_ =	sdelay $0x3  }
0x9a: {  	_ =	strace s4  }
0x9b: {  	s4 =	sld [smem:$0x3FFD];
	_ =	sdelay $0x3  }
0x9c: {  	_ =	strace s4  }
0x9d: {  	_ =	strace $0x8FFFFFFF  }
0x9e: {  	s19 =	sld [smem:$0x3FDB];
	_ =	sdelay $0x1  }
0x9f: {  	s5 =	simm.s32 $_scs_section_size  }
0xa0: {  	s6 =	simm.s32 $_size__tile_overlayer_lowered;
	s7 =	simm.s32 $_tile_overlayer_lowered  }
0xa1: {  	s22 =	simm.s32 $0x1BFF;
	s21 =	sshll.u32 s7, $0x1;
	s4 =	sadd.s32 s5, s19  }
0xa2: {  	s8 =	simm.s32 $0x0;
	s20 =	sshll.u32 s6, $0x1;
	s6 =	sadd.s32 s21, s4  }
0xa3: {  	[timem:s8], [sflag:s22] =	dma.local [hbm:s6], s20  }
0xa4: {  	_ =	swait.ge [sflag:s22], s20  }
0xa5: {  	s5 =	ssub.s32 $0x0, s20;
	[sflag:s22] =	ssyncset.done $0x0  }
0xa6: {  	[sflag:s22] =	ssyncadd.s32 s5;
	_ =	sdelay $0x1  }
0xa7: {  	s23 =	simm.s32 $0x1B8B  }
0xa8: {  	_ =	swait.ge [sflag:s23], $0x1  }
0xa9: {  	[sflag:s23] =	ssyncset.done $0x0  }
0xaa: {  	s25 =	simm.s32 $0x1B8E;
	s24 =	sld [smem:$0x3FFE];
	[sflag:s23] =	ssyncadd.s32 $0xFFFFFFFF  }
0xab: {  	s26 =	simm.s32 $execute0_lowered;
	[smem:$0x3FD2] =	sst s25  }
0xac: {  	s6 =	sshll.u32 s26, $0x1;
	_ =	strace $0x8000004C;
	[dreg:$0x1] =	wrdreg $0xFFFFFFFF  }
0xad: {  	s28 =	simm.s32 $_size_execute0_lowered;
	s4 =	sadd.s32 s4, s6;
	[dreg:$0x0] =	wrdreg $0x0  }
0xae: {  	s6 =	sshll.u32 s28, $0x1;
	[dreg:$0x2] =	wrdreg s4  }
0xaf: {  	[dreg:$0x3] =	wrdreg s6  }
0xb0: {  	[dreg:$0x4] =	wrdreg $0xC0  }
0xb1: {  	_ =	task [dreg:s8], $0x5FFFF  }
0xb2: {  	[dreg:$0x1] =	wrdreg $0xFFFFFFFF  }
0xb3: {  	[dreg:$0x0] =	wrdreg $0x60  }
0xb4: {  	[dreg:$0x2] =	wrdreg s17  }
0xb5: {  	[dreg:$0x3] =	wrdreg s24  }
0xb6: {  	[dreg:$0x4] =	wrdreg s16  }
0xb7: {  	[dreg:$0x5] =	wrdreg $0xA8000  }
0xb8: {  	[dreg:$0x6] =	wrdreg $0x9  }
0xb9: {  	_ =	task.clear_ibuf [dreg:s8], $0x7FFFF;
	_ =	strace $0x9000004C  }
0xba: {  	s29 =	simm.s32 $0x9;
	_ =	strace $0x8000004E  }
0xbb: {  	_ =	swait.ge [sflag:s29], $0x1  }
0xbc: {  	[sflag:s29] =	ssyncadd.s32 $0xFFFFFFFF  }
0xbd: {  	_ =	strace $0x9000004E  }
0xbe: {  	_ =	sfence  }
0xbf: {  	s30 =	sld [smem:$0x0];
	_ =	sdelay $0x2  }
0xc0: {  	s31 =	sshll.u32 s1, $0xD;
	s1 =	sshrl.u32 s1, $0x2  }
0xc1: {  	s3 =	sand.u32 $0x4000, s31;
	s1 =	sadd.s32 s1, s30  }
0xc2: {  	s0 =	sor.u32 s3, s0;
	s1 =	sshll.u32 s1, $0x11  }
0xc3: {  	s0 =	sor.u32 s1, s0  }
0xc4: {  	s0 =	sadd.s32 $0x8F2B, s0  }
0xc5: {  	[sflag:s0] =	ssyncadd.remote.s32 $0x1  }
0xc6: {  	_ =	sfence.sel $0xFFFF  }
0xc7: {  	[dreg:$0x0] =	wrdreg $0xFFFFFFFF;
	(pc) =	sbr.abs _section_cstart, $3  }
0xc8: {  	[dreg:$0x1] =	wrdreg $0xFFFFFFFF  }
0xc9: {  	_ =	task.clear_ibuf [dreg:s8], $0x2FFFF;
	_ =	strace $0x9FFFFFFF  }
0xca: {  	(tm) =	ssettm $0x7FFFFFFF  }
0xcb: {  	_ =	shalt  }
tec
execute0_lowered:
.L_overlay_start_1:
0x0: {  	(tag) =	ssettag $0x1  }
0x1: {  	s1 =	rddreg [dreg:$0x0]  }
0x2: {  	s5 =	rddreg [dreg:$0x1]  }
0x3: {  	s12 =	rddreg [dreg:$0x2];
	s0 =	stileid.u32  }
0x4: {  	s2 =	srdreg.scid;
	s3 =	rddreg [dreg:$0x3]  }
0x5: {  	s4 =	simm.s32 $0x0;
	s15 =	simm.s32 $0x1400;
	s16 =	simm.s32 $0x80  }
0x6: {  	s17 =	simm.s32 $0x2800;
	s18 =	simm.s32 $0x6800;
	s19 =	simm.s32 $0x1  }
0x7: {  	s20 =	simm.s32 $0x2;
	s21 =	simm.s32 $0x1380;
	s22 =	simm.s32 $0x2700  }
0x8: {  	s23 =	simm.s32 $0x2780;
	s7 =	sand.u32 $0x1, s2;
	s2 =	rddreg [dreg:$0x4]  }
0x9: {  	s6 =	smul.u32 $0x14000, s0;
	[smem:$0x7FF] =	sst s4;
	s11 =	sadd.s32 $0x2800, s5  }
0xa: {  	s10 =	sshll.u32 s0, $0x1;
	s13 =	smul.u32 $0x50000, s0;
	s30 =	sshll.u32 s0, $0x6  }
0xb: {  	s8 =	smul.u32 $0x140000, s7;
	_ =	strace $0x8000004D;
	s25 =	ssub.s32 $0x2, s7  }
0xc: {  	s28 =	sor.u32 s7, s10;
	s9 =	sshrl.u32 s6, $0x3;
	s26 =	sshrl.u32 s25, $0x1  }
0xd: {  	s29 =	sshrl.u32 s13, $0x2;
	s10 =	smul.u32 $0x2800, s28;
	s6 =	sadd.s32 s6, s8  }
0xe: {  	s24 =	sadd.s32 s9, s5;
	s9 =	ssub.s32 s25, s26;
	s13 =	sadd.s32 s29, s3  }
0xf: {  	s6 =	sshrl.u32 s6, $0x3;
	s10 =	sshrl.u32 s10, $0x3;
	s8 =	smax.u32 s9, $0x1  }
0x10: {  	s13 =	sshrl.u32 s13, $0x3;
	s14 =	sadd.s32 s6, s5;
	s5 =	sadd.s32 $0xC800, s24  }
0x11: {  	s6 =	sor.u32 $0x1C03, s30;
	s9 =	sadd.s32 s11, s10;
	s31 =	sadd.s32 $0x280, s10  }
0x12: {  	s10 =	sadd.s32 s12, s10;
	s24 =	simm.s32 $0x0;
	s7 =	sadd.s32 $0x34800, s14  }
0x13: {  	s11 =	sadd.s32 s11, s31;
	s12 =	sadd.s32 s12, s31;
	s14 =	simm.s32 $0x3  }
.LBB2_1:
0x14: {  	[spmem:s13], [sflag:s6] =	dma.local [hbm:s5], $0x2800  }
0x15: {  	_ =	swait.ge [sflag:s14], $0x2800  }
0x16: {  	[sflag:s14] =	ssyncset.done $0x0  }
0x17: {  	[sflag:s14] =	ssyncadd.s32 $0xFFFFD800  }
0x18: {  	[bflag:$0x0] =	sbarrier.arrive $0xFFFF  }
0x19: {  	[tilespmem:s4], [sflag:$0x3] =	stream.linear.gather [hbm4b:s9+s4], $0x1400, $0x38;
	[tilespmem:$0x1E800] =	vst v63  }
0x1a: {  	_ =	swait.ge [sflag:s14], $0x1400  }
0x1b: {  	[sflag:s14] =	ssyncset.done $0x0  }
0x1c: {  	[sflag:s14] =	ssyncadd.s32 $0xFFFFEC00  }
0x1d: {  	[tilespmem:s15], [sflag:$0x3] =	stream.linear.gather [hbm4b:s10+s4], $0x1400, $0x38;
	[tilespmem:$0x1E800] =	vst v63  }
0x1e: {  	_ =	swait.ge [sflag:s14], $0x1400  }
0x1f: {  	[sflag:s14] =	ssyncset.done $0x0  }
0x20: {  	[sflag:s14] =	ssyncadd.s32 $0xFFFFEC00  }
0x21: {  	[tilespmem:s17], [sflag:$0x1] =	stream.indirect.gather [hbm4b:s1+s16], $0x80, s4, s16, $0xb8;
	[tilespmem:$0x1E800] =	vst v63  }
0x22: {  	s25 =	simm.s32 $0x80  }
0x23: {  	[tilespmem:s18], [sflag:$0x2] =	stream.indirect.gather [hbm4b:s1+s16], $0x80, s25, s16, $0xb8;
	[tilespmem:$0x1E800] =	vst v63  }
0x24: {  	_ =	swait.ge [sflag:s19], $0x4000  }
0x25: {  	[sflag:s19] =	ssyncset.done $0x0  }
0x26: {  	s29 =	simm.s32 $0x1400;
	[sflag:s19] =	ssyncadd.s32 $0xFFFFC000  }
0x27: {  	[spmem:s3] =	stream.indirect.scatter.add.f32 [tilespmem:s17], [sflag:$0x3], $0x80, s29, s16, $0xb8;
	[tilespmem:$0x1E800] =	vst v63  }
0x28: {  	_ =	swait.ge [sflag:s14], $0x4000  }
0x29: {  	[sflag:s14] =	ssyncset.done $0x0  }
0x2a: {  	s30 =	simm.s32 $0x100;
	[sflag:s14] =	ssyncadd.s32 $0xFFFFC000  }
0x2b: {  	[tilespmem:s17], [sflag:$0x1] =	stream.indirect.gather [hbm4b:s1+s16], $0x80, s30, s16, $0xb8;
	[tilespmem:$0x1E800] =	vst v63  }
0x2c: {  	_ =	swait.ge [sflag:s20], $0x4000  }
0x2d: {  	[sflag:s20] =	ssyncset.done $0x0  }
0x2e: {  	s31 =	simm.s32 $0x1480;
	[sflag:s20] =	ssyncadd.s32 $0xFFFFC000  }
0x2f: {  	[spmem:s3] =	stream.indirect.scatter.add.f32 [tilespmem:s18], [sflag:$0x3], $0x80, s31, s16, $0xb8;
	[tilespmem:$0x1E800] =	vst v63  }
0x30: {  	_ =	swait.ge [sflag:s14], $0x4000  }
0x31: {  	s26 =	simm.s32 $0x800;
	s25 =	simm.s32 $0x100;
	[sflag:s14] =	ssyncset.done $0x0  }
.LBB2_2:
0x32: {  	s28 =	sadd.s32 $0x80, s25  }
0x33: {  	[sflag:s14] =	ssyncadd.s32 $0xFFFFC000;
	s29 =	smov.u32 s26;
	s30 =	sadd.s32 $0x400, s26  }
0x34: {  	[tilespmem:s18], [sflag:$0x2] =	stream.indirect.gather [hbm4b:s1+s16], $0x80, s28, s16, $0xb8;
	[tilespmem:$0x1E800] =	vst v63  }
0x35: {  	p0 =	sne.s32 s26, $0x4800;
	_ =	swait.ge [sflag:s19], $0x4000  }
0x36: {  	[sflag:s19] =	ssyncset.done $0x0  }
0x37: {  	s26 =	sadd.s32 $0x1400, s25;
	[sflag:s19] =	ssyncadd.s32 $0xFFFFC000  }
0x38: {  	[spmem:s3] =	stream.indirect.scatter.add.f32 [tilespmem:s17], [sflag:$0x3], $0x80, s26, s16, $0xb8;
	[tilespmem:$0x1E800] =	vst v63  }
0x39: {  	_ =	swait.ge [sflag:s14], $0x4000  }
0x3a: {  	[sflag:s14] =	ssyncset.done $0x0  }
0x3b: {  	s26 =	sadd.s32 $0x100, s25;
	[sflag:s14] =	ssyncadd.s32 $0xFFFFC000  }
0x3c: {  	[tilespmem:s17], [sflag:$0x1] =	stream.indirect.gather [hbm4b:s1+s16], $0x80, s26, s16, $0xb8;
	[tilespmem:$0x1E800] =	vst v63  }
0x3d: {  	_ =	swait.ge [sflag:s20], $0x4000  }
.Ltmp0:
0x3e: {  	[sflag:s20] =	ssyncset.done $0x0;
	(pc) =	sbr.rel @p0 .LBB2_2-.Ltmp0, $4  }
0x3f: {  	s25 =	sadd.s32 $0x1480, s25;
	[sflag:s20] =	ssyncadd.s32 $0xFFFFC000  }
0x40: {  	[spmem:s3] =	stream.indirect.scatter.add.f32 [tilespmem:s18], [sflag:$0x3], $0x80, s25, s16, $0xb8;
	[tilespmem:$0x1E800] =	vst v63  }
0x41: {  	_ =	swait.ge [sflag:s14], $0x4000  }
0x42: {  	s26 =	smov.u32 s30;
	s25 =	sshra.s32 s29, $0x2;
	[sflag:s14] =	ssyncset.done $0x0  }
0x43: {  	s26 =	sadd.s32 $0x80, s25;
	[sflag:s14] =	ssyncadd.s32 $0xFFFFC000  }
0x44: {  	[tilespmem:s18], [sflag:$0x2] =	stream.indirect.gather [hbm4b:s1+s16], $0x80, s26, s16, $0xb8;
	[tilespmem:$0x1E800] =	vst v63  }
0x45: {  	_ =	swait.ge [sflag:s19], $0x4000  }
0x46: {  	[sflag:s19] =	ssyncset.done $0x0  }
0x47: {  	s29 =	sadd.s32 $0x1400, s25;
	[sflag:s19] =	ssyncadd.s32 $0xFFFFC000  }
0x48: {  	[spmem:s3] =	stream.indirect.scatter.add.f32 [tilespmem:s17], [sflag:$0x3], $0x80, s29, s16, $0xb8;
	[tilespmem:$0x1E800] =	vst v63  }
0x49: {  	_ =	swait.ge [sflag:s14], $0x4000  }
0x4a: {  	[sflag:s14] =	ssyncset.done $0x0  }
0x4b: {  	s30 =	sadd.s32 $0x100, s25;
	[sflag:s14] =	ssyncadd.s32 $0xFFFFC000  }
0x4c: {  	[tilespmem:s17], [sflag:$0x1] =	stream.indirect.gather [hbm4b:s1+s16], $0x80, s30, s16, $0xb8;
	[tilespmem:$0x1E800] =	vst v63  }
0x4d: {  	_ =	swait.ge [sflag:s20], $0x4000  }
0x4e: {  	[sflag:s20] =	ssyncset.done $0x0  }
0x4f: {  	s31 =	sadd.s32 $0x1480, s25;
	[sflag:s20] =	ssyncadd.s32 $0xFFFFC000  }
0x50: {  	[spmem:s3] =	stream.indirect.scatter.add.f32 [tilespmem:s18], [sflag:$0x3], $0x80, s31, s16, $0xb8;
	[tilespmem:$0x1E800] =	vst v63  }
0x51: {  	_ =	swait.ge [sflag:s14], $0x4000  }
0x52: {  	[sflag:s14] =	ssyncset.done $0x0  }
0x53: {  	[sflag:s14] =	ssyncadd.s32 $0xFFFFC000  }
0x54: {  	[tilespmem:s18], [sflag:$0x2] =	stream.indirect.gather [hbm4b:s1+s16], $0x80, s21, s16, $0xb8;
	[tilespmem:$0x1E800] =	vst v63  }
0x55: {  	_ =	swait.ge [sflag:s19], $0x4000  }
0x56: {  	[sflag:s19] =	ssyncset.done $0x0  }
0x57: {  	[sflag:s19] =	ssyncadd.s32 $0xFFFFC000  }
0x58: {  	[spmem:s3] =	stream.indirect.scatter.add.f32 [tilespmem:s17], [sflag:$0x3], $0x80, s22, s16, $0xb8;
	[tilespmem:$0x1E800] =	vst v63  }
0x59: {  	_ =	swait.ge [sflag:s14], $0x4000  }
0x5a: {  	[sflag:s14] =	ssyncset.done $0x0  }
0x5b: {  	[sflag:s14] =	ssyncadd.s32 $0xFFFFC000  }
0x5c: {  	_ =	swait.ge [sflag:s20], $0x4000  }
0x5d: {  	[sflag:s20] =	ssyncset.done $0x0  }
0x5e: {  	[sflag:s20] =	ssyncadd.s32 $0xFFFFC000  }
0x5f: {  	[spmem:s3] =	stream.indirect.scatter.add.f32 [tilespmem:s18], [sflag:$0x3], $0x80, s23, s16, $0xb8;
	[tilespmem:$0x1E800] =	vst v63  }
0x60: {  	_ =	swait.ge [sflag:s14], $0x4000  }
0x61: {  	[sflag:s14] =	ssyncset.done $0x0  }
0x62: {  	s26 =	simm.s32 $0x0;
	[sflag:s14] =	ssyncadd.s32 $0xFFFFC000  }
0x63: {  	[tilespmem:s26], [sflag:$0x3] =	stream.linear.gather [hbm4b:s11+s26], $0x1400, $0x38;
	[tilespmem:$0x1E800] =	vst v63  }
0x64: {  	_ =	swait.ge [sflag:s14], $0x1400  }
0x65: {  	[sflag:s14] =	ssyncset.done $0x0  }
0x66: {  	[sflag:s14] =	ssyncadd.s32 $0xFFFFEC00  }
0x67: {  	[tilespmem:s15], [sflag:$0x3] =	stream.linear.gather [hbm4b:s12+s26], $0x1400, $0x38;
	[tilespmem:$0x1E800] =	vst v63  }
0x68: {  	_ =	swait.ge [sflag:s14], $0x1400  }
0x69: {  	[sflag:s14] =	ssyncset.done $0x0  }
0x6a: {  	[sflag:s14] =	ssyncadd.s32 $0xFFFFEC00  }
0x6b: {  	[tilespmem:s17], [sflag:$0x1] =	stream.indirect.gather [hbm4b:s1+s16], $0x80, s26, s16, $0xb8;
	[tilespmem:$0x1E800] =	vst v63  }
0x6c: {  	s28 =	simm.s32 $0x80  }
0x6d: {  	[tilespmem:s18], [sflag:$0x2] =	stream.indirect.gather [hbm4b:s1+s16], $0x80, s28, s16, $0xb8;
	[tilespmem:$0x1E800] =	vst v63  }
0x6e: {  	_ =	swait.ge [sflag:s19], $0x4000  }
0x6f: {  	[sflag:s19] =	ssyncset.done $0x0  }
0x70: {  	s29 =	simm.s32 $0x1400;
	[sflag:s19] =	ssyncadd.s32 $0xFFFFC000  }
0x71: {  	[spmem:s3] =	stream.indirect.scatter.add.f32 [tilespmem:s17], [sflag:$0x3], $0x80, s29, s16, $0xb8;
	[tilespmem:$0x1E800] =	vst v63  }
0x72: {  	_ =	swait.ge [sflag:s14], $0x4000  }
0x73: {  	[sflag:s14] =	ssyncset.done $0x0  }
0x74: {  	s30 =	simm.s32 $0x100;
	[sflag:s14] =	ssyncadd.s32 $0xFFFFC000  }
0x75: {  	[tilespmem:s17], [sflag:$0x1] =	stream.indirect.gather [hbm4b:s1+s16], $0x80, s30, s16, $0xb8;
	[tilespmem:$0x1E800] =	vst v63  }
0x76: {  	_ =	swait.ge [sflag:s20], $0x4000  }
0x77: {  	[sflag:s20] =	ssyncset.done $0x0  }
0x78: {  	s31 =	simm.s32 $0x1480;
	[sflag:s20] =	ssyncadd.s32 $0xFFFFC000  }
0x79: {  	[spmem:s3] =	stream.indirect.scatter.add.f32 [tilespmem:s18], [sflag:$0x3], $0x80, s31, s16, $0xb8;
	[tilespmem:$0x1E800] =	vst v63  }
0x7a: {  	_ =	swait.ge [sflag:s14], $0x4000  }
0x7b: {  	s25 =	simm.s32 $0x100;
	s26 =	simm.s32 $0x800;
	[sflag:s14] =	ssyncset.done $0x0  }
.LBB2_4:
0x7c: {  	s28 =	sadd.s32 $0x80, s25  }
0x7d: {  	[sflag:s14] =	ssyncadd.s32 $0xFFFFC000;
	s29 =	smov.u32 s26;
	s30 =	sadd.s32 $0x400, s26  }
0x7e: {  	[tilespmem:s18], [sflag:$0x2] =	stream.indirect.gather [hbm4b:s1+s16], $0x80, s28, s16, $0xb8;
	[tilespmem:$0x1E800] =	vst v63  }
0x7f: {  	p0 =	sne.s32 s26, $0x4800;
	_ =	swait.ge [sflag:s19], $0x4000  }
0x80: {  	[sflag:s19] =	ssyncset.done $0x0  }
0x81: {  	s26 =	sadd.s32 $0x1400, s25;
	[sflag:s19] =	ssyncadd.s32 $0xFFFFC000  }
0x82: {  	[spmem:s3] =	stream.indirect.scatter.add.f32 [tilespmem:s17], [sflag:$0x3], $0x80, s26, s16, $0xb8;
	[tilespmem:$0x1E800] =	vst v63  }
0x83: {  	_ =	swait.ge [sflag:s14], $0x4000  }
0x84: {  	[sflag:s14] =	ssyncset.done $0x0  }
0x85: {  	s26 =	sadd.s32 $0x100, s25;
	[sflag:s14] =	ssyncadd.s32 $0xFFFFC000  }
0x86: {  	[tilespmem:s17], [sflag:$0x1] =	stream.indirect.gather [hbm4b:s1+s16], $0x80, s26, s16, $0xb8;
	[tilespmem:$0x1E800] =	vst v63  }
0x87: {  	_ =	swait.ge [sflag:s20], $0x4000  }
.Ltmp1:
0x88: {  	[sflag:s20] =	ssyncset.done $0x0;
	(pc) =	sbr.rel @p0 .LBB2_4-.Ltmp1, $4  }
0x89: {  	s25 =	sadd.s32 $0x1480, s25;
	[sflag:s20] =	ssyncadd.s32 $0xFFFFC000  }
0x8a: {  	[spmem:s3] =	stream.indirect.scatter.add.f32 [tilespmem:s18], [sflag:$0x3], $0x80, s25, s16, $0xb8;
	[tilespmem:$0x1E800] =	vst v63  }
0x8b: {  	_ =	swait.ge [sflag:s14], $0x4000  }
0x8c: {  	s26 =	smov.u32 s30;
	s25 =	sshra.s32 s29, $0x2;
	[sflag:s14] =	ssyncset.done $0x0  }
0x8d: {  	s26 =	sadd.s32 $0x80, s25;
	[sflag:s14] =	ssyncadd.s32 $0xFFFFC000  }
0x8e: {  	[tilespmem:s18], [sflag:$0x2] =	stream.indirect.gather [hbm4b:s1+s16], $0x80, s26, s16, $0xb8;
	[tilespmem:$0x1E800] =	vst v63  }
0x8f: {  	_ =	swait.ge [sflag:s19], $0x4000  }
0x90: {  	[sflag:s19] =	ssyncset.done $0x0  }
0x91: {  	s29 =	sadd.s32 $0x1400, s25;
	[sflag:s19] =	ssyncadd.s32 $0xFFFFC000  }
0x92: {  	[spmem:s3] =	stream.indirect.scatter.add.f32 [tilespmem:s17], [sflag:$0x3], $0x80, s29, s16, $0xb8;
	[tilespmem:$0x1E800] =	vst v63  }
0x93: {  	_ =	swait.ge [sflag:s14], $0x4000  }
0x94: {  	[sflag:s14] =	ssyncset.done $0x0  }
0x95: {  	s30 =	sadd.s32 $0x100, s25;
	[sflag:s14] =	ssyncadd.s32 $0xFFFFC000  }
0x96: {  	[tilespmem:s17], [sflag:$0x1] =	stream.indirect.gather [hbm4b:s1+s16], $0x80, s30, s16, $0xb8;
	[tilespmem:$0x1E800] =	vst v63  }
0x97: {  	_ =	swait.ge [sflag:s20], $0x4000  }
0x98: {  	[sflag:s20] =	ssyncset.done $0x0  }
0x99: {  	s31 =	sadd.s32 $0x1480, s25;
	[sflag:s20] =	ssyncadd.s32 $0xFFFFC000  }
0x9a: {  	[spmem:s3] =	stream.indirect.scatter.add.f32 [tilespmem:s18], [sflag:$0x3], $0x80, s31, s16, $0xb8;
	[tilespmem:$0x1E800] =	vst v63  }
0x9b: {  	_ =	swait.ge [sflag:s14], $0x4000  }
0x9c: {  	[sflag:s14] =	ssyncset.done $0x0  }
0x9d: {  	[sflag:s14] =	ssyncadd.s32 $0xFFFFC000  }
0x9e: {  	[tilespmem:s18], [sflag:$0x2] =	stream.indirect.gather [hbm4b:s1+s16], $0x80, s21, s16, $0xb8;
	[tilespmem:$0x1E800] =	vst v63  }
0x9f: {  	_ =	swait.ge [sflag:s19], $0x4000  }
0xa0: {  	[sflag:s19] =	ssyncset.done $0x0  }
0xa1: {  	[sflag:s19] =	ssyncadd.s32 $0xFFFFC000  }
0xa2: {  	[spmem:s3] =	stream.indirect.scatter.add.f32 [tilespmem:s17], [sflag:$0x3], $0x80, s22, s16, $0xb8;
	[tilespmem:$0x1E800] =	vst v63  }
0xa3: {  	_ =	swait.ge [sflag:s14], $0x4000  }
0xa4: {  	[sflag:s14] =	ssyncset.done $0x0  }
0xa5: {  	[sflag:s14] =	ssyncadd.s32 $0xFFFFC000  }
0xa6: {  	_ =	swait.ge [sflag:s20], $0x4000  }
0xa7: {  	[sflag:s20] =	ssyncset.done $0x0  }
0xa8: {  	[sflag:s20] =	ssyncadd.s32 $0xFFFFC000  }
0xa9: {  	[spmem:s3] =	stream.indirect.scatter.add.f32 [tilespmem:s18], [sflag:$0x3], $0x80, s23, s16, $0xb8;
	[tilespmem:$0x1E800] =	vst v63  }
0xaa: {  	_ =	swait.ge [sflag:s14], $0x4000  }
0xab: {  	s24 =	sadd.s32 $0x1, s24;
	[sflag:s14] =	ssyncset.done $0x0  }
0xac: {  	p0 =	sne.s32 s24, s8;
	[sflag:s14] =	ssyncadd.s32 $0xFFFFC000  }
.Ltmp2:
0xad: {  	[bflag:$0x0] =	sbarrier.arrive $0xFFFF;
	(pc) =	sbr.rel @p0 .LBB2_1-.Ltmp2, $4  }
0xae: {  	[hbm:s7], [sflag:s6] =	dma.local [spmem:s13], $0x2800  }
0xaf: {  	_ =	swait.ge [sflag:s14], $0x2800  }
0xb0: {  	[sflag:s14] =	ssyncset.done $0x0  }
0xb1: {  	[sflag:s14] =	ssyncadd.s32 $0xFFFFD800  }
0xb2: {  	_ =	sfence.sel $0x180000  }
0xb3: {  	[bflag:$0x0] =	sbarrier.arrive $0xFFFF  }
0xb4: {  	p0 =	sne.s32 s0, $0x0;
	_ =	strace $0x9000004D  }
0xb5: {  	s0 =	sadd.s32 @!p0 $0x100000, s2;
	[bflag:$0x2] =	sbarrier.arrive $0xFFFF  }
0xb6: {  	[sflag:s0] =	ssyncadd.tile.s32 @!p0 $0x1;
	_ =	shalt  }
.Lfunc_end2:
_tile_overlayer_lowered:
.L_overlay_start_2:
0xb7: {  	(tag) =	ssettag $0x2  }
0xb8: {  	s0 =	rddreg [dreg:$0x0];
	s2 =	stileid.u32  }
0xb9: {  	s1 =	rddreg [dreg:$0x1];
	p0 =	sne.s32 s2, $0x0  }
0xba: {  	s3 =	rddreg [dreg:$0x2];
	[bflag:$0x3] =	sbarrier.arrive $0xFFFF;
	s2 =	simm.s32 @!p0 $0x1C03  }
0xbb: {  	[timem:s3], [sflag:s2] =	dma.local @!p0 [hbm:s0], s1  }
0xbc: {  	s0 =	simm.s32 @!p0 $0x3  }
0xbd: {  	_ =	swait.ge @!p0 [sflag:s0], s1  }
0xbe: {  	s1 =	ssub.s32 @!p0 $0x0, s1;
	[sflag:s0] =	ssyncset.done @!p0 $0x0  }
0xbf: {  	[sflag:s0] =	ssyncadd.s32 @!p0 s1  }
0xc0: {  	[bflag:$0x3] =	sbarrier.arrive $0xFFFF  }
0xc1: {  	_ =	shalt  }

// kernel: kernel.8.cloned.1.call-start
scs
__scs_entry_jumppad:
0x0: {  	(pc) =	sbr.rel $0x88, $3  }
0x1: {  	(tag) =	ssettag $0x0;
	lr =	simm.s32 $0x1  }
0x2: {  	[smem:$0x3F99] =	sst lr;
	_ =	strace $0xD0000000  }
0x3: {  	_ = 	snop  }
0x4: {  	_ = 	snop  }
0x5: {  	_ = 	snop  }
0x6: {  	_ = 	snop  }
0x7: {  	_ = 	snop  }
__scs_overlays_trampoline_lowered:
0x8: {  	[smem:$0x3FA8] =	sst s0  }
0x9: {  	[smem:$0x3FA9] =	sst s1  }
0xa: {  	[smem:$0x3FAA] =	sst s2  }
0xb: {  	[smem:$0x3FAB] =	sst s3  }
0xc: {  	[smem:$0x3FAC] =	sst s4  }
0xd: {  	[smem:$0x3FAD] =	sst s5  }
0xe: {  	[smem:$0x3FAE] =	sst s6  }
0xf: {  	[smem:$0x3FAF] =	sst s7  }
0x10: {  	[smem:$0x3FB0] =	sst s8  }
0x11: {  	[smem:$0x3FB1] =	sst s9;
	s0 =	simm.s32 @!p0 $0x0  }
0x12: {  	s1 =	sld [smem:$0x3F97];
	s0 =	simm.s32 @p0 $0x1  }
0x13: {  	[smem:$0x3FB2] =	sst s0;
	s0 =	simm.s32 @!p1 $0x0  }
0x14: {  	s2 =	sld [smem:$0x3F96];
	s0 =	simm.s32 @p1 $0x1  }
0x15: {  	[smem:$0x3FB3] =	sst s0;
	s0 =	simm.s32 @!p2 $0x0  }
0x16: {  	s3 =	sld [smem:$0x3FDB];
	s0 =	simm.s32 @p2 $0x1  }
0x17: {  	s4 =	simm.s32 $0x1BF5;
	[smem:$0x3FB5] =	sst s0  }
0x18: {  	s0 =	sld [smem:$0x3F98];
	_ =	swait.ge [sflag:s4], $0x0  }
0x19: {  	s7 =	sld [smem:$0x3F99]  }
0x1a: {  	s8 =	sadd.s32 $0xFFFFE003, lr  }
0x1b: {  	s9 =	sadd.s32 $0xFFFFFEF7, lr;
	s5 =	simm.s32 $0xFFFFFFFF;
	p2 =	slt.u32 s8, $0xFFFFF086  }
0x1c: {  	p1 =	slt.u32 s9, $0xF7A;
	s5 =	simm.s32 @!p2 $0x0  }
0x1d: {  	s5 =	simm.s32 @p1 $0x1;
	p0 =	seq.s32 s7, s2  }
0x1e: {  	s7 =	smul.u32 @!p0 $0xF7A, s2;
	p2 =	seq.s32 @!p0 s5, $0x0  }
0x1f: {  	s9 =	smul.u32 $0xF7A, s1;
	s8 =	simm.s32 @!p0 $0x1BF5;
	p2 =	por !p2, p0  }
0x20: {  	[sflag:s8] =	ssyncset.s32 @!p0 $0xFFFFF086;
	s6 =	sadd.s32 @!p0 s3, s7;
	s7 =	simm.s32 @!p0 $0x108  }
0x21: {  	s3 =	sadd.s32 s3, s9;
	s6 =	sadd.s32 @!p0 $0x88, s6;
	s7 =	simm.s32 @p2 $0x1082  }
0x22: {  	[simem:s7], [sflag:s8] =	dma.local @!p0 [hbm:s6], $0xF7A  }
0x23: {  	s9 =	sor.u32 $0xD0000000, s2;
	s6 =	simm.s32 $0x108;
	_ =	swait.ge @!p0 [sflag:s8], $0x0  }
0x24: {  	s3 =	sadd.s32 $0x88, s3;
	s6 =	simm.s32 @!p1 $0x1082;
	[sflag:s4] =	ssyncset.s32 $0xFFFFF086  }
0x25: {  	[simem:s6], [sflag:s4] =	dma.local [hbm:s3], $0xF7A  }
0x26: {  	[smem:$0x3F99] =	sst s1;
	(tag) =	ssettag s2;
	_ =	strace s9  }
0x27: {  	s1 =	sld [smem:$0x3FA9]  }
0x28: {  	s2 =	sld [smem:$0x3FAA]  }
0x29: {  	s4 =	sld [smem:$0x3FAC]  }
0x2a: {  	p0 =	seq.s32 s5, $0x0;
	s5 =	sld [smem:$0x3FAD]  }
0x2b: {  	s6 =	sld [smem:$0x3FAE]  }
0x2c: {  	s7 =	sld [smem:$0x3FAF]  }
0x2d: {  	s3 =	simm.s32 $0x108;
	s8 =	sld [smem:$0x3FB0]  }
0x2e: {  	s3 =	simm.s32 @!p0 $0x1082;
	s9 =	sld [smem:$0x3FB1]  }
0x2f: {  	lr =	sadd.s32 s0, s3;
	s0 =	sld [smem:$0x3FA8]  }
0x30: {  	s3 =	sld [smem:$0x3FAB]  }
0x31: {  	[smem:$0x3FB4] =	sst s10  }
0x32: {  	s10 =	sld [smem:$0x3FB2];
	_ =	sdelay $0x3  }
0x33: {  	p0 =	seq.s32 s10, $0x1;
	s10 =	sld [smem:$0x3FB4];
	_ =	sdelay $0x3  }
0x34: {  	[smem:$0x3FB4] =	sst s10  }
0x35: {  	s10 =	sld [smem:$0x3FB3];
	_ =	sdelay $0x3  }
0x36: {  	p1 =	seq.s32 s10, $0x1;
	s10 =	sld [smem:$0x3FB4];
	_ =	sdelay $0x3  }
0x37: {  	[smem:$0x3FB4] =	sst s10  }
0x38: {  	s10 =	sld [smem:$0x3FB5]  }
0x39: {  	_ = 	snop;
	(pc) =	sbr.ind lr, $3  }
0x3a: {  	_ = 	snop  }
0x3b: {  	_ = 	snop  }
0x3c: {  	p2 =	seq.s32 s10, $0x1;
	s10 =	sld [smem:$0x3FB4]  }
0x3d: {  	_ =	shalt  }
0x3e: {  	_ =	shalt  }
0x3f: {  	_ =	shalt  }
0x40: {  	_ =	shalt  }
0x41: {  	_ =	shalt  }
0x42: {  	_ =	shalt  }
0x43: {  	_ =	shalt  }
0x44: {  	_ =	shalt  }
0x45: {  	_ =	shalt  }
0x46: {  	_ =	shalt  }
0x47: {  	_ =	shalt  }
0x48: {  	_ =	shalt  }
0x49: {  	_ =	shalt  }
0x4a: {  	_ =	shalt  }
0x4b: {  	_ =	shalt  }
0x4c: {  	_ =	shalt  }
0x4d: {  	_ =	shalt  }
0x4e: {  	_ =	shalt  }
0x4f: {  	_ =	shalt  }
0x50: {  	_ =	shalt  }
0x51: {  	_ =	shalt  }
0x52: {  	_ =	shalt  }
0x53: {  	_ =	shalt  }
0x54: {  	_ =	shalt  }
0x55: {  	_ =	shalt  }
0x56: {  	_ =	shalt  }
0x57: {  	_ =	shalt  }
0x58: {  	_ =	shalt  }
0x59: {  	_ =	shalt  }
0x5a: {  	_ =	shalt  }
0x5b: {  	_ =	shalt  }
0x5c: {  	_ =	shalt  }
0x5d: {  	_ =	shalt  }
0x5e: {  	_ =	shalt  }
0x5f: {  	_ =	shalt  }
0x60: {  	_ =	shalt  }
0x61: {  	_ =	shalt  }
0x62: {  	_ =	shalt  }
0x63: {  	_ =	shalt  }
0x64: {  	_ =	shalt  }
0x65: {  	_ =	shalt  }
0x66: {  	_ =	shalt  }
0x67: {  	_ =	shalt  }
0x68: {  	_ =	shalt  }
0x69: {  	_ =	shalt  }
0x6a: {  	_ =	shalt  }
0x6b: {  	_ =	shalt  }
0x6c: {  	_ =	shalt  }
0x6d: {  	_ =	shalt  }
0x6e: {  	_ =	shalt  }
0x6f: {  	_ =	shalt  }
0x70: {  	_ =	shalt  }
0x71: {  	_ =	shalt  }
0x72: {  	_ =	shalt  }
0x73: {  	_ =	shalt  }
0x74: {  	_ =	shalt  }
0x75: {  	_ =	shalt  }
0x76: {  	_ =	shalt  }
0x77: {  	_ =	shalt  }
0x78: {  	_ =	shalt  }
0x79: {  	_ =	shalt  }
0x7a: {  	_ =	shalt  }
0x7b: {  	_ =	shalt  }
0x7c: {  	_ =	shalt  }
0x7d: {  	_ =	shalt  }
0x7e: {  	_ =	shalt  }
0x7f: {  	_ =	shalt  }
0x80: {  	_ =	shalt  }
0x81: {  	_ =	shalt  }
0x82: {  	_ =	shalt  }
0x83: {  	_ =	shalt  }
0x84: {  	_ =	shalt  }
0x85: {  	_ =	shalt  }
0x86: {  	_ =	shalt  }
0x87: {  	_ =	shalt  }
.Lfunc_end0:
.L_simem_size_0:
called_computation_lowered:
.L_overlay_start_0:
0x88: {  	s2 =	sld [smem:$0x3FD9]  }
0x89: {  	s3 =	sld [smem:$0x3FFE];
	_ =	sdelay $0x1  }
0x8a: {  	s1 =	srdreg.scid  }
0x8b: {  	s0 =	sand.u32 $0x1, s1  }
0x8c: {  	s14 =	sshll.u32 s0, $0xA;
	s2 =	sadd.s32 s3, s2  }
0x8d: {  	s2 =	sadd.s32 s2, s14  }
0x8e: {  	[smem:$0x3FC0] =	sst s2  }
0x8f: {  	_ = 	snop  }
0x90: {  	s2 =	sld [smem:$0x3FD0];
	_ =	sdelay $0x2  }
0x91: {  	s15 =	simm.s32 $0xA;
	s4 =	simm.s32 $0x10  }
0x92: {  	[smem:s4], [sflag:s15] =	dma.local [hbm:s2], $0x1  }
0x93: {  	_ =	swait.eq [sflag:s15], $0x1  }
0x94: {  	[sflag:s15] =	ssyncset.done $0x0  }
0x95: {  	s16 =	sld [smem:$0x10];
	[sflag:s15] =	ssyncadd.s32 $0xFFFFFFFF  }
0x96: {  	s17 =	sld [smem:$0x11];
	(tm) =	ssettm $0x1  }
0x97: {  	s18 =	sld [smem:$0x3FFB];
	_ =	sdelay $0x3  }
0x98: {  	_ =	strace s18  }
0x99: {  	s4 =	sld [smem:$0x3FFC];
	_ =	sdelay $0x3  }
0x9a: {  	_ =	strace s4  }
0x9b: {  	s4 =	sld [smem:$0x3FFD];
	_ =	sdelay $0x3  }
0x9c: {  	_ =	strace s4  }
0x9d: {  	_ =	strace $0x8FFFFFFF  }
0x9e: {  	s19 =	sld [smem:$0x3FDB];
	_ =	sdelay $0x1  }
0x9f: {  	s5 =	simm.s32 $_scs_section_size  }
0xa0: {  	s6 =	simm.s32 $_size__tile_overlayer_lowered;
	s7 =	simm.s32 $_tile_overlayer_lowered  }
0xa1: {  	s22 =	simm.s32 $0x1BFF;
	s21 =	sshll.u32 s7, $0x1;
	s4 =	sadd.s32 s5, s19  }
0xa2: {  	s8 =	simm.s32 $0x0;
	s20 =	sshll.u32 s6, $0x1;
	s6 =	sadd.s32 s21, s4  }
0xa3: {  	[timem:s8], [sflag:s22] =	dma.local [hbm:s6], s20  }
0xa4: {  	_ =	swait.ge [sflag:s22], s20  }
0xa5: {  	s5 =	ssub.s32 $0x0, s20;
	[sflag:s22] =	ssyncset.done $0x0  }
0xa6: {  	[sflag:s22] =	ssyncadd.s32 s5;
	_ =	sdelay $0x1  }
0xa7: {  	s23 =	simm.s32 $0x1B8B  }
0xa8: {  	_ =	swait.ge [sflag:s23], $0x1  }
0xa9: {  	[sflag:s23] =	ssyncset.done $0x0  }
0xaa: {  	s25 =	simm.s32 $0x1B8E;
	s24 =	sld [smem:$0x3FFE];
	[sflag:s23] =	ssyncadd.s32 $0xFFFFFFFF  }
0xab: {  	s26 =	simm.s32 $execute0_lowered;
	[smem:$0x3FD2] =	sst s25  }
0xac: {  	s6 =	sshll.u32 s26, $0x1;
	_ =	strace $0x80000046;
	[dreg:$0x1] =	wrdreg $0xFFFFFFFF  }
0xad: {  	s28 =	simm.s32 $_size_execute0_lowered;
	s4 =	sadd.s32 s4, s6;
	[dreg:$0x0] =	wrdreg $0x0  }
0xae: {  	s6 =	sshll.u32 s28, $0x1;
	[dreg:$0x2] =	wrdreg s4  }
0xaf: {  	[dreg:$0x3] =	wrdreg s6  }
0xb0: {  	[dreg:$0x4] =	wrdreg $0xC0  }
0xb1: {  	_ =	task [dreg:s8], $0x5FFFF  }
0xb2: {  	[dreg:$0x1] =	wrdreg $0xFFFFFFFF  }
0xb3: {  	[dreg:$0x0] =	wrdreg $0x60  }
0xb4: {  	[dreg:$0x2] =	wrdreg s16  }
0xb5: {  	[dreg:$0x3] =	wrdreg s17  }
0xb6: {  	[dreg:$0x4] =	wrdreg s24  }
0xb7: {  	[dreg:$0x5] =	wrdreg $0x68000  }
0xb8: {  	[dreg:$0x6] =	wrdreg $0x9  }
0xb9: {  	_ =	task.clear_ibuf [dreg:s8], $0x7FFFF;
	_ =	strace $0x90000046  }
0xba: {  	s29 =	simm.s32 $0x9;
	_ =	strace $0x80000048  }
0xbb: {  	_ =	swait.ge [sflag:s29], $0x1  }
0xbc: {  	[sflag:s29] =	ssyncadd.s32 $0xFFFFFFFF  }
0xbd: {  	_ =	strace $0x90000048  }
0xbe: {  	_ =	sfence  }
0xbf: {  	s30 =	sld [smem:$0x0];
	_ =	sdelay $0x2  }
0xc0: {  	s31 =	sshll.u32 s1, $0xD;
	s1 =	sshrl.u32 s1, $0x2  }
0xc1: {  	s3 =	sand.u32 $0x4000, s31;
	s1 =	sadd.s32 s1, s30  }
0xc2: {  	s0 =	sor.u32 s3, s0;
	s1 =	sshll.u32 s1, $0x11  }
0xc3: {  	s0 =	sor.u32 s1, s0  }
0xc4: {  	s0 =	sadd.s32 $0x8F2B, s0  }
0xc5: {  	[sflag:s0] =	ssyncadd.remote.s32 $0x1  }
0xc6: {  	_ =	sfence.sel $0xFFFF  }
0xc7: {  	[dreg:$0x0] =	wrdreg $0xFFFFFFFF;
	(pc) =	sbr.abs _section_cstart, $3  }
0xc8: {  	[dreg:$0x1] =	wrdreg $0xFFFFFFFF  }
0xc9: {  	_ =	task.clear_ibuf [dreg:s8], $0x2FFFF;
	_ =	strace $0x9FFFFFFF  }
0xca: {  	(tm) =	ssettm $0x7FFFFFFF  }
0xcb: {  	_ =	shalt  }
tec
execute0_lowered:
.L_overlay_start_1:
0x0: {  	(tag) =	ssettag $0x1  }
0x1: {  	s7 =	rddreg [dreg:$0x0]  }
0x2: {  	s1 =	rddreg [dreg:$0x1]  }
0x3: {  	s5 =	rddreg [dreg:$0x2];
	s0 =	stileid.u32  }
0x4: {  	s2 =	srdreg.scid;
	s3 =	rddreg [dreg:$0x3]  }
0x5: {  	s4 =	simm.s32 $0x0;
	s8 =	sand.u32 $0x1, s2;
	s2 =	rddreg [dreg:$0x4]  }
0x6: {  	s15 =	simm.s32 $0x0;
	s6 =	smul.u32 $0x14000, s0;
	[smem:$0x7FF] =	sst s4  }
0x7: {  	s12 =	smul.u32 $0x50000, s0;
	s13 =	sshll.u32 s0, $0x1;
	s30 =	sshll.u32 s0, $0x6  }
0x8: {  	s9 =	smul.u32 $0x140000, s8;
	_ =	strace $0x80000047;
	s26 =	ssub.s32 $0x2, s8  }
0x9: {  	s28 =	sor.u32 s8, s13;
	s13 =	simm.s32 $0x80;
	s10 =	sshrl.u32 s6, $0x3  }
0xa: {  	s11 =	sshrl.u32 s26, $0x1;
	s29 =	sshrl.u32 s12, $0x2;
	s31 =	smul.u32 $0x500, s28  }
0xb: {  	s6 =	sadd.s32 s6, s9;
	s25 =	sadd.s32 s10, s5;
	s10 =	ssub.s32 s26, s11  }
0xc: {  	s12 =	sadd.s32 s29, s3;
	s11 =	simm.s32 $0x2;
	s6 =	sshrl.u32 s6, $0x3  }
0xd: {  	s7 =	sadd.s32 s7, s31;
	s9 =	smax.u32 s10, $0x1;
	s10 =	sshrl.u32 s12, $0x3  }
0xe: {  	s12 =	simm.s32 $0x2800;
	s14 =	sadd.s32 s6, s5;
	s5 =	sadd.s32 $0xC800, s25  }
0xf: {  	s6 =	sor.u32 $0x1C02, s30;
	s8 =	sadd.s32 $0x34800, s14;
	s14 =	simm.s32 $0x1  }
.LBB2_1:
0x10: {  	[spmem:s10], [sflag:s6] =	dma.local [hbm:s5], $0x2800  }
0x11: {  	_ =	swait.ge [sflag:s11], $0x2800  }
0x12: {  	[sflag:s11] =	ssyncset.done $0x0  }
0x13: {  	[sflag:s11] =	ssyncadd.s32 $0xFFFFD800  }
0x14: {  	[tilespmem:s12], [sflag:$0x2] =	stream.linear.gather [hbm4b:s1+s4], $0x4000, $0x38;
	[tilespmem:$0x9000] =	vst v63  }
0x15: {  	_ =	swait.ge [sflag:s11], $0x4000  }
0x16: {  	[sflag:s11] =	ssyncset.done $0x0  }
0x17: {  	[sflag:s11] =	ssyncadd.s32 $0xFFFFC000  }
0x18: {  	[tilespmem:s4], [sflag:$0x2] =	stream.linear.gather [hbm4b:s7+s4], $0x2800, $0x38;
	[tilespmem:$0x9000] =	vst v63  }
0x19: {  	_ =	swait.ge [sflag:s11], $0x2800  }
0x1a: {  	[sflag:s11] =	ssyncset.done $0x0  }
0x1b: {  	[sflag:s11] =	ssyncadd.s32 $0xFFFFD800  }
0x1c: {  	s16 =	simm.s32 $0x0;
	[bflag:$0x0] =	sbarrier.arrive $0xFFFF  }
0x1d: {  	[spmem:s3] =	stream.indirect.scatter.add.f32 [tilespmem:s12], [sflag:$0x1], $0x10, s16, s13, $0xb8;
	[tilespmem:$0x9000] =	vst v63  }
0x1e: {  	s31 =	simm.s32 $0x80  }
0x1f: {  	[spmem:s3] =	stream.indirect.scatter.add.f32 [tilespmem:s12], [sflag:$0x1], $0x10, s31, s13, $0xb8;
	[tilespmem:$0x9000] =	vst v63  }
0x20: {  	s17 =	simm.s32 $0x100  }
0x21: {  	[spmem:s3] =	stream.indirect.scatter.add.f32 [tilespmem:s12], [sflag:$0x1], $0x10, s17, s13, $0xb8;
	[tilespmem:$0x9000] =	vst v63  }
0x22: {  	s18 =	simm.s32 $0x180  }
0x23: {  	[spmem:s3] =	stream.indirect.scatter.add.f32 [tilespmem:s12], [sflag:$0x1], $0x10, s18, s13, $0xb8;
	[tilespmem:$0x9000] =	vst v63  }
0x24: {  	s19 =	simm.s32 $0x200  }
0x25: {  	[spmem:s3] =	stream.indirect.scatter.add.f32 [tilespmem:s12], [sflag:$0x1], $0x10, s19, s13, $0xb8;
	[tilespmem:$0x9000] =	vst v63  }
0x26: {  	s20 =	simm.s32 $0x280  }
0x27: {  	[spmem:s3] =	stream.indirect.scatter.add.f32 [tilespmem:s12], [sflag:$0x1], $0x10, s20, s13, $0xb8;
	[tilespmem:$0x9000] =	vst v63  }
0x28: {  	s21 =	simm.s32 $0x300  }
0x29: {  	[spmem:s3] =	stream.indirect.scatter.add.f32 [tilespmem:s12], [sflag:$0x1], $0x10, s21, s13, $0xb8;
	[tilespmem:$0x9000] =	vst v63  }
0x2a: {  	s22 =	simm.s32 $0x380  }
0x2b: {  	[spmem:s3] =	stream.indirect.scatter.add.f32 [tilespmem:s12], [sflag:$0x1], $0x10, s22, s13, $0xb8;
	[tilespmem:$0x9000] =	vst v63  }
0x2c: {  	s23 =	simm.s32 $0x400  }
0x2d: {  	[spmem:s3] =	stream.indirect.scatter.add.f32 [tilespmem:s12], [sflag:$0x1], $0x10, s23, s13, $0xb8;
	[tilespmem:$0x9000] =	vst v63  }
0x2e: {  	s24 =	simm.s32 $0x480  }
0x2f: {  	[spmem:s3] =	stream.indirect.scatter.add.f32 [tilespmem:s12], [sflag:$0x1], $0x10, s24, s13, $0xb8;
	[tilespmem:$0x9000] =	vst v63  }
0x30: {  	s25 =	simm.s32 $0x500  }
0x31: {  	[spmem:s3] =	stream.indirect.scatter.add.f32 [tilespmem:s12], [sflag:$0x1], $0x10, s25, s13, $0xb8;
	[tilespmem:$0x9000] =	vst v63  }
0x32: {  	s26 =	simm.s32 $0x580  }
0x33: {  	[spmem:s3] =	stream.indirect.scatter.add.f32 [tilespmem:s12], [sflag:$0x1], $0x10, s26, s13, $0xb8;
	[tilespmem:$0x9000] =	vst v63  }
0x34: {  	s28 =	simm.s32 $0x600  }
0x35: {  	[spmem:s3] =	stream.indirect.scatter.add.f32 [tilespmem:s12], [sflag:$0x1], $0x10, s28, s13, $0xb8;
	[tilespmem:$0x9000] =	vst v63  }
0x36: {  	s29 =	simm.s32 $0x680  }
0x37: {  	[spmem:s3] =	stream.indirect.scatter.add.f32 [tilespmem:s12], [sflag:$0x1], $0x10, s29, s13, $0xb8;
	[tilespmem:$0x9000] =	vst v63  }
0x38: {  	s30 =	simm.s32 $0x700  }
0x39: {  	[spmem:s3] =	stream.indirect.scatter.add.f32 [tilespmem:s12], [sflag:$0x1], $0x10, s30, s13, $0xb8;
	[tilespmem:$0x9000] =	vst v63  }
0x3a: {  	s31 =	simm.s32 $0x780  }
0x3b: {  	[spmem:s3] =	stream.indirect.scatter.add.f32 [tilespmem:s12], [sflag:$0x1], $0x10, s31, s13, $0xb8;
	[tilespmem:$0x9000] =	vst v63  }
0x3c: {  	_ =	swait.ge [sflag:s14], $0x800  }
0x3d: {  	[sflag:s14] =	ssyncset.done $0x0  }
0x3e: {  	[sflag:s14] =	ssyncadd.s32 $0xFFFFF800  }
0x3f: {  	_ =	swait.ge [sflag:s14], $0x800  }
0x40: {  	[sflag:s14] =	ssyncset.done $0x0  }
0x41: {  	[sflag:s14] =	ssyncadd.s32 $0xFFFFF800  }
0x42: {  	_ =	swait.ge [sflag:s14], $0x800  }
0x43: {  	[sflag:s14] =	ssyncset.done $0x0  }
0x44: {  	[sflag:s14] =	ssyncadd.s32 $0xFFFFF800  }
0x45: {  	_ =	swait.ge [sflag:s14], $0x800  }
0x46: {  	[sflag:s14] =	ssyncset.done $0x0  }
0x47: {  	[sflag:s14] =	ssyncadd.s32 $0xFFFFF800  }
0x48: {  	_ =	swait.ge [sflag:s14], $0x800  }
0x49: {  	[sflag:s14] =	ssyncset.done $0x0  }
0x4a: {  	[sflag:s14] =	ssyncadd.s32 $0xFFFFF800  }
0x4b: {  	_ =	swait.ge [sflag:s14], $0x800  }
0x4c: {  	[sflag:s14] =	ssyncset.done $0x0  }
0x4d: {  	[sflag:s14] =	ssyncadd.s32 $0xFFFFF800  }
0x4e: {  	_ =	swait.ge [sflag:s14], $0x800  }
0x4f: {  	[sflag:s14] =	ssyncset.done $0x0  }
0x50: {  	[sflag:s14] =	ssyncadd.s32 $0xFFFFF800  }
0x51: {  	_ =	swait.ge [sflag:s14], $0x800  }
0x52: {  	[sflag:s14] =	ssyncset.done $0x0  }
0x53: {  	[sflag:s14] =	ssyncadd.s32 $0xFFFFF800  }
0x54: {  	_ =	swait.ge [sflag:s14], $0x800  }
0x55: {  	[sflag:s14] =	ssyncset.done $0x0  }
0x56: {  	[sflag:s14] =	ssyncadd.s32 $0xFFFFF800  }
0x57: {  	_ =	swait.ge [sflag:s14], $0x800  }
0x58: {  	[sflag:s14] =	ssyncset.done $0x0  }
0x59: {  	[sflag:s14] =	ssyncadd.s32 $0xFFFFF800  }
0x5a: {  	_ =	swait.ge [sflag:s14], $0x800  }
0x5b: {  	[sflag:s14] =	ssyncset.done $0x0  }
0x5c: {  	[sflag:s14] =	ssyncadd.s32 $0xFFFFF800  }
0x5d: {  	_ =	swait.ge [sflag:s14], $0x800  }
0x5e: {  	[sflag:s14] =	ssyncset.done $0x0  }
0x5f: {  	[sflag:s14] =	ssyncadd.s32 $0xFFFFF800  }
0x60: {  	_ =	swait.ge [sflag:s14], $0x800  }
0x61: {  	[sflag:s14] =	ssyncset.done $0x0  }
0x62: {  	[sflag:s14] =	ssyncadd.s32 $0xFFFFF800  }
0x63: {  	_ =	swait.ge [sflag:s14], $0x800  }
0x64: {  	[sflag:s14] =	ssyncset.done $0x0  }
0x65: {  	[sflag:s14] =	ssyncadd.s32 $0xFFFFF800  }
0x66: {  	_ =	swait.ge [sflag:s14], $0x800  }
0x67: {  	[sflag:s14] =	ssyncset.done $0x0  }
0x68: {  	[sflag:s14] =	ssyncadd.s32 $0xFFFFF800  }
0x69: {  	_ =	swait.ge [sflag:s14], $0x800  }
0x6a: {  	s16 =	simm.s32 $0x2000;
	s19 =	simm.s32 $0x4000;
	[sflag:s14] =	ssyncset.done $0x0  }
.LBB2_2:
0x6b: {  	s18 =	sshra.s32 s16, $0x2  }
0x6c: {  	[sflag:s14] =	ssyncadd.s32 $0xFFFFF800;
	s16 =	smov.u32 s19;
	s17 =	sadd.s32 $0x2000, s19  }
0x6d: {  	[spmem:s3] =	stream.indirect.scatter.add.f32 [tilespmem:s12], [sflag:$0x1], $0x10, s18, s13, $0xb8;
	[tilespmem:$0x9000] =	vst v63  }
0x6e: {  	p0 =	sne.s32 s19, $0x8000;
	s19 =	sadd.s32 $0x80, s18  }
0x6f: {  	[spmem:s3] =	stream.indirect.scatter.add.f32 [tilespmem:s12], [sflag:$0x1], $0x10, s19, s13, $0xb8;
	[tilespmem:$0x9000] =	vst v63  }
0x70: {  	s19 =	sadd.s32 $0x100, s18  }
0x71: {  	[spmem:s3] =	stream.indirect.scatter.add.f32 [tilespmem:s12], [sflag:$0x1], $0x10, s19, s13, $0xb8;
	[tilespmem:$0x9000] =	vst v63  }
0x72: {  	s19 =	sadd.s32 $0x180, s18  }
0x73: {  	[spmem:s3] =	stream.indirect.scatter.add.f32 [tilespmem:s12], [sflag:$0x1], $0x10, s19, s13, $0xb8;
	[tilespmem:$0x9000] =	vst v63  }
0x74: {  	s19 =	sadd.s32 $0x200, s18  }
0x75: {  	[spmem:s3] =	stream.indirect.scatter.add.f32 [tilespmem:s12], [sflag:$0x1], $0x10, s19, s13, $0xb8;
	[tilespmem:$0x9000] =	vst v63  }
0x76: {  	s19 =	sadd.s32 $0x280, s18  }
0x77: {  	[spmem:s3] =	stream.indirect.scatter.add.f32 [tilespmem:s12], [sflag:$0x1], $0x10, s19, s13, $0xb8;
	[tilespmem:$0x9000] =	vst v63  }
0x78: {  	s19 =	sadd.s32 $0x300, s18  }
0x79: {  	[spmem:s3] =	stream.indirect.scatter.add.f32 [tilespmem:s12], [sflag:$0x1], $0x10, s19, s13, $0xb8;
	[tilespmem:$0x9000] =	vst v63  }
0x7a: {  	s19 =	sadd.s32 $0x380, s18  }
0x7b: {  	[spmem:s3] =	stream.indirect.scatter.add.f32 [tilespmem:s12], [sflag:$0x1], $0x10, s19, s13, $0xb8;
	[tilespmem:$0x9000] =	vst v63  }
0x7c: {  	s19 =	sadd.s32 $0x400, s18  }
0x7d: {  	[spmem:s3] =	stream.indirect.scatter.add.f32 [tilespmem:s12], [sflag:$0x1], $0x10, s19, s13, $0xb8;
	[tilespmem:$0x9000] =	vst v63  }
0x7e: {  	s19 =	sadd.s32 $0x480, s18  }
0x7f: {  	[spmem:s3] =	stream.indirect.scatter.add.f32 [tilespmem:s12], [sflag:$0x1], $0x10, s19, s13, $0xb8;
	[tilespmem:$0x9000] =	vst v63  }
0x80: {  	s19 =	sadd.s32 $0x500, s18  }
0x81: {  	[spmem:s3] =	stream.indirect.scatter.add.f32 [tilespmem:s12], [sflag:$0x1], $0x10, s19, s13, $0xb8;
	[tilespmem:$0x9000] =	vst v63  }
0x82: {  	s19 =	sadd.s32 $0x580, s18  }
0x83: {  	[spmem:s3] =	stream.indirect.scatter.add.f32 [tilespmem:s12], [sflag:$0x1], $0x10, s19, s13, $0xb8;
	[tilespmem:$0x9000] =	vst v63  }
0x84: {  	s19 =	sadd.s32 $0x600, s18  }
0x85: {  	[spmem:s3] =	stream.indirect.scatter.add.f32 [tilespmem:s12], [sflag:$0x1], $0x10, s19, s13, $0xb8;
	[tilespmem:$0x9000] =	vst v63  }
0x86: {  	s19 =	sadd.s32 $0x680, s18  }
0x87: {  	[spmem:s3] =	stream.indirect.scatter.add.f32 [tilespmem:s12], [sflag:$0x1], $0x10, s19, s13, $0xb8;
	[tilespmem:$0x9000] =	vst v63  }
0x88: {  	s19 =	sadd.s32 $0x700, s18  }
0x89: {  	[spmem:s3] =	stream.indirect.scatter.add.f32 [tilespmem:s12], [sflag:$0x1], $0x10, s19, s13, $0xb8;
	[tilespmem:$0x9000] =	vst v63  }
0x8a: {  	s18 =	sadd.s32 $0x780, s18  }
0x8b: {  	[spmem:s3] =	stream.indirect.scatter.add.f32 [tilespmem:s12], [sflag:$0x1], $0x10, s18, s13, $0xb8;
	[tilespmem:$0x9000] =	vst v63  }
0x8c: {  	_ =	swait.ge [sflag:s14], $0x800  }
0x8d: {  	[sflag:s14] =	ssyncset.done $0x0  }
0x8e: {  	[sflag:s14] =	ssyncadd.s32 $0xFFFFF800  }
0x8f: {  	_ =	swait.ge [sflag:s14], $0x800  }
0x90: {  	[sflag:s14] =	ssyncset.done $0x0  }
0x91: {  	[sflag:s14] =	ssyncadd.s32 $0xFFFFF800  }
0x92: {  	_ =	swait.ge [sflag:s14], $0x800  }
0x93: {  	[sflag:s14] =	ssyncset.done $0x0  }
0x94: {  	[sflag:s14] =	ssyncadd.s32 $0xFFFFF800  }
0x95: {  	_ =	swait.ge [sflag:s14], $0x800  }
0x96: {  	[sflag:s14] =	ssyncset.done $0x0  }
0x97: {  	[sflag:s14] =	ssyncadd.s32 $0xFFFFF800  }
0x98: {  	_ =	swait.ge [sflag:s14], $0x800  }
0x99: {  	[sflag:s14] =	ssyncset.done $0x0  }
0x9a: {  	[sflag:s14] =	ssyncadd.s32 $0xFFFFF800  }
0x9b: {  	_ =	swait.ge [sflag:s14], $0x800  }
0x9c: {  	[sflag:s14] =	ssyncset.done $0x0  }
0x9d: {  	[sflag:s14] =	ssyncadd.s32 $0xFFFFF800  }
0x9e: {  	_ =	swait.ge [sflag:s14], $0x800  }
0x9f: {  	[sflag:s14] =	ssyncset.done $0x0  }
0xa0: {  	[sflag:s14] =	ssyncadd.s32 $0xFFFFF800  }
0xa1: {  	_ =	swait.ge [sflag:s14], $0x800  }
0xa2: {  	[sflag:s14] =	ssyncset.done $0x0  }
0xa3: {  	[sflag:s14] =	ssyncadd.s32 $0xFFFFF800  }
0xa4: {  	_ =	swait.ge [sflag:s14], $0x800  }
0xa5: {  	[sflag:s14] =	ssyncset.done $0x0  }
0xa6: {  	[sflag:s14] =	ssyncadd.s32 $0xFFFFF800  }
0xa7: {  	_ =	swait.ge [sflag:s14], $0x800  }
0xa8: {  	[sflag:s14] =	ssyncset.done $0x0  }
0xa9: {  	[sflag:s14] =	ssyncadd.s32 $0xFFFFF800  }
0xaa: {  	_ =	swait.ge [sflag:s14], $0x800  }
0xab: {  	[sflag:s14] =	ssyncset.done $0x0  }
0xac: {  	[sflag:s14] =	ssyncadd.s32 $0xFFFFF800  }
0xad: {  	_ =	swait.ge [sflag:s14], $0x800  }
0xae: {  	[sflag:s14] =	ssyncset.done $0x0  }
0xaf: {  	[sflag:s14] =	ssyncadd.s32 $0xFFFFF800  }
0xb0: {  	_ =	swait.ge [sflag:s14], $0x800  }
0xb1: {  	[sflag:s14] =	ssyncset.done $0x0  }
0xb2: {  	[sflag:s14] =	ssyncadd.s32 $0xFFFFF800  }
0xb3: {  	_ =	swait.ge [sflag:s14], $0x800  }
0xb4: {  	[sflag:s14] =	ssyncset.done $0x0  }
0xb5: {  	[sflag:s14] =	ssyncadd.s32 $0xFFFFF800  }
.Ltmp0:
0xb6: {  	_ =	swait.ge [sflag:s14], $0x800;
	(pc) =	sbr.rel @p0 .LBB2_2-.Ltmp0, $4  }
0xb7: {  	[sflag:s14] =	ssyncset.done $0x0  }
0xb8: {  	[sflag:s14] =	ssyncadd.s32 $0xFFFFF800  }
0xb9: {  	_ =	swait.ge [sflag:s14], $0x800  }
0xba: {  	s19 =	smov.u32 s17;
	[sflag:s14] =	ssyncset.done $0x0  }
0xbb: {  	s16 =	sshra.s32 s16, $0x2;
	[sflag:s14] =	ssyncadd.s32 $0xFFFFF800  }
0xbc: {  	[spmem:s3] =	stream.indirect.scatter.add.f32 [tilespmem:s12], [sflag:$0x1], $0x10, s16, s13, $0xb8;
	[tilespmem:$0x9000] =	vst v63  }
0xbd: {  	s17 =	sadd.s32 $0x80, s16  }
0xbe: {  	[spmem:s3] =	stream.indirect.scatter.add.f32 [tilespmem:s12], [sflag:$0x1], $0x10, s17, s13, $0xb8;
	[tilespmem:$0x9000] =	vst v63  }
0xbf: {  	s18 =	sadd.s32 $0x100, s16  }
0xc0: {  	[spmem:s3] =	stream.indirect.scatter.add.f32 [tilespmem:s12], [sflag:$0x1], $0x10, s18, s13, $0xb8;
	[tilespmem:$0x9000] =	vst v63  }
0xc1: {  	s19 =	sadd.s32 $0x180, s16  }
0xc2: {  	[spmem:s3] =	stream.indirect.scatter.add.f32 [tilespmem:s12], [sflag:$0x1], $0x10, s19, s13, $0xb8;
	[tilespmem:$0x9000] =	vst v63  }
0xc3: {  	s20 =	sadd.s32 $0x200, s16  }
0xc4: {  	[spmem:s3] =	stream.indirect.scatter.add.f32 [tilespmem:s12], [sflag:$0x1], $0x10, s20, s13, $0xb8;
	[tilespmem:$0x9000] =	vst v63  }
0xc5: {  	s21 =	sadd.s32 $0x280, s16  }
0xc6: {  	[spmem:s3] =	stream.indirect.scatter.add.f32 [tilespmem:s12], [sflag:$0x1], $0x10, s21, s13, $0xb8;
	[tilespmem:$0x9000] =	vst v63  }
0xc7: {  	s22 =	sadd.s32 $0x300, s16  }
0xc8: {  	[spmem:s3] =	stream.indirect.scatter.add.f32 [tilespmem:s12], [sflag:$0x1], $0x10, s22, s13, $0xb8;
	[tilespmem:$0x9000] =	vst v63  }
0xc9: {  	s23 =	sadd.s32 $0x380, s16  }
0xca: {  	[spmem:s3] =	stream.indirect.scatter.add.f32 [tilespmem:s12], [sflag:$0x1], $0x10, s23, s13, $0xb8;
	[tilespmem:$0x9000] =	vst v63  }
0xcb: {  	s24 =	sadd.s32 $0x400, s16  }
0xcc: {  	[spmem:s3] =	stream.indirect.scatter.add.f32 [tilespmem:s12], [sflag:$0x1], $0x10, s24, s13, $0xb8;
	[tilespmem:$0x9000] =	vst v63  }
0xcd: {  	s25 =	sadd.s32 $0x480, s16  }
0xce: {  	[spmem:s3] =	stream.indirect.scatter.add.f32 [tilespmem:s12], [sflag:$0x1], $0x10, s25, s13, $0xb8;
	[tilespmem:$0x9000] =	vst v63  }
0xcf: {  	s26 =	sadd.s32 $0x500, s16  }
0xd0: {  	[spmem:s3] =	stream.indirect.scatter.add.f32 [tilespmem:s12], [sflag:$0x1], $0x10, s26, s13, $0xb8;
	[tilespmem:$0x9000] =	vst v63  }
0xd1: {  	s28 =	sadd.s32 $0x580, s16  }
0xd2: {  	[spmem:s3] =	stream.indirect.scatter.add.f32 [tilespmem:s12], [sflag:$0x1], $0x10, s28, s13, $0xb8;
	[tilespmem:$0x9000] =	vst v63  }
0xd3: {  	s29 =	sadd.s32 $0x600, s16  }
0xd4: {  	[spmem:s3] =	stream.indirect.scatter.add.f32 [tilespmem:s12], [sflag:$0x1], $0x10, s29, s13, $0xb8;
	[tilespmem:$0x9000] =	vst v63  }
0xd5: {  	s30 =	sadd.s32 $0x680, s16  }
0xd6: {  	[spmem:s3] =	stream.indirect.scatter.add.f32 [tilespmem:s12], [sflag:$0x1], $0x10, s30, s13, $0xb8;
	[tilespmem:$0x9000] =	vst v63  }
0xd7: {  	s31 =	sadd.s32 $0x700, s16  }
0xd8: {  	[spmem:s3] =	stream.indirect.scatter.add.f32 [tilespmem:s12], [sflag:$0x1], $0x10, s31, s13, $0xb8;
	[tilespmem:$0x9000] =	vst v63  }
0xd9: {  	s16 =	sadd.s32 $0x780, s16  }
0xda: {  	[spmem:s3] =	stream.indirect.scatter.add.f32 [tilespmem:s12], [sflag:$0x1], $0x10, s16, s13, $0xb8;
	[tilespmem:$0x9000] =	vst v63  }
0xdb: {  	_ =	swait.ge [sflag:s14], $0x800  }
0xdc: {  	[sflag:s14] =	ssyncset.done $0x0  }
0xdd: {  	[sflag:s14] =	ssyncadd.s32 $0xFFFFF800  }
0xde: {  	_ =	swait.ge [sflag:s14], $0x800  }
0xdf: {  	[sflag:s14] =	ssyncset.done $0x0  }
0xe0: {  	[sflag:s14] =	ssyncadd.s32 $0xFFFFF800  }
0xe1: {  	_ =	swait.ge [sflag:s14], $0x800  }
0xe2: {  	[sflag:s14] =	ssyncset.done $0x0  }
0xe3: {  	[sflag:s14] =	ssyncadd.s32 $0xFFFFF800  }
0xe4: {  	_ =	swait.ge [sflag:s14], $0x800  }
0xe5: {  	[sflag:s14] =	ssyncset.done $0x0  }
0xe6: {  	[sflag:s14] =	ssyncadd.s32 $0xFFFFF800  }
0xe7: {  	_ =	swait.ge [sflag:s14], $0x800  }
0xe8: {  	[sflag:s14] =	ssyncset.done $0x0  }
0xe9: {  	[sflag:s14] =	ssyncadd.s32 $0xFFFFF800  }
0xea: {  	_ =	swait.ge [sflag:s14], $0x800  }
0xeb: {  	[sflag:s14] =	ssyncset.done $0x0  }
0xec: {  	[sflag:s14] =	ssyncadd.s32 $0xFFFFF800  }
0xed: {  	_ =	swait.ge [sflag:s14], $0x800  }
0xee: {  	[sflag:s14] =	ssyncset.done $0x0  }
0xef: {  	[sflag:s14] =	ssyncadd.s32 $0xFFFFF800  }
0xf0: {  	_ =	swait.ge [sflag:s14], $0x800  }
0xf1: {  	[sflag:s14] =	ssyncset.done $0x0  }
0xf2: {  	[sflag:s14] =	ssyncadd.s32 $0xFFFFF800  }
0xf3: {  	_ =	swait.ge [sflag:s14], $0x800  }
0xf4: {  	[sflag:s14] =	ssyncset.done $0x0  }
0xf5: {  	[sflag:s14] =	ssyncadd.s32 $0xFFFFF800  }
0xf6: {  	_ =	swait.ge [sflag:s14], $0x800  }
0xf7: {  	[sflag:s14] =	ssyncset.done $0x0  }
0xf8: {  	[sflag:s14] =	ssyncadd.s32 $0xFFFFF800  }
0xf9: {  	_ =	swait.ge [sflag:s14], $0x800  }
0xfa: {  	[sflag:s14] =	ssyncset.done $0x0  }
0xfb: {  	[sflag:s14] =	ssyncadd.s32 $0xFFFFF800  }
0xfc: {  	_ =	swait.ge [sflag:s14], $0x800  }
0xfd: {  	[sflag:s14] =	ssyncset.done $0x0  }
0xfe: {  	[sflag:s14] =	ssyncadd.s32 $0xFFFFF800  }
0xff: {  	_ =	swait.ge [sflag:s14], $0x800  }
0x100: {  	[sflag:s14] =	ssyncset.done $0x0  }
0x101: {  	[sflag:s14] =	ssyncadd.s32 $0xFFFFF800  }
0x102: {  	_ =	swait.ge [sflag:s14], $0x800  }
0x103: {  	[sflag:s14] =	ssyncset.done $0x0  }
0x104: {  	[sflag:s14] =	ssyncadd.s32 $0xFFFFF800  }
0x105: {  	_ =	swait.ge [sflag:s14], $0x800  }
0x106: {  	[sflag:s14] =	ssyncset.done $0x0  }
0x107: {  	[sflag:s14] =	ssyncadd.s32 $0xFFFFF800  }
0x108: {  	_ =	swait.ge [sflag:s14], $0x800  }
0x109: {  	s15 =	sadd.s32 $0x1, s15;
	[sflag:s14] =	ssyncset.done $0x0  }
0x10a: {  	p0 =	sne.s32 s15, s9;
	[sflag:s14] =	ssyncadd.s32 $0xFFFFF800  }
.Ltmp1:
0x10b: {  	[bflag:$0x0] =	sbarrier.arrive $0xFFFF;
	(pc) =	sbr.rel @p0 .LBB2_1-.Ltmp1, $4  }
0x10c: {  	[hbm:s8], [sflag:s6] =	dma.local [spmem:s10], $0x2800  }
0x10d: {  	_ =	swait.ge [sflag:s11], $0x2800  }
0x10e: {  	[sflag:s11] =	ssyncset.done $0x0  }
0x10f: {  	[sflag:s11] =	ssyncadd.s32 $0xFFFFD800  }
0x110: {  	_ =	sfence.sel $0x180000  }
0x111: {  	[bflag:$0x0] =	sbarrier.arrive $0xFFFF  }
0x112: {  	p0 =	sne.s32 s0, $0x0;
	_ =	strace $0x90000047  }
0x113: {  	s0 =	sadd.s32 @!p0 $0x100000, s2;
	[bflag:$0x2] =	sbarrier.arrive $0xFFFF  }
0x114: {  	[sflag:s0] =	ssyncadd.tile.s32 @!p0 $0x1;
	_ =	shalt  }
.Lfunc_end2:
_tile_overlayer_lowered:
.L_overlay_start_2:
0x115: {  	(tag) =	ssettag $0x2  }
0x116: {  	s0 =	rddreg [dreg:$0x0];
	s2 =	stileid.u32  }
0x117: {  	s1 =	rddreg [dreg:$0x1];
	p0 =	sne.s32 s2, $0x0  }
0x118: {  	s3 =	rddreg [dreg:$0x2];
	[bflag:$0x3] =	sbarrier.arrive $0xFFFF;
	s2 =	simm.s32 @!p0 $0x1C02  }
0x119: {  	[timem:s3], [sflag:s2] =	dma.local @!p0 [hbm:s0], s1  }
0x11a: {  	s0 =	simm.s32 @!p0 $0x2  }
0x11b: {  	_ =	swait.ge @!p0 [sflag:s0], s1  }
0x11c: {  	s1 =	ssub.s32 @!p0 $0x0, s1;
	[sflag:s0] =	ssyncset.done @!p0 $0x0  }
0x11d: {  	[sflag:s0] =	ssyncadd.s32 @!p0 s1  }
0x11e: {  	[bflag:$0x3] =	sbarrier.arrive $0xFFFF  }
0x11f: {  	_ =	shalt  }

</sc_bundles>
